<compile_context>
chip_gen: v7x
topology: tpu7x:2x2x1
jax: 0.10.2.dev20260603
libtpu: 0.0.44.dev20260713+nightly
codegen_flags: <defaults>
</compile_context>

<pallas_src>
import jax
import jax.numpy as jnp
from jax import lax
from jax.experimental import pallas as pl
from jax.experimental.pallas import tpu as pltpu
from jax.experimental.pallas import tpu_sc as plsc

N = 10000
D = 128
E = 320000
NC, NS = 2, 16
NW = NC * NS
EPT = E // NW
CH = 80
NCH = EPT // CH
PAD = 10240
STRIPE = PAD // NS
BLK = 1000
GRID = N // BLK


_MESH = plsc.VectorSubcoreMesh(core_axis_name="c", subcore_axis_name="s",
                               num_cores=NC, num_subcores=NS)

NBUF = 5


def _make_ring_agg(width, gather):
    vec = (D,) if width == D else ()
    scratch = [pltpu.VMEM((NCH, CH), jnp.int32)]
    if gather:
        scratch.insert(0, pltpu.VMEM((EPT,), jnp.int32))
        scratch.append(pltpu.VMEM((PAD,), jnp.float32))
    nrows = NBUF if gather else 1
    scratch += [pltpu.VMEM((CH,) + vec, jnp.float32) for _ in range(nrows)]
    scratch.append(pltpu.VMEM_SHARED((PAD,) + vec, jnp.float32))
    nsem = NBUF if gather else 1
    scratch += [pltpu.SemaphoreType.DMA for _ in range(nsem)]

    def body(*refs):
        if gather:
            (src_hbm, dst_hbm, table_hbm, zeros_hbm, out_hbm, sidx, didx,
             table_vm, *rest) = refs
            rows = rest[:NBUF]
            acc = rest[NBUF]
            ssem = rest[NBUF + 1:]
        else:
            (dst_hbm, zeros_hbm, out_hbm, didx, rows1, acc, ssem1) = refs
        c = lax.axis_index("c")
        s = lax.axis_index("s")
        wid = c * NS + s
        pltpu.sync_copy(zeros_hbm.at[pl.ds(s * STRIPE, STRIPE)],
                        acc.at[pl.ds(s * STRIPE, STRIPE)])
        pltpu.sync_copy(dst_hbm.at[wid], didx)

        if gather:
            pltpu.sync_copy(src_hbm.at[pl.ds(wid * EPT, EPT)], sidx)
            pltpu.sync_copy(table_hbm, table_vm)
            plsc.subcore_barrier()

            def ring(r, carry):
                for b in range(NBUF):
                    j = r * NBUF + b

                    @pl.when(r > 0)
                    def _():
                        pltpu.make_async_copy(rows[b], acc.at[didx.at[0]],
                                              ssem[b]).wait()
                    for k in range(CH // 16):
                        iv = sidx[pl.ds(j * CH + k * 16, 16)]
                        vals = plsc.load_gather(table_vm, [iv])
                        rows[b][pl.ds(k * 16, 16)] = vals
                    pltpu.async_copy(rows[b], acc.at[didx.at[j]],
                                     ssem[b], add=True)
                return carry

            lax.fori_loop(0, NCH // NBUF, ring, 0)
            for b in range(NBUF):
                pltpu.make_async_copy(rows[b], acc.at[didx.at[0]],
                                      ssem[b]).wait()
        else:
            for i in range(CH // 16):
                rows1[pl.ds(i * 16, 16)] = jnp.ones((16,), jnp.float32)
            plsc.subcore_barrier()

            def fire(j, carry):
                pltpu.async_copy(rows1, acc.at[didx.at[j]], ssem1,
                                 add=True)

                @pl.when(j >= NBUF)
                def _():
                    pltpu.make_async_copy(rows1, acc.at[didx.at[0]],
                                          ssem1).wait()
                return carry

            lax.fori_loop(0, NCH, fire, 0)
            for _ in range(NBUF):
                pltpu.make_async_copy(rows1, acc.at[didx.at[0]],
                                      ssem1).wait()
        plsc.subcore_barrier()
        pltpu.sync_copy(acc.at[pl.ds(s * STRIPE, STRIPE)],
                        out_hbm.at[c, pl.ds(s * STRIPE, STRIPE)])

    return pl.kernel(
        body,
        out_type=jax.ShapeDtypeStruct((NC, PAD) + vec, jnp.float32),
        mesh=_MESH,
        scratch_types=scratch,
        compiler_params=pltpu.CompilerParams(needs_layout_passes=False),
    )


_deg_count = _make_ring_agg(1, gather=False)
_agg_scalar = _make_ring_agg(1, gather=True)

CH2 = 80
NCH2 = EPT // CH2
NB2 = 3
NTAIL = NCH2 - (NCH2 // (2 * NB2)) * 2 * NB2


def _rows_agg_body(idx2_hbm, table_hbm, zeros_hbm, out_hbm, *rest):
    idxA = rest[:NB2]
    idxB = rest[NB2:2 * NB2]
    rows = rest[2 * NB2:3 * NB2]
    acc = rest[3 * NB2]
    r0 = 3 * NB2 + 1
    isemA = rest[r0:r0 + NB2]
    isemB = rest[r0 + NB2:r0 + 2 * NB2]
    gsem = rest[r0 + 2 * NB2:r0 + 3 * NB2]
    ssem = rest[r0 + 3 * NB2:]
    c = lax.axis_index("c")
    s = lax.axis_index("s")
    wid = c * NS + s
    for b in range(NB2):
        pltpu.async_copy(idx2_hbm.at[wid, b], idxA[b], isemA[b])
        pltpu.async_copy(idx2_hbm.at[wid, NB2 + b], idxB[b], isemB[b])
    pltpu.sync_copy(zeros_hbm.at[pl.ds(s * STRIPE, STRIPE)],
                    acc.at[pl.ds(s * STRIPE, STRIPE)])
    for b in range(NB2):
        pltpu.make_async_copy(idx2_hbm.at[wid, 0], idxA[b],
                              isemA[b]).wait()
        pltpu.async_copy(table_hbm.at[idxA[b].at[0]], rows[b], gsem[b])
    plsc.subcore_barrier()

    def ring(i, carry):
        base = i * 2 * NB2
        for b in range(NB2):
            pltpu.make_async_copy(table_hbm.at[idxA[b].at[0]], rows[b],
                                  gsem[b]).wait()
            pltpu.async_copy(rows[b], acc.at[idxA[b].at[1]], ssem[b],
                             add=True)
        for b in range(NB2):
            pltpu.make_async_copy(idx2_hbm.at[wid, 0], idxB[b],
                                  isemB[b]).wait()
            pltpu.make_async_copy(rows[b], acc.at[idxA[b].at[1]],
                                  ssem[b]).wait()
            pltpu.async_copy(table_hbm.at[idxB[b].at[0]], rows[b],
                             gsem[b])
            jf = base + 2 * NB2 + b

            @pl.when(jf < NCH2)
            def _():
                pltpu.async_copy(idx2_hbm.at[wid, jf], idxA[b], isemA[b])
        for b in range(NB2):
            pltpu.make_async_copy(table_hbm.at[idxB[b].at[0]], rows[b],
                                  gsem[b]).wait()
            pltpu.async_copy(rows[b], acc.at[idxB[b].at[1]], ssem[b],
                             add=True)
        for b in range(NB2):
            jn = base + 2 * NB2 + b

            @pl.when(jn < NCH2)
            def _():
                pltpu.make_async_copy(idx2_hbm.at[wid, 0], idxA[b],
                                      isemA[b]).wait()
                pltpu.make_async_copy(rows[b], acc.at[idxB[b].at[1]],
                                      ssem[b]).wait()
                pltpu.async_copy(table_hbm.at[idxA[b].at[0]], rows[b],
                                 gsem[b])
                jf = base + 3 * NB2 + b

                @pl.when(jf < NCH2)
                def _():
                    pltpu.async_copy(idx2_hbm.at[wid, jf], idxB[b],
                                     isemB[b])
        return carry

    lax.fori_loop(0, NCH2 // (2 * NB2), ring, 0)
    for b in range(NB2):
        pltpu.make_async_copy(table_hbm.at[idxA[b].at[0]], rows[b],
                              gsem[b]).wait()
        pltpu.async_copy(rows[b], acc.at[idxA[b].at[1]], ssem[b],
                         add=True)
    for b in range(NTAIL - NB2):
        pltpu.make_async_copy(idx2_hbm.at[wid, 0], idxB[b],
                              isemB[b]).wait()
        pltpu.make_async_copy(rows[b], acc.at[idxA[b].at[1]],
                              ssem[b]).wait()
        pltpu.async_copy(table_hbm.at[idxB[b].at[0]], rows[b], gsem[b])
    for b in range(NTAIL - NB2):
        pltpu.make_async_copy(table_hbm.at[idxB[b].at[0]], rows[b],
                              gsem[b]).wait()
        pltpu.async_copy(rows[b], acc.at[idxB[b].at[1]], ssem[b],
                         add=True)
    for b in range(NTAIL - NB2):
        pltpu.make_async_copy(rows[b], acc.at[idxB[b].at[1]],
                              ssem[b]).wait()
    for b in range(NTAIL - NB2, NB2):
        pltpu.make_async_copy(rows[b], acc.at[idxA[b].at[1]],
                              ssem[b]).wait()
    plsc.subcore_barrier()
    pltpu.sync_copy(acc.at[pl.ds(s * STRIPE, STRIPE)],
                    out_hbm.at[c, pl.ds(s * STRIPE, STRIPE)])


_agg_rows = pl.kernel(
    _rows_agg_body,
    out_type=jax.ShapeDtypeStruct((NC, PAD, D), jnp.float32),
    mesh=_MESH,
    scratch_types=(
        [pltpu.VMEM((2, CH2), jnp.int32) for _ in range(2 * NB2)]
        + [pltpu.VMEM((CH2, D), jnp.float32) for _ in range(NB2)]
        + [pltpu.VMEM_SHARED((PAD, D), jnp.float32)]
        + [pltpu.SemaphoreType.DMA for _ in range(4 * NB2)]
    ),
)


def _tc_pre(x_ref, w1_ref, cnt_ref, xw_ref, xws_ref):
    xw = jnp.dot(x_ref[...], w1_ref[...], preferred_element_type=jnp.float32)
    cnt = cnt_ref[0, 0, 0, :] + cnt_ref[1, 0, 0, :]
    dinv = lax.rsqrt(cnt + 1.0)
    xw_ref[...] = xw
    xws_ref[...] = xw * dinv[:, None]


def _tc_mid(p_ref, xw_ref, cnt_ref, b1_ref, w2_ref, wlin_ref, z_ref, zs_ref):
    agg = p_ref[0] + p_ref[1]
    cnt = cnt_ref[0, 0, 0, :] + cnt_ref[1, 0, 0, :]
    deg = cnt + 1.0
    dinv = lax.rsqrt(deg)
    h1 = agg * dinv[:, None] + xw_ref[...] * (1.0 / deg)[:, None] + b1_ref[...]
    h1 = jnp.maximum(h1, 0.0)
    w2l = jnp.dot(w2_ref[...], wlin_ref[...], preferred_element_type=jnp.float32)
    z = jnp.dot(h1, w2l, preferred_element_type=jnp.float32)
    z_ref[...] = z
    zs_ref[...] = z * dinv[:, None]


def _tc_post(az_ref, z_ref, cnt_ref, b2_ref, wlin_ref, blin_ref, out_ref):
    az = az_ref[0, 0, 0, :] + az_ref[1, 0, 0, :]
    cnt = cnt_ref[0, 0, 0, :] + cnt_ref[1, 0, 0, :]
    deg = cnt + 1.0
    dinv = lax.rsqrt(deg)
    c0 = jnp.sum(b2_ref[...] * wlin_ref[..., 0]) + blin_ref[0]
    pre = az * dinv + z_ref[..., 0] * (1.0 / deg) + c0
    out_ref[...] = jax.nn.sigmoid(pre)[:, None]


def kernel(x, edge_index, W1, b1, W2, b2, Wlin, blin):
    ei = edge_index.astype(jnp.int32)
    src_r = ei[0].reshape(NW, NCH, CH)
    dst_r = ei[1].reshape(NW, NCH, CH)
    idx2 = jnp.stack([ei[0].reshape(NW, NCH2, CH2),
                      ei[1].reshape(NW, NCH2, CH2)], axis=2)
    zeros1 = jnp.zeros((PAD,), jnp.float32)
    zerosD = jnp.zeros((PAD, D), jnp.float32)

    cnt = _deg_count(dst_r, zeros1)
    cnt_r = cnt[:, :N].reshape(NC, GRID, 1, BLK)
    cnt_spec = pl.BlockSpec((NC, 1, 1, BLK), lambda i: (0, i, 0, 0))

    xw, xws = pl.pallas_call(
        _tc_pre,
        grid=(GRID,),
        in_specs=[
            pl.BlockSpec((BLK, D), lambda i: (i, 0)),
            pl.BlockSpec((D, D), lambda i: (0, 0)),
            cnt_spec,
        ],
        out_specs=[
            pl.BlockSpec((BLK, D), lambda i: (i, 0)),
            pl.BlockSpec((BLK, D), lambda i: (i, 0)),
        ],
        out_shape=[
            jax.ShapeDtypeStruct((N, D), jnp.float32),
            jax.ShapeDtypeStruct((N, D), jnp.float32),
        ],
    )(x, W1, cnt_r)

    p = _agg_rows(idx2, xws, zerosD)

    z, zs = pl.pallas_call(
        _tc_mid,
        grid=(GRID,),
        in_specs=[
            pl.BlockSpec((NC, BLK, D), lambda i: (0, i, 0)),
            pl.BlockSpec((BLK, D), lambda i: (i, 0)),
            cnt_spec,
            pl.BlockSpec((D,), lambda i: (0,)),
            pl.BlockSpec((D, D), lambda i: (0, 0)),
            pl.BlockSpec((D, 1), lambda i: (0, 0)),
        ],
        out_specs=[
            pl.BlockSpec((BLK, 1), lambda i: (i, 0)),
            pl.BlockSpec((BLK, 1), lambda i: (i, 0)),
        ],
        out_shape=[
            jax.ShapeDtypeStruct((N, 1), jnp.float32),
            jax.ShapeDtypeStruct((N, 1), jnp.float32),
        ],
    )(p, xw, cnt_r, b1, W2, Wlin)

    zs_pad = jnp.concatenate([zs.reshape(N),
                              jnp.zeros((PAD - N,), jnp.float32)])
    az = _agg_scalar(ei[0], dst_r, zs_pad, zeros1)
    az_r = az[:, :N].reshape(NC, GRID, 1, BLK)

    out = pl.pallas_call(
        _tc_post,
        grid=(GRID,),
        in_specs=[
            cnt_spec,
            pl.BlockSpec((BLK, 1), lambda i: (i, 0)),
            cnt_spec,
            pl.BlockSpec((D,), lambda i: (0,)),
            pl.BlockSpec((D, 1), lambda i: (0, 0)),
            pl.BlockSpec((1,), lambda i: (0,)),
        ],
        out_specs=pl.BlockSpec((BLK, 1), lambda i: (i, 0)),
        out_shape=jax.ShapeDtypeStruct((N, 1), jnp.float32),
    )(az_r, z, cnt_r, b2, Wlin, blin)

    return out

# --- scband reference (transcript-rebuilt; emitter-appended) ---
"""Pipeline reference for scband-enhanced-gnn-6433861009953 (READ-ONLY COPY).

The authoritative reference and input builder live on the scoring server;
editing this copy changes nothing except your own understanding.
"""

import jax, jax.numpy as jnp
import numpy as np

N_NODES = 10000
D_IN = 128
D_HID = 128


def gcn_conv(x, edge_index, W, b, num_nodes):
    # x' = D^{-1/2} (A + I) D^{-1/2} (x W) + b  (PyG GCNConv semantics)
    x = x @ W
    src = edge_index[0]
    dst = edge_index[1]
    loop = jnp.arange(num_nodes, dtype=edge_index.dtype)
    src = jnp.concatenate([src, loop])
    dst = jnp.concatenate([dst, loop])
    ew = jnp.ones(src.shape[0], dtype=x.dtype)
    deg = jnp.zeros((num_nodes,), dtype=x.dtype).at[dst].add(ew)
    dinv = jnp.where(deg > 0, deg ** -0.5, 0.0)
    norm = dinv[src] * dinv[dst]
    msgs = x[src] * norm[:, None]
    out = jnp.zeros((num_nodes, x.shape[1]), dtype=x.dtype).at[dst].add(msgs)
    return out + b


def setup_inputs(seed: int = 0) -> dict:
    key = jax.random.key(seed)
    ks = jax.random.split(key, 8)
    x = jax.random.normal(ks[0], (N_NODES, D_IN), dtype=jnp.float32)
    edge_index = jax.random.randint(ks[1], (2, 320000), 0, N_NODES, dtype=jnp.int64)
    s1 = 1.0 / np.sqrt(D_IN)
    s2 = 1.0 / np.sqrt(D_HID)
    W1 = jax.random.uniform(ks[2], (D_IN, D_HID), jnp.float32, -s1, s1)
    b1 = jnp.zeros((D_HID,), jnp.float32)
    W2 = jax.random.uniform(ks[3], (D_HID, D_HID), jnp.float32, -s2, s2)
    b2 = jnp.zeros((D_HID,), jnp.float32)
    Wlin = jax.random.uniform(ks[4], (D_HID, 1), jnp.float32, -s2, s2)
    blin = jax.random.uniform(ks[5], (1,), jnp.float32, -s2, s2)
    return {"x": x, "edge_index": edge_index, "W1": W1, "b1": b1, "W2": W2, "b2": b2, "Wlin": Wlin, "blin": blin}


def reference(x, edge_index, W1, b1, W2, b2, Wlin, blin):
    h = jax.nn.relu(gcn_conv(x, edge_index, W1, b1, N_NODES))
    # dropout is identity in eval mode
    h = gcn_conv(h, edge_index, W2, b2, N_NODES)
    return jax.nn.sigmoid(h @ Wlin + blin)

if __name__ == "__main__":
    import jax
    _d = setup_inputs()
    print(jax.jit(kernel)(*tuple(_d.values())))

</pallas_src>

<mosaic_0001>
#map = affine_map<(d0, d1) -> (0, 0, 0)>
#map1 = affine_map<(d0, d1) -> (0)>
#map2 = affine_map<(d0, d1) -> (0, 0)>
module attributes {stable_mosaic.version = 14 : i64} {
  func.func @body(%arg0: i32, %arg1: i32, %arg2: memref<32x125x80xi32, #tpu.memory_space<hbm>>, %arg3: memref<10240xf32, #tpu.memory_space<hbm>>, %arg4: memref<2x10240xf32, #tpu.memory_space<hbm>>, %arg5: memref<125x80xi32, #tpu.memory_space<vmem>>, %arg6: memref<80xf32, #tpu.memory_space<vmem>>, %arg7: memref<10240xf32, #tpu.memory_space<vmem_shared>>, %arg8: memref<!tpu.dma_semaphore, #tpu.memory_space<semaphore_mem>>) attributes {dimension_semantics = [#tpu.dimension_semantics<core_parallel>, #tpu.dimension_semantics<subcore_parallel>], iteration_bounds = array<i64: 2, 16>, scalar_prefetch = 0 : i64, scratch_operands = 4 : i64, tpu.core_type = #tpu.core_type<sc_vector_subcore>, window_params = [{transform_indices = #map}, {transform_indices = #map1}, {transform_indices = #map2}]} {
    %mul3A = arith.constant 16 : i32
    %mul3A_0 = arith.muli %arg0, %mul3A : i32
    %add3A = arith.addi %mul3A_0, %arg1 : i32
    %mul3A_1 = arith.constant 640 : i32
    %mul3A_2 = arith.muli %arg1, %mul3A_1 : i32
    %mul3A_3 = arith.constant 640 : i32
    %mul3A_4 = arith.muli %arg1, %mul3A_3 : i32
    "tpu.region"() ({
      %run_scoped3A = tpu.sem_alloc : memref<!tpu.dma_semaphore, #tpu.memory_space<semaphore_mem>>
      %dma_start3A = tpu.memref_slice %arg7[%mul3A_4] : memref<10240xf32, #tpu.memory_space<vmem_shared>> -> memref<640xf32, #tpu.memory_space<vmem_shared>>
      %dma_start3A_62 = tpu.memref_slice %arg3[%mul3A_2] : memref<10240xf32, #tpu.memory_space<hbm>> -> memref<640xf32, #tpu.memory_space<hbm>>
      tpu.enqueue_dma source(%dma_start3A_62 : memref<640xf32, #tpu.memory_space<hbm>>) target(%dma_start3A : memref<640xf32, #tpu.memory_space<vmem_shared>>) target_semaphore(%run_scoped3A : memref<!tpu.dma_semaphore, #tpu.memory_space<semaphore_mem>>)
      %dma_wait3A_63 = tpu.memref_slice %arg7[%mul3A_4] : memref<10240xf32, #tpu.memory_space<vmem_shared>> -> memref<640xf32, #tpu.memory_space<vmem_shared>>
      %dma_wait3A_64 = tpu.memref_slice %arg3[%mul3A_2] : memref<10240xf32, #tpu.memory_space<hbm>> -> memref<640xf32, #tpu.memory_space<hbm>>
      tpu.wait_dma2 semaphore(%run_scoped3A : memref<!tpu.dma_semaphore, #tpu.memory_space<semaphore_mem>>) src(%dma_wait3A_64 : memref<640xf32, #tpu.memory_space<hbm>>) dst(%dma_wait3A_63 : memref<640xf32, #tpu.memory_space<vmem_shared>>)
      tpu.yield
    }) : () -> ()
    "tpu.region"() ({
      %run_scoped3A = tpu.sem_alloc : memref<!tpu.dma_semaphore, #tpu.memory_space<semaphore_mem>>
      %dma_start3A = arith.constant 0 : i32
      %dma_start3A_62 = arith.constant 0 : i32
      %dma_start3A_63 = tpu.memref_slice %arg2[%add3A, %dma_start3A, %dma_start3A_62] : memref<32x125x80xi32, #tpu.memory_space<hbm>> -> memref<1x125x80xi32, #tpu.memory_space<hbm>>
      %dma_start3A_64 = tpu.memref_squeeze %dma_start3A_63 : memref<1x125x80xi32, #tpu.memory_space<hbm>> -> memref<125x80xi32, #tpu.memory_space<hbm>>
      %dma_start3A_65 = arith.constant 0 : i32
      %dma_start3A_66 = arith.constant 0 : i32
      %dma_start3A_67 = tpu.memref_slice %arg2[%add3A, %dma_start3A_65, %dma_start3A_66] : memref<32x125x80xi32, #tpu.memory_space<hbm>> -> memref<1x125x80xi32, #tpu.memory_space<hbm>>
      %dma_start3A_68 = tpu.memref_squeeze %dma_start3A_67 : memref<1x125x80xi32, #tpu.memory_space<hbm>> -> memref<125x80xi32, #tpu.memory_space<hbm>>
      tpu.enqueue_dma source(%dma_start3A_68 : memref<125x80xi32, #tpu.memory_space<hbm>>) target(%arg5 : memref<125x80xi32, #tpu.memory_space<vmem>>) target_semaphore(%run_scoped3A : memref<!tpu.dma_semaphore, #tpu.memory_space<semaphore_mem>>)
      %dma_wait3A_69 = arith.constant 0 : i32
      %dma_wait3A_70 = arith.constant 0 : i32
      %dma_wait3A_71 = tpu.memref_slice %arg2[%add3A, %dma_wait3A_69, %dma_wait3A_70] : memref<32x125x80xi32, #tpu.memory_space<hbm>> -> memref<1x125x80xi32, #tpu.memory_space<hbm>>
      %dma_wait3A_72 = tpu.memref_squeeze %dma_wait3A_71 : memref<1x125x80xi32, #tpu.memory_space<hbm>> -> memref<125x80xi32, #tpu.memory_space<hbm>>
      %dma_wait3A_73 = arith.constant 0 : i32
      %dma_wait3A_74 = arith.constant 0 : i32
      %dma_wait3A_75 = tpu.memref_slice %arg2[%add3A, %dma_wait3A_73, %dma_wait3A_74] : memref<32x125x80xi32, #tpu.memory_space<hbm>> -> memref<1x125x80xi32, #tpu.memory_space<hbm>>
      %dma_wait3A_76 = tpu.memref_squeeze %dma_wait3A_75 : memref<1x125x80xi32, #tpu.memory_space<hbm>> -> memref<125x80xi32, #tpu.memory_space<hbm>>
      tpu.wait_dma2 semaphore(%run_scoped3A : memref<!tpu.dma_semaphore, #tpu.memory_space<semaphore_mem>>) src(%dma_wait3A_76 : memref<125x80xi32, #tpu.memory_space<hbm>>) dst(%arg5 : memref<125x80xi32, #tpu.memory_space<vmem>>)
      tpu.yield
    }) : () -> ()
    %broadcast_in_dim3A = arith.constant 1.000000e+00 : f32
    %broadcast_in_dim3A_5 = vector.broadcast %broadcast_in_dim3A : f32 to vector<16xf32>
    %swap3A = arith.constant 0 : index
    %swap3A_6 = tpu.vector_load %arg6[%swap3A] {strides = array<i32>} : memref<80xf32, #tpu.memory_space<vmem>>, vector<16xf32>,
    tpu.vector_store %arg6[%swap3A], %broadcast_in_dim3A_5 {strides = array<i32>} : memref<80xf32, #tpu.memory_space<vmem>>, vector<16xf32>,
    %broadcast_in_dim3A_7 = arith.constant 1.000000e+00 : f32
    %broadcast_in_dim3A_8 = vector.broadcast %broadcast_in_dim3A_7 : f32 to vector<16xf32>
    %swap3A_9 = arith.constant 16 : index
    %swap3A_10 = tpu.vector_load %arg6[%swap3A_9] {strides = array<i32>} : memref<80xf32, #tpu.memory_space<vmem>>, vector<16xf32>,
    tpu.vector_store %arg6[%swap3A_9], %broadcast_in_dim3A_8 {strides = array<i32>} : memref<80xf32, #tpu.memory_space<vmem>>, vector<16xf32>,
    %broadcast_in_dim3A_11 = arith.constant 1.000000e+00 : f32
    %broadcast_in_dim3A_12 = vector.broadcast %broadcast_in_dim3A_11 : f32 to vector<16xf32>
    %swap3A_13 = arith.constant 32 : index
    %swap3A_14 = tpu.vector_load %arg6[%swap3A_13] {strides = array<i32>} : memref<80xf32, #tpu.memory_space<vmem>>, vector<16xf32>,
    tpu.vector_store %arg6[%swap3A_13], %broadcast_in_dim3A_12 {strides = array<i32>} : memref<80xf32, #tpu.memory_space<vmem>>, vector<16xf32>,
    %broadcast_in_dim3A_15 = arith.constant 1.000000e+00 : f32
    %broadcast_in_dim3A_16 = vector.broadcast %broadcast_in_dim3A_15 : f32 to vector<16xf32>
    %swap3A_17 = arith.constant 48 : index
    %swap3A_18 = tpu.vector_load %arg6[%swap3A_17] {strides = array<i32>} : memref<80xf32, #tpu.memory_space<vmem>>, vector<16xf32>,
    tpu.vector_store %arg6[%swap3A_17], %broadcast_in_dim3A_16 {strides = array<i32>} : memref<80xf32, #tpu.memory_space<vmem>>, vector<16xf32>,
    %broadcast_in_dim3A_19 = arith.constant 1.000000e+00 : f32
    %broadcast_in_dim3A_20 = vector.broadcast %broadcast_in_dim3A_19 : f32 to vector<16xf32>
    %swap3A_21 = arith.constant 64 : index
    %swap3A_22 = tpu.vector_load %arg6[%swap3A_21] {strides = array<i32>} : memref<80xf32, #tpu.memory_space<vmem>>, vector<16xf32>,
    tpu.vector_store %arg6[%swap3A_21], %broadcast_in_dim3A_20 {strides = array<i32>} : memref<80xf32, #tpu.memory_space<vmem>>, vector<16xf32>,
    %barrier3A = arith.constant 0 : index
    tpu.barrier barrier_id(%barrier3A)
    %scan3A = arith.constant 0 : i32
    %scan3A_23 = arith.constant 0 : i32
    %scan3A_24 = arith.constant 125 : i32
    %scan3A_25 = arith.addi %scan3A_23, %scan3A_24 : i32
    %scan3A_26 = arith.constant 1 : i32
    scf.for %scan3A_62 = %scan3A_23 to %scan3A_25 step %scan3A_26  : i32 {
      %dma_start3A = arith.constant 0 : i32
      %dma_start3A_63 = tpu.memref_slice %arg5[%scan3A_62, %dma_start3A] : memref<125x80xi32, #tpu.memory_space<vmem>> -> memref<1x80xi32, #tpu.memory_space<vmem>>
      %dma_start3A_64 = tpu.memref_squeeze %dma_start3A_63 : memref<1x80xi32, #tpu.memory_space<vmem>> -> memref<80xi32, #tpu.memory_space<vmem>>
      %dma_start3A_65 = arith.constant 0 : i32
      %dma_start3A_66 = tpu.memref_slice %arg7[%dma_start3A_65] : memref<10240xf32, #tpu.memory_space<vmem_shared>> -> memref<10240xf32, #tpu.memory_space<vmem_shared>>
      tpu.enqueue_indirect_dma source(%arg6 : memref<80xf32, #tpu.memory_space<vmem>>) target(%dma_start3A_66 : memref<10240xf32, #tpu.memory_space<vmem_shared>>) offsets(%dma_start3A_64 : memref<80xi32, #tpu.memory_space<vmem>>) semaphore(%arg8 : memref<!tpu.dma_semaphore, #tpu.memory_space<semaphore_mem>>) {add = true}
      %ge3A = arith.constant 5 : i32
      %ge3A_67 = arith.cmpi sge, %scan3A_62, %ge3A : i32
      %convert_element_type3A = arith.extui %ge3A_67 : i1 to i32
      %cond3A = arith.constant 0 : i32
      %cond3A_68 = arith.cmpi ne, %convert_element_type3A, %cond3A : i32
      scf.if %cond3A_68 {
        %dma_wait3A_69 = arith.constant 0 : i32
        %dma_wait3A_70 = arith.constant 0 : i32
        %dma_wait3A_71 = tpu.memref_slice %arg5[%dma_wait3A_69, %dma_wait3A_70] : memref<125x80xi32, #tpu.memory_space<vmem>> -> memref<1x80xi32, #tpu.memory_space<vmem>>
        %dma_wait3A_72 = tpu.memref_squeeze %dma_wait3A_71 : memref<1x80xi32, #tpu.memory_space<vmem>> -> memref<80xi32, #tpu.memory_space<vmem>>
        %dma_wait3A_73 = arith.constant 0 : i32
        %dma_wait3A_74 = tpu.memref_slice %arg7[%dma_wait3A_73] : memref<10240xf32, #tpu.memory_space<vmem_shared>> -> memref<10240xf32, #tpu.memory_space<vmem_shared>>
        tpu.wait_indirect_dma semaphore(%arg8 : memref<!tpu.dma_semaphore, #tpu.memory_space<semaphore_mem>>) src(%arg6 : memref<80xf32, #tpu.memory_space<vmem>>) dst(%dma_wait3A_74 : memref<10240xf32, #tpu.memory_space<vmem_shared>>)
      } else {
      }
    }
    %scan3A_27 = arith.constant 125 : i32
    %dma_wait3A = arith.constant 0 : i32
    %dma_wait3A_28 = arith.constant 0 : i32
    %dma_wait3A_29 = tpu.memref_slice %arg5[%dma_wait3A, %dma_wait3A_28] : memref<125x80xi32, #tpu.memory_space<vmem>> -> memref<1x80xi32, #tpu.memory_space<vmem>>
    %dma_wait3A_30 = tpu.memref_squeeze %dma_wait3A_29 : memref<1x80xi32, #tpu.memory_space<vmem>> -> memref<80xi32, #tpu.memory_space<vmem>>
    %dma_wait3A_31 = arith.constant 0 : i32
    %dma_wait3A_32 = tpu.memref_slice %arg7[%dma_wait3A_31] : memref<10240xf32, #tpu.memory_space<vmem_shared>> -> memref<10240xf32, #tpu.memory_space<vmem_shared>>
    tpu.wait_indirect_dma semaphore(%arg8 : memref<!tpu.dma_semaphore, #tpu.memory_space<semaphore_mem>>) src(%arg6 : memref<80xf32, #tpu.memory_space<vmem>>) dst(%dma_wait3A_32 : memref<10240xf32, #tpu.memory_space<vmem_shared>>)
    %dma_wait3A_33 = arith.constant 0 : i32
    %dma_wait3A_34 = arith.constant 0 : i32
    %dma_wait3A_35 = tpu.memref_slice %arg5[%dma_wait3A_33, %dma_wait3A_34] : memref<125x80xi32, #tpu.memory_space<vmem>> -> memref<1x80xi32, #tpu.memory_space<vmem>>
    %dma_wait3A_36 = tpu.memref_squeeze %dma_wait3A_35 : memref<1x80xi32, #tpu.memory_space<vmem>> -> memref<80xi32, #tpu.memory_space<vmem>>
    %dma_wait3A_37 = arith.constant 0 : i32
    %dma_wait3A_38 = tpu.memref_slice %arg7[%dma_wait3A_37] : memref<10240xf32, #tpu.memory_space<vmem_shared>> -> memref<10240xf32, #tpu.memory_space<vmem_shared>>
    tpu.wait_indirect_dma semaphore(%arg8 : memref<!tpu.dma_semaphore, #tpu.memory_space<semaphore_mem>>) src(%arg6 : memref<80xf32, #tpu.memory_space<vmem>>) dst(%dma_wait3A_38 : memref<10240xf32, #tpu.memory_space<vmem_shared>>)
    %dma_wait3A_39 = arith.constant 0 : i32
    %dma_wait3A_40 = arith.constant 0 : i32
    %dma_wait3A_41 = tpu.memref_slice %arg5[%dma_wait3A_39, %dma_wait3A_40] : memref<125x80xi32, #tpu.memory_space<vmem>> -> memref<1x80xi32, #tpu.memory_space<vmem>>
    %dma_wait3A_42 = tpu.memref_squeeze %dma_wait3A_41 : memref<1x80xi32, #tpu.memory_space<vmem>> -> memref<80xi32, #tpu.memory_space<vmem>>
    %dma_wait3A_43 = arith.constant 0 : i32
    %dma_wait3A_44 = tpu.memref_slice %arg7[%dma_wait3A_43] : memref<10240xf32, #tpu.memory_space<vmem_shared>> -> memref<10240xf32, #tpu.memory_space<vmem_shared>>
    tpu.wait_indirect_dma semaphore(%arg8 : memref<!tpu.dma_semaphore, #tpu.memory_space<semaphore_mem>>) src(%arg6 : memref<80xf32, #tpu.memory_space<vmem>>) dst(%dma_wait3A_44 : memref<10240xf32, #tpu.memory_space<vmem_shared>>)
    %dma_wait3A_45 = arith.constant 0 : i32
    %dma_wait3A_46 = arith.constant 0 : i32
    %dma_wait3A_47 = tpu.memref_slice %arg5[%dma_wait3A_45, %dma_wait3A_46] : memref<125x80xi32, #tpu.memory_space<vmem>> -> memref<1x80xi32, #tpu.memory_space<vmem>>
    %dma_wait3A_48 = tpu.memref_squeeze %dma_wait3A_47 : memref<1x80xi32, #tpu.memory_space<vmem>> -> memref<80xi32, #tpu.memory_space<vmem>>
    %dma_wait3A_49 = arith.constant 0 : i32
    %dma_wait3A_50 = tpu.memref_slice %arg7[%dma_wait3A_49] : memref<10240xf32, #tpu.memory_space<vmem_shared>> -> memref<10240xf32, #tpu.memory_space<vmem_shared>>
    tpu.wait_indirect_dma semaphore(%arg8 : memref<!tpu.dma_semaphore, #tpu.memory_space<semaphore_mem>>) src(%arg6 : memref<80xf32, #tpu.memory_space<vmem>>) dst(%dma_wait3A_50 : memref<10240xf32, #tpu.memory_space<vmem_shared>>)
    %dma_wait3A_51 = arith.constant 0 : i32
    %dma_wait3A_52 = arith.constant 0 : i32
    %dma_wait3A_53 = tpu.memref_slice %arg5[%dma_wait3A_51, %dma_wait3A_52] : memref<125x80xi32, #tpu.memory_space<vmem>> -> memref<1x80xi32, #tpu.memory_space<vmem>>
    %dma_wait3A_54 = tpu.memref_squeeze %dma_wait3A_53 : memref<1x80xi32, #tpu.memory_space<vmem>> -> memref<80xi32, #tpu.memory_space<vmem>>
    %dma_wait3A_55 = arith.constant 0 : i32
    %dma_wait3A_56 = tpu.memref_slice %arg7[%dma_wait3A_55] : memref<10240xf32, #tpu.memory_space<vmem_shared>> -> memref<10240xf32, #tpu.memory_space<vmem_shared>>
    tpu.wait_indirect_dma semaphore(%arg8 : memref<!tpu.dma_semaphore, #tpu.memory_space<semaphore_mem>>) src(%arg6 : memref<80xf32, #tpu.memory_space<vmem>>) dst(%dma_wait3A_56 : memref<10240xf32, #tpu.memory_space<vmem_shared>>)
    %barrier3A_57 = arith.constant 0 : index
    tpu.barrier barrier_id(%barrier3A_57)
    %mul3A_58 = arith.constant 640 : i32
    %mul3A_59 = arith.muli %arg1, %mul3A_58 : i32
    %mul3A_60 = arith.constant 640 : i32
    %mul3A_61 = arith.muli %arg1, %mul3A_60 : i32
    "tpu.region"() ({
      %run_scoped3A = tpu.sem_alloc : memref<!tpu.dma_semaphore, #tpu.memory_space<semaphore_mem>>
      %dma_start3A = tpu.memref_slice %arg4[%arg0, %mul3A_61] : memref<2x10240xf32, #tpu.memory_space<hbm>> -> memref<1x640xf32, #tpu.memory_space<hbm>>
      %dma_start3A_62 = tpu.memref_squeeze %dma_start3A : memref<1x640xf32, #tpu.memory_space<hbm>> -> memref<640xf32, #tpu.memory_space<hbm>>
      %dma_start3A_63 = tpu.memref_slice %arg7[%mul3A_59] : memref<10240xf32, #tpu.memory_space<vmem_shared>> -> memref<640xf32, #tpu.memory_space<vmem_shared>>
      tpu.enqueue_dma source(%dma_start3A_63 : memref<640xf32, #tpu.memory_space<vmem_shared>>) target(%dma_start3A_62 : memref<640xf32, #tpu.memory_space<hbm>>) target_semaphore(%run_scoped3A : memref<!tpu.dma_semaphore, #tpu.memory_space<semaphore_mem>>)
      %dma_wait3A_64 = tpu.memref_slice %arg4[%arg0, %mul3A_61] : memref<2x10240xf32, #tpu.memory_space<hbm>> -> memref<1x640xf32, #tpu.memory_space<hbm>>
      %dma_wait3A_65 = tpu.memref_squeeze %dma_wait3A_64 : memref<1x640xf32, #tpu.memory_space<hbm>> -> memref<640xf32, #tpu.memory_space<hbm>>
      %dma_wait3A_66 = tpu.memref_slice %arg7[%mul3A_59] : memref<10240xf32, #tpu.memory_space<vmem_shared>> -> memref<640xf32, #tpu.memory_space<vmem_shared>>
      tpu.wait_dma2 semaphore(%run_scoped3A : memref<!tpu.dma_semaphore, #tpu.memory_space<semaphore_mem>>) src(%dma_wait3A_66 : memref<640xf32, #tpu.memory_space<vmem_shared>>) dst(%dma_wait3A_65 : memref<640xf32, #tpu.memory_space<hbm>>)
      tpu.yield
    }) : () -> ()
    return
  }
}

#map = affine_map<(d0, d1) -> (0)>
#map1 = affine_map<(d0, d1) -> (0, 0, 0)>
#map2 = affine_map<(d0, d1) -> (0, 0)>
module attributes {stable_mosaic.version = 14 : i64} {
  func.func @body(%arg0: i32, %arg1: i32, %arg2: memref<320000xi32, #tpu.memory_space<hbm>>, %arg3: memref<32x125x80xi32, #tpu.memory_space<hbm>>, %arg4: memref<10240xf32, #tpu.memory_space<hbm>>, %arg5: memref<10240xf32, #tpu.memory_space<hbm>>, %arg6: memref<2x10240xf32, #tpu.memory_space<hbm>>, %arg7: memref<10000xi32, #tpu.memory_space<vmem>>, %arg8: memref<125x80xi32, #tpu.memory_space<vmem>>, %arg9: memref<10240xf32, #tpu.memory_space<vmem>>, %arg10: memref<80xf32, #tpu.memory_space<vmem>>, %arg11: memref<80xf32, #tpu.memory_space<vmem>>, %arg12: memref<80xf32, #tpu.memory_space<vmem>>, %arg13: memref<80xf32, #tpu.memory_space<vmem>>, %arg14: memref<80xf32, #tpu.memory_space<vmem>>, %arg15: memref<10240xf32, #tpu.memory_space<vmem_shared>>, %arg16: memref<!tpu.dma_semaphore, #tpu.memory_space<semaphore_mem>>, %arg17: memref<!tpu.dma_semaphore, #tpu.memory_space<semaphore_mem>>, %arg18: memref<!tpu.dma_semaphore, #tpu.memory_space<semaphore_mem>>, %arg19: memref<!tpu.dma_semaphore, #tpu.memory_space<semaphore_mem>>, %arg20: memref<!tpu.dma_semaphore, #tpu.memory_space<semaphore_mem>>) attributes {dimension_semantics = [#tpu.dimension_semantics<core_parallel>, #tpu.dimension_semantics<subcore_parallel>], iteration_bounds = array<i64: 2, 16>, scalar_prefetch = 0 : i64, scratch_operands = 14 : i64, tpu.core_type = #tpu.core_type<sc_vector_subcore>, window_params = [{transform_indices = #map}, {transform_indices = #map1}, {transform_indices = #map}, {transform_indices = #map}, {transform_indices = #map2}]} {
    %mul3A = arith.constant 16 : i32
    %mul3A_0 = arith.muli %arg0, %mul3A : i32
    %add3A = arith.addi %mul3A_0, %arg1 : i32
    %mul3A_1 = arith.constant 640 : i32
    %mul3A_2 = arith.muli %arg1, %mul3A_1 : i32
    %mul3A_3 = arith.constant 640 : i32
    %mul3A_4 = arith.muli %arg1, %mul3A_3 : i32
    "tpu.region"() ({
      %run_scoped3A = tpu.sem_alloc : memref<!tpu.dma_semaphore, #tpu.memory_space<semaphore_mem>>
      %dma_start3A = tpu.memref_slice %arg15[%mul3A_4] : memref<10240xf32, #tpu.memory_space<vmem_shared>> -> memref<640xf32, #tpu.memory_space<vmem_shared>>
      %dma_start3A_46 = tpu.memref_slice %arg5[%mul3A_2] : memref<10240xf32, #tpu.memory_space<hbm>> -> memref<640xf32, #tpu.memory_space<hbm>>
      tpu.enqueue_dma source(%dma_start3A_46 : memref<640xf32, #tpu.memory_space<hbm>>) target(%dma_start3A : memref<640xf32, #tpu.memory_space<vmem_shared>>) target_semaphore(%run_scoped3A : memref<!tpu.dma_semaphore, #tpu.memory_space<semaphore_mem>>)
      %dma_wait3A_47 = tpu.memref_slice %arg15[%mul3A_4] : memref<10240xf32, #tpu.memory_space<vmem_shared>> -> memref<640xf32, #tpu.memory_space<vmem_shared>>
      %dma_wait3A_48 = tpu.memref_slice %arg5[%mul3A_2] : memref<10240xf32, #tpu.memory_space<hbm>> -> memref<640xf32, #tpu.memory_space<hbm>>
      tpu.wait_dma2 semaphore(%run_scoped3A : memref<!tpu.dma_semaphore, #tpu.memory_space<semaphore_mem>>) src(%dma_wait3A_48 : memref<640xf32, #tpu.memory_space<hbm>>) dst(%dma_wait3A_47 : memref<640xf32, #tpu.memory_space<vmem_shared>>)
      tpu.yield
    }) : () -> ()
    "tpu.region"() ({
      %run_scoped3A = tpu.sem_alloc : memref<!tpu.dma_semaphore, #tpu.memory_space<semaphore_mem>>
      %dma_start3A = arith.constant 0 : i32
      %dma_start3A_46 = arith.constant 0 : i32
      %dma_start3A_47 = tpu.memref_slice %arg3[%add3A, %dma_start3A, %dma_start3A_46] : memref<32x125x80xi32, #tpu.memory_space<hbm>> -> memref<1x125x80xi32, #tpu.memory_space<hbm>>
      %dma_start3A_48 = tpu.memref_squeeze %dma_start3A_47 : memref<1x125x80xi32, #tpu.memory_space<hbm>> -> memref<125x80xi32, #tpu.memory_space<hbm>>
      %dma_start3A_49 = arith.constant 0 : i32
      %dma_start3A_50 = arith.constant 0 : i32
      %dma_start3A_51 = tpu.memref_slice %arg3[%add3A, %dma_start3A_49, %dma_start3A_50] : memref<32x125x80xi32, #tpu.memory_space<hbm>> -> memref<1x125x80xi32, #tpu.memory_space<hbm>>
      %dma_start3A_52 = tpu.memref_squeeze %dma_start3A_51 : memref<1x125x80xi32, #tpu.memory_space<hbm>> -> memref<125x80xi32, #tpu.memory_space<hbm>>
      tpu.enqueue_dma source(%dma_start3A_52 : memref<125x80xi32, #tpu.memory_space<hbm>>) target(%arg8 : memref<125x80xi32, #tpu.memory_space<vmem>>) target_semaphore(%run_scoped3A : memref<!tpu.dma_semaphore, #tpu.memory_space<semaphore_mem>>)
      %dma_wait3A_53 = arith.constant 0 : i32
      %dma_wait3A_54 = arith.constant 0 : i32
      %dma_wait3A_55 = tpu.memref_slice %arg3[%add3A, %dma_wait3A_53, %dma_wait3A_54] : memref<32x125x80xi32, #tpu.memory_space<hbm>> -> memref<1x125x80xi32, #tpu.memory_space<hbm>>
      %dma_wait3A_56 = tpu.memref_squeeze %dma_wait3A_55 : memref<1x125x80xi32, #tpu.memory_space<hbm>> -> memref<125x80xi32, #tpu.memory_space<hbm>>
      %dma_wait3A_57 = arith.constant 0 : i32
      %dma_wait3A_58 = arith.constant 0 : i32
      %dma_wait3A_59 = tpu.memref_slice %arg3[%add3A, %dma_wait3A_57, %dma_wait3A_58] : memref<32x125x80xi32, #tpu.memory_space<hbm>> -> memref<1x125x80xi32, #tpu.memory_space<hbm>>
      %dma_wait3A_60 = tpu.memref_squeeze %dma_wait3A_59 : memref<1x125x80xi32, #tpu.memory_space<hbm>> -> memref<125x80xi32, #tpu.memory_space<hbm>>
      tpu.wait_dma2 semaphore(%run_scoped3A : memref<!tpu.dma_semaphore, #tpu.memory_space<semaphore_mem>>) src(%dma_wait3A_60 : memref<125x80xi32, #tpu.memory_space<hbm>>) dst(%arg8 : memref<125x80xi32, #tpu.memory_space<vmem>>)
      tpu.yield
    }) : () -> ()
    %mul3A_5 = arith.constant 10000 : i32
    %mul3A_6 = arith.muli %add3A, %mul3A_5 : i32
    "tpu.region"() ({
      %run_scoped3A = tpu.sem_alloc : memref<!tpu.dma_semaphore, #tpu.memory_space<semaphore_mem>>
      %dma_start3A = tpu.memref_slice %arg2[%mul3A_6] : memref<320000xi32, #tpu.memory_space<hbm>> -> memref<10000xi32, #tpu.memory_space<hbm>>
      %dma_start3A_46 = tpu.memref_slice %arg2[%mul3A_6] : memref<320000xi32, #tpu.memory_space<hbm>> -> memref<10000xi32, #tpu.memory_space<hbm>>
      tpu.enqueue_dma source(%dma_start3A_46 : memref<10000xi32, #tpu.memory_space<hbm>>) target(%arg7 : memref<10000xi32, #tpu.memory_space<vmem>>) target_semaphore(%run_scoped3A : memref<!tpu.dma_semaphore, #tpu.memory_space<semaphore_mem>>)
      %dma_wait3A_47 = tpu.memref_slice %arg2[%mul3A_6] : memref<320000xi32, #tpu.memory_space<hbm>> -> memref<10000xi32, #tpu.memory_space<hbm>>
      %dma_wait3A_48 = tpu.memref_slice %arg2[%mul3A_6] : memref<320000xi32, #tpu.memory_space<hbm>> -> memref<10000xi32, #tpu.memory_space<hbm>>
      tpu.wait_dma2 semaphore(%run_scoped3A : memref<!tpu.dma_semaphore, #tpu.memory_space<semaphore_mem>>) src(%dma_wait3A_48 : memref<10000xi32, #tpu.memory_space<hbm>>) dst(%arg7 : memref<10000xi32, #tpu.memory_space<vmem>>)
      tpu.yield
    }) : () -> ()
    "tpu.region"() ({
      %run_scoped3A = tpu.sem_alloc : memref<!tpu.dma_semaphore, #tpu.memory_space<semaphore_mem>>
      tpu.enqueue_dma source(%arg4 : memref<10240xf32, #tpu.memory_space<hbm>>) target(%arg9 : memref<10240xf32, #tpu.memory_space<vmem>>) target_semaphore(%run_scoped3A : memref<!tpu.dma_semaphore, #tpu.memory_space<semaphore_mem>>)
      tpu.wait_dma2 semaphore(%run_scoped3A : memref<!tpu.dma_semaphore, #tpu.memory_space<semaphore_mem>>) src(%arg4 : memref<10240xf32, #tpu.memory_space<hbm>>) dst(%arg9 : memref<10240xf32, #tpu.memory_space<vmem>>)
      tpu.yield
    }) : () -> ()
    %barrier3A = arith.constant 0 : index
    tpu.barrier barrier_id(%barrier3A)
    %scan3A = arith.constant 0 : i32
    %scan3A_7 = arith.constant 0 : i32
    %scan3A_8 = arith.constant 25 : i32
    %scan3A_9 = arith.addi %scan3A_7, %scan3A_8 : i32
    %scan3A_10 = arith.constant 1 : i32
    scf.for %scan3A_46 = %scan3A_7 to %scan3A_9 step %scan3A_10  : i32 {
      %mul3A_47 = arith.constant 5 : i32
      %mul3A_48 = arith.muli %scan3A_46, %mul3A_47 : i32
      %add3A_49 = arith.constant 0 : i32
      %add3A_50 = arith.addi %mul3A_48, %add3A_49 : i32
      %gt3A = arith.constant 0 : i32
      %gt3A_51 = arith.cmpi sgt, %scan3A_46, %gt3A : i32
      %convert_element_type3A = arith.extui %gt3A_51 : i1 to i32
      %cond3A = arith.constant 0 : i32
      %cond3A_52 = arith.cmpi ne, %convert_element_type3A, %cond3A : i32
      scf.if %cond3A_52 {
        %dma_wait3A_335 = arith.constant 0 : i32
        %dma_wait3A_336 = arith.constant 0 : i32
        %dma_wait3A_337 = tpu.memref_slice %arg8[%dma_wait3A_335, %dma_wait3A_336] : memref<125x80xi32, #tpu.memory_space<vmem>> -> memref<1x80xi32, #tpu.memory_space<vmem>>
        %dma_wait3A_338 = tpu.memref_squeeze %dma_wait3A_337 : memref<1x80xi32, #tpu.memory_space<vmem>> -> memref<80xi32, #tpu.memory_space<vmem>>
        %dma_wait3A_339 = arith.constant 0 : i32
        %dma_wait3A_340 = tpu.memref_slice %arg15[%dma_wait3A_339] : memref<10240xf32, #tpu.memory_space<vmem_shared>> -> memref<10240xf32, #tpu.memory_space<vmem_shared>>
        tpu.wait_indirect_dma semaphore(%arg16 : memref<!tpu.dma_semaphore, #tpu.memory_space<semaphore_mem>>) src(%arg10 : memref<80xf32, #tpu.memory_space<vmem>>) dst(%dma_wait3A_340 : memref<10240xf32, #tpu.memory_space<vmem_shared>>)
      } else {
      }
      %mul3A_53 = arith.constant 80 : i32
      %mul3A_54 = arith.muli %add3A_50, %mul3A_53 : i32
      %add3A_55 = arith.constant 0 : i32
      %add3A_56 = arith.addi %mul3A_54, %add3A_55 : i32
      %get3A = arith.index_cast %add3A_56 : i32 to index
      %get3A_57 = tpu.vector_load %arg7[%get3A] {strides = array<i32>} : memref<10000xi32, #tpu.memory_space<vmem>>, vector<16xi32>,
      %gather3A = tpu.vector_load_idx %arg9[%get3A_57] : memref<10240xf32, #tpu.memory_space<vmem>>[vector<16xi32>], vector<16xf32>,
      %swap3A = arith.constant 0 : index
      %swap3A_58 = tpu.vector_load %arg10[%swap3A] {strides = array<i32>} : memref<80xf32, #tpu.memory_space<vmem>>, vector<16xf32>,
      tpu.vector_store %arg10[%swap3A], %gather3A {strides = array<i32>} : memref<80xf32, #tpu.memory_space<vmem>>, vector<16xf32>,
      %mul3A_59 = arith.constant 80 : i32
      %mul3A_60 = arith.muli %add3A_50, %mul3A_59 : i32
      %add3A_61 = arith.constant 16 : i32
      %add3A_62 = arith.addi %mul3A_60, %add3A_61 : i32
      %get3A_63 = arith.index_cast %add3A_62 : i32 to index
      %get3A_64 = tpu.vector_load %arg7[%get3A_63] {strides = array<i32>} : memref<10000xi32, #tpu.memory_space<vmem>>, vector<16xi32>,
      %gather3A_65 = tpu.vector_load_idx %arg9[%get3A_64] : memref<10240xf32, #tpu.memory_space<vmem>>[vector<16xi32>], vector<16xf32>,
      %swap3A_66 = arith.constant 16 : index
      %swap3A_67 = tpu.vector_load %arg10[%swap3A_66] {strides = array<i32>} : memref<80xf32, #tpu.memory_space<vmem>>, vector<16xf32>,
      tpu.vector_store %arg10[%swap3A_66], %gather3A_65 {strides = array<i32>} : memref<80xf32, #tpu.memory_space<vmem>>, vector<16xf32>,
      %mul3A_68 = arith.constant 80 : i32
      %mul3A_69 = arith.muli %add3A_50, %mul3A_68 : i32
      %add3A_70 = arith.constant 32 : i32
      %add3A_71 = arith.addi %mul3A_69, %add3A_70 : i32
      %get3A_72 = arith.index_cast %add3A_71 : i32 to index
      %get3A_73 = tpu.vector_load %arg7[%get3A_72] {strides = array<i32>} : memref<10000xi32, #tpu.memory_space<vmem>>, vector<16xi32>,
      %gather3A_74 = tpu.vector_load_idx %arg9[%get3A_73] : memref<10240xf32, #tpu.memory_space<vmem>>[vector<16xi32>], vector<16xf32>,
      %swap3A_75 = arith.constant 32 : index
      %swap3A_76 = tpu.vector_load %arg10[%swap3A_75] {strides = array<i32>} : memref<80xf32, #tpu.memory_space<vmem>>, vector<16xf32>,
      tpu.vector_store %arg10[%swap3A_75], %gather3A_74 {strides = array<i32>} : memref<80xf32, #tpu.memory_space<vmem>>, vector<16xf32>,
      %mul3A_77 = arith.constant 80 : i32
      %mul3A_78 = arith.muli %add3A_50, %mul3A_77 : i32
      %add3A_79 = arith.constant 48 : i32
      %add3A_80 = arith.addi %mul3A_78, %add3A_79 : i32
      %get3A_81 = arith.index_cast %add3A_80 : i32 to index
      %get3A_82 = tpu.vector_load %arg7[%get3A_81] {strides = array<i32>} : memref<10000xi32, #tpu.memory_space<vmem>>, vector<16xi32>,
      %gather3A_83 = tpu.vector_load_idx %arg9[%get3A_82] : memref<10240xf32, #tpu.memory_space<vmem>>[vector<16xi32>], vector<16xf32>,
      %swap3A_84 = arith.constant 48 : index
      %swap3A_85 = tpu.vector_load %arg10[%swap3A_84] {strides = array<i32>} : memref<80xf32, #tpu.memory_space<vmem>>, vector<16xf32>,
      tpu.vector_store %arg10[%swap3A_84], %gather3A_83 {strides = array<i32>} : memref<80xf32, #tpu.memory_space<vmem>>, vector<16xf32>,
      %mul3A_86 = arith.constant 80 : i32
      %mul3A_87 = arith.muli %add3A_50, %mul3A_86 : i32
      %add3A_88 = arith.constant 64 : i32
      %add3A_89 = arith.addi %mul3A_87, %add3A_88 : i32
      %get3A_90 = arith.index_cast %add3A_89 : i32 to index
      %get3A_91 = tpu.vector_load %arg7[%get3A_90] {strides = array<i32>} : memref<10000xi32, #tpu.memory_space<vmem>>, vector<16xi32>,
      %gather3A_92 = tpu.vector_load_idx %arg9[%get3A_91] : memref<10240xf32, #tpu.memory_space<vmem>>[vector<16xi32>], vector<16xf32>,
      %swap3A_93 = arith.constant 64 : index
      %swap3A_94 = tpu.vector_load %arg10[%swap3A_93] {strides = array<i32>} : memref<80xf32, #tpu.memory_space<vmem>>, vector<16xf32>,
      tpu.vector_store %arg10[%swap3A_93], %gather3A_92 {strides = array<i32>} : memref<80xf32, #tpu.memory_space<vmem>>, vector<16xf32>,
      %dma_start3A = arith.constant 0 : i32
      %dma_start3A_95 = tpu.memref_slice %arg8[%add3A_50, %dma_start3A] : memref<125x80xi32, #tpu.memory_space<vmem>> -> memref<1x80xi32, #tpu.memory_space<vmem>>
      %dma_start3A_96 = tpu.memref_squeeze %dma_start3A_95 : memref<1x80xi32, #tpu.memory_space<vmem>> -> memref<80xi32, #tpu.memory_space<vmem>>
      %dma_start3A_97 = arith.constant 0 : i32
      %dma_start3A_98 = tpu.memref_slice %arg15[%dma_start3A_97] : memref<10240xf32, #tpu.memory_space<vmem_shared>> -> memref<10240xf32, #tpu.memory_space<vmem_shared>>
      tpu.enqueue_indirect_dma source(%arg10 : memref<80xf32, #tpu.memory_space<vmem>>) target(%dma_start3A_98 : memref<10240xf32, #tpu.memory_space<vmem_shared>>) offsets(%dma_start3A_96 : memref<80xi32, #tpu.memory_space<vmem>>) semaphore(%arg16 : memref<!tpu.dma_semaphore, #tpu.memory_space<semaphore_mem>>) {add = true}
      %mul3A_99 = arith.constant 5 : i32
      %mul3A_100 = arith.muli %scan3A_46, %mul3A_99 : i32
      %add3A_101 = arith.constant 1 : i32
      %add3A_102 = arith.addi %mul3A_100, %add3A_101 : i32
      %gt3A_103 = arith.constant 0 : i32
      %gt3A_104 = arith.cmpi sgt, %scan3A_46, %gt3A_103 : i32
      %convert_element_type3A_105 = arith.extui %gt3A_104 : i1 to i32
      %cond3A_106 = arith.constant 0 : i32
      %cond3A_107 = arith.cmpi ne, %convert_element_type3A_105, %cond3A_106 : i32
      scf.if %cond3A_107 {
        %dma_wait3A_335 = arith.constant 0 : i32
        %dma_wait3A_336 = arith.constant 0 : i32
        %dma_wait3A_337 = tpu.memref_slice %arg8[%dma_wait3A_335, %dma_wait3A_336] : memref<125x80xi32, #tpu.memory_space<vmem>> -> memref<1x80xi32, #tpu.memory_space<vmem>>
        %dma_wait3A_338 = tpu.memref_squeeze %dma_wait3A_337 : memref<1x80xi32, #tpu.memory_space<vmem>> -> memref<80xi32, #tpu.memory_space<vmem>>
        %dma_wait3A_339 = arith.constant 0 : i32
        %dma_wait3A_340 = tpu.memref_slice %arg15[%dma_wait3A_339] : memref<10240xf32, #tpu.memory_space<vmem_shared>> -> memref<10240xf32, #tpu.memory_space<vmem_shared>>
        tpu.wait_indirect_dma semaphore(%arg17 : memref<!tpu.dma_semaphore, #tpu.memory_space<semaphore_mem>>) src(%arg11 : memref<80xf32, #tpu.memory_space<vmem>>) dst(%dma_wait3A_340 : memref<10240xf32, #tpu.memory_space<vmem_shared>>)
      } else {
      }
      %mul3A_108 = arith.constant 80 : i32
      %mul3A_109 = arith.muli %add3A_102, %mul3A_108 : i32
      %add3A_110 = arith.constant 0 : i32
      %add3A_111 = arith.addi %mul3A_109, %add3A_110 : i32
      %get3A_112 = arith.index_cast %add3A_111 : i32 to index
      %get3A_113 = tpu.vector_load %arg7[%get3A_112] {strides = array<i32>} : memref<10000xi32, #tpu.memory_space<vmem>>, vector<16xi32>,
      %gather3A_114 = tpu.vector_load_idx %arg9[%get3A_113] : memref<10240xf32, #tpu.memory_space<vmem>>[vector<16xi32>], vector<16xf32>,
      %swap3A_115 = arith.constant 0 : index
      %swap3A_116 = tpu.vector_load %arg11[%swap3A_115] {strides = array<i32>} : memref<80xf32, #tpu.memory_space<vmem>>, vector<16xf32>,
      tpu.vector_store %arg11[%swap3A_115], %gather3A_114 {strides = array<i32>} : memref<80xf32, #tpu.memory_space<vmem>>, vector<16xf32>,
      %mul3A_117 = arith.constant 80 : i32
      %mul3A_118 = arith.muli %add3A_102, %mul3A_117 : i32
      %add3A_119 = arith.constant 16 : i32
      %add3A_120 = arith.addi %mul3A_118, %add3A_119 : i32
      %get3A_121 = arith.index_cast %add3A_120 : i32 to index
      %get3A_122 = tpu.vector_load %arg7[%get3A_121] {strides = array<i32>} : memref<10000xi32, #tpu.memory_space<vmem>>, vector<16xi32>,
      %gather3A_123 = tpu.vector_load_idx %arg9[%get3A_122] : memref<10240xf32, #tpu.memory_space<vmem>>[vector<16xi32>], vector<16xf32>,
      %swap3A_124 = arith.constant 16 : index
      %swap3A_125 = tpu.vector_load %arg11[%swap3A_124] {strides = array<i32>} : memref<80xf32, #tpu.memory_space<vmem>>, vector<16xf32>,
      tpu.vector_store %arg11[%swap3A_124], %gather3A_123 {strides = array<i32>} : memref<80xf32, #tpu.memory_space<vmem>>, vector<16xf32>,
      %mul3A_126 = arith.constant 80 : i32
      %mul3A_127 = arith.muli %add3A_102, %mul3A_126 : i32
      %add3A_128 = arith.constant 32 : i32
      %add3A_129 = arith.addi %mul3A_127, %add3A_128 : i32
      %get3A_130 = arith.index_cast %add3A_129 : i32 to index
      %get3A_131 = tpu.vector_load %arg7[%get3A_130] {strides = array<i32>} : memref<10000xi32, #tpu.memory_space<vmem>>, vector<16xi32>,
      %gather3A_132 = tpu.vector_load_idx %arg9[%get3A_131] : memref<10240xf32, #tpu.memory_space<vmem>>[vector<16xi32>], vector<16xf32>,
      %swap3A_133 = arith.constant 32 : index
      %swap3A_134 = tpu.vector_load %arg11[%swap3A_133] {strides = array<i32>} : memref<80xf32, #tpu.memory_space<vmem>>, vector<16xf32>,
      tpu.vector_store %arg11[%swap3A_133], %gather3A_132 {strides = array<i32>} : memref<80xf32, #tpu.memory_space<vmem>>, vector<16xf32>,
      %mul3A_135 = arith.constant 80 : i32
      %mul3A_136 = arith.muli %add3A_102, %mul3A_135 : i32
      %add3A_137 = arith.constant 48 : i32
      %add3A_138 = arith.addi %mul3A_136, %add3A_137 : i32
      %get3A_139 = arith.index_cast %add3A_138 : i32 to index
      %get3A_140 = tpu.vector_load %arg7[%get3A_139] {strides = array<i32>} : memref<10000xi32, #tpu.memory_space<vmem>>, vector<16xi32>,
      %gather3A_141 = tpu.vector_load_idx %arg9[%get3A_140] : memref<10240xf32, #tpu.memory_space<vmem>>[vector<16xi32>], vector<16xf32>,
      %swap3A_142 = arith.constant 48 : index
      %swap3A_143 = tpu.vector_load %arg11[%swap3A_142] {strides = array<i32>} : memref<80xf32, #tpu.memory_space<vmem>>, vector<16xf32>,
      tpu.vector_store %arg11[%swap3A_142], %gather3A_141 {strides = array<i32>} : memref<80xf32, #tpu.memory_space<vmem>>, vector<16xf32>,
      %mul3A_144 = arith.constant 80 : i32
      %mul3A_145 = arith.muli %add3A_102, %mul3A_144 : i32
      %add3A_146 = arith.constant 64 : i32
      %add3A_147 = arith.addi %mul3A_145, %add3A_146 : i32
      %get3A_148 = arith.index_cast %add3A_147 : i32 to index
      %get3A_149 = tpu.vector_load %arg7[%get3A_148] {strides = array<i32>} : memref<10000xi32, #tpu.memory_space<vmem>>, vector<16xi32>,
      %gather3A_150 = tpu.vector_load_idx %arg9[%get3A_149] : memref<10240xf32, #tpu.memory_space<vmem>>[vector<16xi32>], vector<16xf32>,
      %swap3A_151 = arith.constant 64 : index
      %swap3A_152 = tpu.vector_load %arg11[%swap3A_151] {strides = array<i32>} : memref<80xf32, #tpu.memory_space<vmem>>, vector<16xf32>,
      tpu.vector_store %arg11[%swap3A_151], %gather3A_150 {strides = array<i32>} : memref<80xf32, #tpu.memory_space<vmem>>, vector<16xf32>,
      %dma_start3A_153 = arith.constant 0 : i32
      %dma_start3A_154 = tpu.memref_slice %arg8[%add3A_102, %dma_start3A_153] : memref<125x80xi32, #tpu.memory_space<vmem>> -> memref<1x80xi32, #tpu.memory_space<vmem>>
      %dma_start3A_155 = tpu.memref_squeeze %dma_start3A_154 : memref<1x80xi32, #tpu.memory_space<vmem>> -> memref<80xi32, #tpu.memory_space<vmem>>
      %dma_start3A_156 = arith.constant 0 : i32
      %dma_start3A_157 = tpu.memref_slice %arg15[%dma_start3A_156] : memref<10240xf32, #tpu.memory_space<vmem_shared>> -> memref<10240xf32, #tpu.memory_space<vmem_shared>>
      tpu.enqueue_indirect_dma source(%arg11 : memref<80xf32, #tpu.memory_space<vmem>>) target(%dma_start3A_157 : memref<10240xf32, #tpu.memory_space<vmem_shared>>) offsets(%dma_start3A_155 : memref<80xi32, #tpu.memory_space<vmem>>) semaphore(%arg17 : memref<!tpu.dma_semaphore, #tpu.memory_space<semaphore_mem>>) {add = true}
      %mul3A_158 = arith.constant 5 : i32
      %mul3A_159 = arith.muli %scan3A_46, %mul3A_158 : i32
      %add3A_160 = arith.constant 2 : i32
      %add3A_161 = arith.addi %mul3A_159, %add3A_160 : i32
      %gt3A_162 = arith.constant 0 : i32
      %gt3A_163 = arith.cmpi sgt, %scan3A_46, %gt3A_162 : i32
      %convert_element_type3A_164 = arith.extui %gt3A_163 : i1 to i32
      %cond3A_165 = arith.constant 0 : i32
      %cond3A_166 = arith.cmpi ne, %convert_element_type3A_164, %cond3A_165 : i32
      scf.if %cond3A_166 {
        %dma_wait3A_335 = arith.constant 0 : i32
        %dma_wait3A_336 = arith.constant 0 : i32
        %dma_wait3A_337 = tpu.memref_slice %arg8[%dma_wait3A_335, %dma_wait3A_336] : memref<125x80xi32, #tpu.memory_space<vmem>> -> memref<1x80xi32, #tpu.memory_space<vmem>>
        %dma_wait3A_338 = tpu.memref_squeeze %dma_wait3A_337 : memref<1x80xi32, #tpu.memory_space<vmem>> -> memref<80xi32, #tpu.memory_space<vmem>>
        %dma_wait3A_339 = arith.constant 0 : i32
        %dma_wait3A_340 = tpu.memref_slice %arg15[%dma_wait3A_339] : memref<10240xf32, #tpu.memory_space<vmem_shared>> -> memref<10240xf32, #tpu.memory_space<vmem_shared>>
        tpu.wait_indirect_dma semaphore(%arg18 : memref<!tpu.dma_semaphore, #tpu.memory_space<semaphore_mem>>) src(%arg12 : memref<80xf32, #tpu.memory_space<vmem>>) dst(%dma_wait3A_340 : memref<10240xf32, #tpu.memory_space<vmem_shared>>)
      } else {
      }
      %mul3A_167 = arith.constant 80 : i32
      %mul3A_168 = arith.muli %add3A_161, %mul3A_167 : i32
      %add3A_169 = arith.constant 0 : i32
      %add3A_170 = arith.addi %mul3A_168, %add3A_169 : i32
      %get3A_171 = arith.index_cast %add3A_170 : i32 to index
      %get3A_172 = tpu.vector_load %arg7[%get3A_171] {strides = array<i32>} : memref<10000xi32, #tpu.memory_space<vmem>>, vector<16xi32>,
      %gather3A_173 = tpu.vector_load_idx %arg9[%get3A_172] : memref<10240xf32, #tpu.memory_space<vmem>>[vector<16xi32>], vector<16xf32>,
      %swap3A_174 = arith.constant 0 : index
      %swap3A_175 = tpu.vector_load %arg12[%swap3A_174] {strides = array<i32>} : memref<80xf32, #tpu.memory_space<vmem>>, vector<16xf32>,
      tpu.vector_store %arg12[%swap3A_174], %gather3A_173 {strides = array<i32>} : memref<80xf32, #tpu.memory_space<vmem>>, vector<16xf32>,
      %mul3A_176 = arith.constant 80 : i32
      %mul3A_177 = arith.muli %add3A_161, %mul3A_176 : i32
      %add3A_178 = arith.constant 16 : i32
      %add3A_179 = arith.addi %mul3A_177, %add3A_178 : i32
      %get3A_180 = arith.index_cast %add3A_179 : i32 to index
      %get3A_181 = tpu.vector_load %arg7[%get3A_180] {strides = array<i32>} : memref<10000xi32, #tpu.memory_space<vmem>>, vector<16xi32>,
      %gather3A_182 = tpu.vector_load_idx %arg9[%get3A_181] : memref<10240xf32, #tpu.memory_space<vmem>>[vector<16xi32>], vector<16xf32>,
      %swap3A_183 = arith.constant 16 : index
      %swap3A_184 = tpu.vector_load %arg12[%swap3A_183] {strides = array<i32>} : memref<80xf32, #tpu.memory_space<vmem>>, vector<16xf32>,
      tpu.vector_store %arg12[%swap3A_183], %gather3A_182 {strides = array<i32>} : memref<80xf32, #tpu.memory_space<vmem>>, vector<16xf32>,
      %mul3A_185 = arith.constant 80 : i32
      %mul3A_186 = arith.muli %add3A_161, %mul3A_185 : i32
      %add3A_187 = arith.constant 32 : i32
      %add3A_188 = arith.addi %mul3A_186, %add3A_187 : i32
      %get3A_189 = arith.index_cast %add3A_188 : i32 to index
      %get3A_190 = tpu.vector_load %arg7[%get3A_189] {strides = array<i32>} : memref<10000xi32, #tpu.memory_space<vmem>>, vector<16xi32>,
      %gather3A_191 = tpu.vector_load_idx %arg9[%get3A_190] : memref<10240xf32, #tpu.memory_space<vmem>>[vector<16xi32>], vector<16xf32>,
      %swap3A_192 = arith.constant 32 : index
      %swap3A_193 = tpu.vector_load %arg12[%swap3A_192] {strides = array<i32>} : memref<80xf32, #tpu.memory_space<vmem>>, vector<16xf32>,
      tpu.vector_store %arg12[%swap3A_192], %gather3A_191 {strides = array<i32>} : memref<80xf32, #tpu.memory_space<vmem>>, vector<16xf32>,
      %mul3A_194 = arith.constant 80 : i32
      %mul3A_195 = arith.muli %add3A_161, %mul3A_194 : i32
      %add3A_196 = arith.constant 48 : i32
      %add3A_197 = arith.addi %mul3A_195, %add3A_196 : i32
      %get3A_198 = arith.index_cast %add3A_197 : i32 to index
      %get3A_199 = tpu.vector_load %arg7[%get3A_198] {strides = array<i32>} : memref<10000xi32, #tpu.memory_space<vmem>>, vector<16xi32>,
      %gather3A_200 = tpu.vector_load_idx %arg9[%get3A_199] : memref<10240xf32, #tpu.memory_space<vmem>>[vector<16xi32>], vector<16xf32>,
      %swap3A_201 = arith.constant 48 : index
      %swap3A_202 = tpu.vector_load %arg12[%swap3A_201] {strides = array<i32>} : memref<80xf32, #tpu.memory_space<vmem>>, vector<16xf32>,
      tpu.vector_store %arg12[%swap3A_201], %gather3A_200 {strides = array<i32>} : memref<80xf32, #tpu.memory_space<vmem>>, vector<16xf32>,
      %mul3A_203 = arith.constant 80 : i32
      %mul3A_204 = arith.muli %add3A_161, %mul3A_203 : i32
      %add3A_205 = arith.constant 64 : i32
      %add3A_206 = arith.addi %mul3A_204, %add3A_205 : i32
      %get3A_207 = arith.index_cast %add3A_206 : i32 to index
      %get3A_208 = tpu.vector_load %arg7[%get3A_207] {strides = array<i32>} : memref<10000xi32, #tpu.memory_space<vmem>>, vector<16xi32>,
      %gather3A_209 = tpu.vector_load_idx %arg9[%get3A_208] : memref<10240xf32, #tpu.memory_space<vmem>>[vector<16xi32>], vector<16xf32>,
      %swap3A_210 = arith.constant 64 : index
      %swap3A_211 = tpu.vector_load %arg12[%swap3A_210] {strides = array<i32>} : memref<80xf32, #tpu.memory_space<vmem>>, vector<16xf32>,
      tpu.vector_store %arg12[%swap3A_210], %gather3A_209 {strides = array<i32>} : memref<80xf32, #tpu.memory_space<vmem>>, vector<16xf32>,
      %dma_start3A_212 = arith.constant 0 : i32
      %dma_start3A_213 = tpu.memref_slice %arg8[%add3A_161, %dma_start3A_212] : memref<125x80xi32, #tpu.memory_space<vmem>> -> memref<1x80xi32, #tpu.memory_space<vmem>>
      %dma_start3A_214 = tpu.memref_squeeze %dma_start3A_213 : memref<1x80xi32, #tpu.memory_space<vmem>> -> memref<80xi32, #tpu.memory_space<vmem>>
      %dma_start3A_215 = arith.constant 0 : i32
      %dma_start3A_216 = tpu.memref_slice %arg15[%dma_start3A_215] : memref<10240xf32, #tpu.memory_space<vmem_shared>> -> memref<10240xf32, #tpu.memory_space<vmem_shared>>
      tpu.enqueue_indirect_dma source(%arg12 : memref<80xf32, #tpu.memory_space<vmem>>) target(%dma_start3A_216 : memref<10240xf32, #tpu.memory_space<vmem_shared>>) offsets(%dma_start3A_214 : memref<80xi32, #tpu.memory_space<vmem>>) semaphore(%arg18 : memref<!tpu.dma_semaphore, #tpu.memory_space<semaphore_mem>>) {add = true}
      %mul3A_217 = arith.constant 5 : i32
      %mul3A_218 = arith.muli %scan3A_46, %mul3A_217 : i32
      %add3A_219 = arith.constant 3 : i32
      %add3A_220 = arith.addi %mul3A_218, %add3A_219 : i32
      %gt3A_221 = arith.constant 0 : i32
      %gt3A_222 = arith.cmpi sgt, %scan3A_46, %gt3A_221 : i32
      %convert_element_type3A_223 = arith.extui %gt3A_222 : i1 to i32
      %cond3A_224 = arith.constant 0 : i32
      %cond3A_225 = arith.cmpi ne, %convert_element_type3A_223, %cond3A_224 : i32
      scf.if %cond3A_225 {
        %dma_wait3A_335 = arith.constant 0 : i32
        %dma_wait3A_336 = arith.constant 0 : i32
        %dma_wait3A_337 = tpu.memref_slice %arg8[%dma_wait3A_335, %dma_wait3A_336] : memref<125x80xi32, #tpu.memory_space<vmem>> -> memref<1x80xi32, #tpu.memory_space<vmem>>
        %dma_wait3A_338 = tpu.memref_squeeze %dma_wait3A_337 : memref<1x80xi32, #tpu.memory_space<vmem>> -> memref<80xi32, #tpu.memory_space<vmem>>
        %dma_wait3A_339 = arith.constant 0 : i32
        %dma_wait3A_340 = tpu.memref_slice %arg15[%dma_wait3A_339] : memref<10240xf32, #tpu.memory_space<vmem_shared>> -> memref<10240xf32, #tpu.memory_space<vmem_shared>>
        tpu.wait_indirect_dma semaphore(%arg19 : memref<!tpu.dma_semaphore, #tpu.memory_space<semaphore_mem>>) src(%arg13 : memref<80xf32, #tpu.memory_space<vmem>>) dst(%dma_wait3A_340 : memref<10240xf32, #tpu.memory_space<vmem_shared>>)
      } else {
      }
      %mul3A_226 = arith.constant 80 : i32
      %mul3A_227 = arith.muli %add3A_220, %mul3A_226 : i32
      %add3A_228 = arith.constant 0 : i32
      %add3A_229 = arith.addi %mul3A_227, %add3A_228 : i32
      %get3A_230 = arith.index_cast %add3A_229 : i32 to index
      %get3A_231 = tpu.vector_load %arg7[%get3A_230] {strides = array<i32>} : memref<10000xi32, #tpu.memory_space<vmem>>, vector<16xi32>,
      %gather3A_232 = tpu.vector_load_idx %arg9[%get3A_231] : memref<10240xf32, #tpu.memory_space<vmem>>[vector<16xi32>], vector<16xf32>,
      %swap3A_233 = arith.constant 0 : index
      %swap3A_234 = tpu.vector_load %arg13[%swap3A_233] {strides = array<i32>} : memref<80xf32, #tpu.memory_space<vmem>>, vector<16xf32>,
      tpu.vector_store %arg13[%swap3A_233], %gather3A_232 {strides = array<i32>} : memref<80xf32, #tpu.memory_space<vmem>>, vector<16xf32>,
      %mul3A_235 = arith.constant 80 : i32
      %mul3A_236 = arith.muli %add3A_220, %mul3A_235 : i32
      %add3A_237 = arith.constant 16 : i32
      %add3A_238 = arith.addi %mul3A_236, %add3A_237 : i32
      %get3A_239 = arith.index_cast %add3A_238 : i32 to index
      %get3A_240 = tpu.vector_load %arg7[%get3A_239] {strides = array<i32>} : memref<10000xi32, #tpu.memory_space<vmem>>, vector<16xi32>,
      %gather3A_241 = tpu.vector_load_idx %arg9[%get3A_240] : memref<10240xf32, #tpu.memory_space<vmem>>[vector<16xi32>], vector<16xf32>,
      %swap3A_242 = arith.constant 16 : index
      %swap3A_243 = tpu.vector_load %arg13[%swap3A_242] {strides = array<i32>} : memref<80xf32, #tpu.memory_space<vmem>>, vector<16xf32>,
      tpu.vector_store %arg13[%swap3A_242], %gather3A_241 {strides = array<i32>} : memref<80xf32, #tpu.memory_space<vmem>>, vector<16xf32>,
      %mul3A_244 = arith.constant 80 : i32
      %mul3A_245 = arith.muli %add3A_220, %mul3A_244 : i32
      %add3A_246 = arith.constant 32 : i32
      %add3A_247 = arith.addi %mul3A_245, %add3A_246 : i32
      %get3A_248 = arith.index_cast %add3A_247 : i32 to index
      %get3A_249 = tpu.vector_load %arg7[%get3A_248] {strides = array<i32>} : memref<10000xi32, #tpu.memory_space<vmem>>, vector<16xi32>,
      %gather3A_250 = tpu.vector_load_idx %arg9[%get3A_249] : memref<10240xf32, #tpu.memory_space<vmem>>[vector<16xi32>], vector<16xf32>,
      %swap3A_251 = arith.constant 32 : index
      %swap3A_252 = tpu.vector_load %arg13[%swap3A_251] {strides = array<i32>} : memref<80xf32, #tpu.memory_space<vmem>>, vector<16xf32>,
      tpu.vector_store %arg13[%swap3A_251], %gather3A_250 {strides = array<i32>} : memref<80xf32, #tpu.memory_space<vmem>>, vector<16xf32>,
      %mul3A_253 = arith.constant 80 : i32
      %mul3A_254 = arith.muli %add3A_220, %mul3A_253 : i32
      %add3A_255 = arith.constant 48 : i32
      %add3A_256 = arith.addi %mul3A_254, %add3A_255 : i32
      %get3A_257 = arith.index_cast %add3A_256 : i32 to index
      %get3A_258 = tpu.vector_load %arg7[%get3A_257] {strides = array<i32>} : memref<10000xi32, #tpu.memory_space<vmem>>, vector<16xi32>,
      %gather3A_259 = tpu.vector_load_idx %arg9[%get3A_258] : memref<10240xf32, #tpu.memory_space<vmem>>[vector<16xi32>], vector<16xf32>,
      %swap3A_260 = arith.constant 48 : index
      %swap3A_261 = tpu.vector_load %arg13[%swap3A_260] {strides = array<i32>} : memref<80xf32, #tpu.memory_space<vmem>>, vector<16xf32>,
      tpu.vector_store %arg13[%swap3A_260], %gather3A_259 {strides = array<i32>} : memref<80xf32, #tpu.memory_space<vmem>>, vector<16xf32>,
      %mul3A_262 = arith.constant 80 : i32
      %mul3A_263 = arith.muli %add3A_220, %mul3A_262 : i32
      %add3A_264 = arith.constant 64 : i32
      %add3A_265 = arith.addi %mul3A_263, %add3A_264 : i32
      %get3A_266 = arith.index_cast %add3A_265 : i32 to index
      %get3A_267 = tpu.vector_load %arg7[%get3A_266] {strides = array<i32>} : memref<10000xi32, #tpu.memory_space<vmem>>, vector<16xi32>,
      %gather3A_268 = tpu.vector_load_idx %arg9[%get3A_267] : memref<10240xf32, #tpu.memory_space<vmem>>[vector<16xi32>], vector<16xf32>,
      %swap3A_269 = arith.constant 64 : index
      %swap3A_270 = tpu.vector_load %arg13[%swap3A_269] {strides = array<i32>} : memref<80xf32, #tpu.memory_space<vmem>>, vector<16xf32>,
      tpu.vector_store %arg13[%swap3A_269], %gather3A_268 {strides = array<i32>} : memref<80xf32, #tpu.memory_space<vmem>>, vector<16xf32>,
      %dma_start3A_271 = arith.constant 0 : i32
      %dma_start3A_272 = tpu.memref_slice %arg8[%add3A_220, %dma_start3A_271] : memref<125x80xi32, #tpu.memory_space<vmem>> -> memref<1x80xi32, #tpu.memory_space<vmem>>
      %dma_start3A_273 = tpu.memref_squeeze %dma_start3A_272 : memref<1x80xi32, #tpu.memory_space<vmem>> -> memref<80xi32, #tpu.memory_space<vmem>>
      %dma_start3A_274 = arith.constant 0 : i32
      %dma_start3A_275 = tpu.memref_slice %arg15[%dma_start3A_274] : memref<10240xf32, #tpu.memory_space<vmem_shared>> -> memref<10240xf32, #tpu.memory_space<vmem_shared>>
      tpu.enqueue_indirect_dma source(%arg13 : memref<80xf32, #tpu.memory_space<vmem>>) target(%dma_start3A_275 : memref<10240xf32, #tpu.memory_space<vmem_shared>>) offsets(%dma_start3A_273 : memref<80xi32, #tpu.memory_space<vmem>>) semaphore(%arg19 : memref<!tpu.dma_semaphore, #tpu.memory_space<semaphore_mem>>) {add = true}
      %mul3A_276 = arith.constant 5 : i32
      %mul3A_277 = arith.muli %scan3A_46, %mul3A_276 : i32
      %add3A_278 = arith.constant 4 : i32
      %add3A_279 = arith.addi %mul3A_277, %add3A_278 : i32
      %gt3A_280 = arith.constant 0 : i32
      %gt3A_281 = arith.cmpi sgt, %scan3A_46, %gt3A_280 : i32
      %convert_element_type3A_282 = arith.extui %gt3A_281 : i1 to i32
      %cond3A_283 = arith.constant 0 : i32
      %cond3A_284 = arith.cmpi ne, %convert_element_type3A_282, %cond3A_283 : i32
      scf.if %cond3A_284 {
        %dma_wait3A_335 = arith.constant 0 : i32
        %dma_wait3A_336 = arith.constant 0 : i32
        %dma_wait3A_337 = tpu.memref_slice %arg8[%dma_wait3A_335, %dma_wait3A_336] : memref<125x80xi32, #tpu.memory_space<vmem>> -> memref<1x80xi32, #tpu.memory_space<vmem>>
        %dma_wait3A_338 = tpu.memref_squeeze %dma_wait3A_337 : memref<1x80xi32, #tpu.memory_space<vmem>> -> memref<80xi32, #tpu.memory_space<vmem>>
        %dma_wait3A_339 = arith.constant 0 : i32
        %dma_wait3A_340 = tpu.memref_slice %arg15[%dma_wait3A_339] : memref<10240xf32, #tpu.memory_space<vmem_shared>> -> memref<10240xf32, #tpu.memory_space<vmem_shared>>
        tpu.wait_indirect_dma semaphore(%arg20 : memref<!tpu.dma_semaphore, #tpu.memory_space<semaphore_mem>>) src(%arg14 : memref<80xf32, #tpu.memory_space<vmem>>) dst(%dma_wait3A_340 : memref<10240xf32, #tpu.memory_space<vmem_shared>>)
      } else {
      }
      %mul3A_285 = arith.constant 80 : i32
      %mul3A_286 = arith.muli %add3A_279, %mul3A_285 : i32
      %add3A_287 = arith.constant 0 : i32
      %add3A_288 = arith.addi %mul3A_286, %add3A_287 : i32
      %get3A_289 = arith.index_cast %add3A_288 : i32 to index
      %get3A_290 = tpu.vector_load %arg7[%get3A_289] {strides = array<i32>} : memref<10000xi32, #tpu.memory_space<vmem>>, vector<16xi32>,
      %gather3A_291 = tpu.vector_load_idx %arg9[%get3A_290] : memref<10240xf32, #tpu.memory_space<vmem>>[vector<16xi32>], vector<16xf32>,
      %swap3A_292 = arith.constant 0 : index
      %swap3A_293 = tpu.vector_load %arg14[%swap3A_292] {strides = array<i32>} : memref<80xf32, #tpu.memory_space<vmem>>, vector<16xf32>,
      tpu.vector_store %arg14[%swap3A_292], %gather3A_291 {strides = array<i32>} : memref<80xf32, #tpu.memory_space<vmem>>, vector<16xf32>,
      %mul3A_294 = arith.constant 80 : i32
      %mul3A_295 = arith.muli %add3A_279, %mul3A_294 : i32
      %add3A_296 = arith.constant 16 : i32
      %add3A_297 = arith.addi %mul3A_295, %add3A_296 : i32
      %get3A_298 = arith.index_cast %add3A_297 : i32 to index
      %get3A_299 = tpu.vector_load %arg7[%get3A_298] {strides = array<i32>} : memref<10000xi32, #tpu.memory_space<vmem>>, vector<16xi32>,
      %gather3A_300 = tpu.vector_load_idx %arg9[%get3A_299] : memref<10240xf32, #tpu.memory_space<vmem>>[vector<16xi32>], vector<16xf32>,
      %swap3A_301 = arith.constant 16 : index
      %swap3A_302 = tpu.vector_load %arg14[%swap3A_301] {strides = array<i32>} : memref<80xf32, #tpu.memory_space<vmem>>, vector<16xf32>,
      tpu.vector_store %arg14[%swap3A_301], %gather3A_300 {strides = array<i32>} : memref<80xf32, #tpu.memory_space<vmem>>, vector<16xf32>,
      %mul3A_303 = arith.constant 80 : i32
      %mul3A_304 = arith.muli %add3A_279, %mul3A_303 : i32
      %add3A_305 = arith.constant 32 : i32
      %add3A_306 = arith.addi %mul3A_304, %add3A_305 : i32
      %get3A_307 = arith.index_cast %add3A_306 : i32 to index
      %get3A_308 = tpu.vector_load %arg7[%get3A_307] {strides = array<i32>} : memref<10000xi32, #tpu.memory_space<vmem>>, vector<16xi32>,
      %gather3A_309 = tpu.vector_load_idx %arg9[%get3A_308] : memref<10240xf32, #tpu.memory_space<vmem>>[vector<16xi32>], vector<16xf32>,
      %swap3A_310 = arith.constant 32 : index
      %swap3A_311 = tpu.vector_load %arg14[%swap3A_310] {strides = array<i32>} : memref<80xf32, #tpu.memory_space<vmem>>, vector<16xf32>,
      tpu.vector_store %arg14[%swap3A_310], %gather3A_309 {strides = array<i32>} : memref<80xf32, #tpu.memory_space<vmem>>, vector<16xf32>,
      %mul3A_312 = arith.constant 80 : i32
      %mul3A_313 = arith.muli %add3A_279, %mul3A_312 : i32
      %add3A_314 = arith.constant 48 : i32
      %add3A_315 = arith.addi %mul3A_313, %add3A_314 : i32
      %get3A_316 = arith.index_cast %add3A_315 : i32 to index
      %get3A_317 = tpu.vector_load %arg7[%get3A_316] {strides = array<i32>} : memref<10000xi32, #tpu.memory_space<vmem>>, vector<16xi32>,
      %gather3A_318 = tpu.vector_load_idx %arg9[%get3A_317] : memref<10240xf32, #tpu.memory_space<vmem>>[vector<16xi32>], vector<16xf32>,
      %swap3A_319 = arith.constant 48 : index
      %swap3A_320 = tpu.vector_load %arg14[%swap3A_319] {strides = array<i32>} : memref<80xf32, #tpu.memory_space<vmem>>, vector<16xf32>,
      tpu.vector_store %arg14[%swap3A_319], %gather3A_318 {strides = array<i32>} : memref<80xf32, #tpu.memory_space<vmem>>, vector<16xf32>,
      %mul3A_321 = arith.constant 80 : i32
      %mul3A_322 = arith.muli %add3A_279, %mul3A_321 : i32
      %add3A_323 = arith.constant 64 : i32
      %add3A_324 = arith.addi %mul3A_322, %add3A_323 : i32
      %get3A_325 = arith.index_cast %add3A_324 : i32 to index
      %get3A_326 = tpu.vector_load %arg7[%get3A_325] {strides = array<i32>} : memref<10000xi32, #tpu.memory_space<vmem>>, vector<16xi32>,
      %gather3A_327 = tpu.vector_load_idx %arg9[%get3A_326] : memref<10240xf32, #tpu.memory_space<vmem>>[vector<16xi32>], vector<16xf32>,
      %swap3A_328 = arith.constant 64 : index
      %swap3A_329 = tpu.vector_load %arg14[%swap3A_328] {strides = array<i32>} : memref<80xf32, #tpu.memory_space<vmem>>, vector<16xf32>,
      tpu.vector_store %arg14[%swap3A_328], %gather3A_327 {strides = array<i32>} : memref<80xf32, #tpu.memory_space<vmem>>, vector<16xf32>,
      %dma_start3A_330 = arith.constant 0 : i32
      %dma_start3A_331 = tpu.memref_slice %arg8[%add3A_279, %dma_start3A_330] : memref<125x80xi32, #tpu.memory_space<vmem>> -> memref<1x80xi32, #tpu.memory_space<vmem>>
      %dma_start3A_332 = tpu.memref_squeeze %dma_start3A_331 : memref<1x80xi32, #tpu.memory_space<vmem>> -> memref<80xi32, #tpu.memory_space<vmem>>
      %dma_start3A_333 = arith.constant 0 : i32
      %dma_start3A_334 = tpu.memref_slice %arg15[%dma_start3A_333] : memref<10240xf32, #tpu.memory_space<vmem_shared>> -> memref<10240xf32, #tpu.memory_space<vmem_shared>>
      tpu.enqueue_indirect_dma source(%arg14 : memref<80xf32, #tpu.memory_space<vmem>>) target(%dma_start3A_334 : memref<10240xf32, #tpu.memory_space<vmem_shared>>) offsets(%dma_start3A_332 : memref<80xi32, #tpu.memory_space<vmem>>) semaphore(%arg20 : memref<!tpu.dma_semaphore, #tpu.memory_space<semaphore_mem>>) {add = true}
    }
    %scan3A_11 = arith.constant 25 : i32
    %dma_wait3A = arith.constant 0 : i32
    %dma_wait3A_12 = arith.constant 0 : i32
    %dma_wait3A_13 = tpu.memref_slice %arg8[%dma_wait3A, %dma_wait3A_12] : memref<125x80xi32, #tpu.memory_space<vmem>> -> memref<1x80xi32, #tpu.memory_space<vmem>>
    %dma_wait3A_14 = tpu.memref_squeeze %dma_wait3A_13 : memref<1x80xi32, #tpu.memory_space<vmem>> -> memref<80xi32, #tpu.memory_space<vmem>>
    %dma_wait3A_15 = arith.constant 0 : i32
    %dma_wait3A_16 = tpu.memref_slice %arg15[%dma_wait3A_15] : memref<10240xf32, #tpu.memory_space<vmem_shared>> -> memref<10240xf32, #tpu.memory_space<vmem_shared>>
    tpu.wait_indirect_dma semaphore(%arg16 : memref<!tpu.dma_semaphore, #tpu.memory_space<semaphore_mem>>) src(%arg10 : memref<80xf32, #tpu.memory_space<vmem>>) dst(%dma_wait3A_16 : memref<10240xf32, #tpu.memory_space<vmem_shared>>)
    %dma_wait3A_17 = arith.constant 0 : i32
    %dma_wait3A_18 = arith.constant 0 : i32
    %dma_wait3A_19 = tpu.memref_slice %arg8[%dma_wait3A_17, %dma_wait3A_18] : memref<125x80xi32, #tpu.memory_space<vmem>> -> memref<1x80xi32, #tpu.memory_space<vmem>>
    %dma_wait3A_20 = tpu.memref_squeeze %dma_wait3A_19 : memref<1x80xi32, #tpu.memory_space<vmem>> -> memref<80xi32, #tpu.memory_space<vmem>>
    %dma_wait3A_21 = arith.constant 0 : i32
    %dma_wait3A_22 = tpu.memref_slice %arg15[%dma_wait3A_21] : memref<10240xf32, #tpu.memory_space<vmem_shared>> -> memref<10240xf32, #tpu.memory_space<vmem_shared>>
    tpu.wait_indirect_dma semaphore(%arg17 : memref<!tpu.dma_semaphore, #tpu.memory_space<semaphore_mem>>) src(%arg11 : memref<80xf32, #tpu.memory_space<vmem>>) dst(%dma_wait3A_22 : memref<10240xf32, #tpu.memory_space<vmem_shared>>)
    %dma_wait3A_23 = arith.constant 0 : i32
    %dma_wait3A_24 = arith.constant 0 : i32
    %dma_wait3A_25 = tpu.memref_slice %arg8[%dma_wait3A_23, %dma_wait3A_24] : memref<125x80xi32, #tpu.memory_space<vmem>> -> memref<1x80xi32, #tpu.memory_space<vmem>>
    %dma_wait3A_26 = tpu.memref_squeeze %dma_wait3A_25 : memref<1x80xi32, #tpu.memory_space<vmem>> -> memref<80xi32, #tpu.memory_space<vmem>>
    %dma_wait3A_27 = arith.constant 0 : i32
    %dma_wait3A_28 = tpu.memref_slice %arg15[%dma_wait3A_27] : memref<10240xf32, #tpu.memory_space<vmem_shared>> -> memref<10240xf32, #tpu.memory_space<vmem_shared>>
    tpu.wait_indirect_dma semaphore(%arg18 : memref<!tpu.dma_semaphore, #tpu.memory_space<semaphore_mem>>) src(%arg12 : memref<80xf32, #tpu.memory_space<vmem>>) dst(%dma_wait3A_28 : memref<10240xf32, #tpu.memory_space<vmem_shared>>)
    %dma_wait3A_29 = arith.constant 0 : i32
    %dma_wait3A_30 = arith.constant 0 : i32
    %dma_wait3A_31 = tpu.memref_slice %arg8[%dma_wait3A_29, %dma_wait3A_30] : memref<125x80xi32, #tpu.memory_space<vmem>> -> memref<1x80xi32, #tpu.memory_space<vmem>>
    %dma_wait3A_32 = tpu.memref_squeeze %dma_wait3A_31 : memref<1x80xi32, #tpu.memory_space<vmem>> -> memref<80xi32, #tpu.memory_space<vmem>>
    %dma_wait3A_33 = arith.constant 0 : i32
    %dma_wait3A_34 = tpu.memref_slice %arg15[%dma_wait3A_33] : memref<10240xf32, #tpu.memory_space<vmem_shared>> -> memref<10240xf32, #tpu.memory_space<vmem_shared>>
    tpu.wait_indirect_dma semaphore(%arg19 : memref<!tpu.dma_semaphore, #tpu.memory_space<semaphore_mem>>) src(%arg13 : memref<80xf32, #tpu.memory_space<vmem>>) dst(%dma_wait3A_34 : memref<10240xf32, #tpu.memory_space<vmem_shared>>)
    %dma_wait3A_35 = arith.constant 0 : i32
    %dma_wait3A_36 = arith.constant 0 : i32
    %dma_wait3A_37 = tpu.memref_slice %arg8[%dma_wait3A_35, %dma_wait3A_36] : memref<125x80xi32, #tpu.memory_space<vmem>> -> memref<1x80xi32, #tpu.memory_space<vmem>>
    %dma_wait3A_38 = tpu.memref_squeeze %dma_wait3A_37 : memref<1x80xi32, #tpu.memory_space<vmem>> -> memref<80xi32, #tpu.memory_space<vmem>>
    %dma_wait3A_39 = arith.constant 0 : i32
    %dma_wait3A_40 = tpu.memref_slice %arg15[%dma_wait3A_39] : memref<10240xf32, #tpu.memory_space<vmem_shared>> -> memref<10240xf32, #tpu.memory_space<vmem_shared>>
    tpu.wait_indirect_dma semaphore(%arg20 : memref<!tpu.dma_semaphore, #tpu.memory_space<semaphore_mem>>) src(%arg14 : memref<80xf32, #tpu.memory_space<vmem>>) dst(%dma_wait3A_40 : memref<10240xf32, #tpu.memory_space<vmem_shared>>)
    %barrier3A_41 = arith.constant 0 : index
    tpu.barrier barrier_id(%barrier3A_41)
    %mul3A_42 = arith.constant 640 : i32
    %mul3A_43 = arith.muli %arg1, %mul3A_42 : i32
    %mul3A_44 = arith.constant 640 : i32
    %mul3A_45 = arith.muli %arg1, %mul3A_44 : i32
    "tpu.region"() ({
      %run_scoped3A = tpu.sem_alloc : memref<!tpu.dma_semaphore, #tpu.memory_space<semaphore_mem>>
      %dma_start3A = tpu.memref_slice %arg6[%arg0, %mul3A_45] : memref<2x10240xf32, #tpu.memory_space<hbm>> -> memref<1x640xf32, #tpu.memory_space<hbm>>
      %dma_start3A_46 = tpu.memref_squeeze %dma_start3A : memref<1x640xf32, #tpu.memory_space<hbm>> -> memref<640xf32, #tpu.memory_space<hbm>>
      %dma_start3A_47 = tpu.memref_slice %arg15[%mul3A_43] : memref<10240xf32, #tpu.memory_space<vmem_shared>> -> memref<640xf32, #tpu.memory_space<vmem_shared>>
      tpu.enqueue_dma source(%dma_start3A_47 : memref<640xf32, #tpu.memory_space<vmem_shared>>) target(%dma_start3A_46 : memref<640xf32, #tpu.memory_space<hbm>>) target_semaphore(%run_scoped3A : memref<!tpu.dma_semaphore, #tpu.memory_space<semaphore_mem>>)
      %dma_wait3A_48 = tpu.memref_slice %arg6[%arg0, %mul3A_45] : memref<2x10240xf32, #tpu.memory_space<hbm>> -> memref<1x640xf32, #tpu.memory_space<hbm>>
      %dma_wait3A_49 = tpu.memref_squeeze %dma_wait3A_48 : memref<1x640xf32, #tpu.memory_space<hbm>> -> memref<640xf32, #tpu.memory_space<hbm>>
      %dma_wait3A_50 = tpu.memref_slice %arg15[%mul3A_43] : memref<10240xf32, #tpu.memory_space<vmem_shared>> -> memref<640xf32, #tpu.memory_space<vmem_shared>>
      tpu.wait_dma2 semaphore(%run_scoped3A : memref<!tpu.dma_semaphore, #tpu.memory_space<semaphore_mem>>) src(%dma_wait3A_50 : memref<640xf32, #tpu.memory_space<vmem_shared>>) dst(%dma_wait3A_49 : memref<640xf32, #tpu.memory_space<hbm>>)
      tpu.yield
    }) : () -> ()
    return
  }
}

#map = affine_map<(d0, d1) -> (0, 0, 0, 0)>
#map1 = affine_map<(d0, d1) -> (0, 0)>
#map2 = affine_map<(d0, d1) -> (0, 0, 0)>
module attributes {stable_mosaic.version = 14 : i64} {
  func.func @_rows_agg_body(%arg0: i32, %arg1: i32, %arg2: memref<32x125x2x80xi32, #tpu.memory_space<hbm>>, %arg3: memref<10000x128xf32, #tpu.memory_space<hbm>>, %arg4: memref<10240x128xf32, #tpu.memory_space<hbm>>, %arg5: memref<2x10240x128xf32, #tpu.memory_space<hbm>>, %arg6: memref<2x80xi32, #tpu.memory_space<vmem>>, %arg7: memref<2x80xi32, #tpu.memory_space<vmem>>, %arg8: memref<2x80xi32, #tpu.memory_space<vmem>>, %arg9: memref<2x80xi32, #tpu.memory_space<vmem>>, %arg10: memref<2x80xi32, #tpu.memory_space<vmem>>, %arg11: memref<2x80xi32, #tpu.memory_space<vmem>>, %arg12: memref<80x128xf32, #tpu.memory_space<vmem>>, %arg13: memref<80x128xf32, #tpu.memory_space<vmem>>, %arg14: memref<80x128xf32, #tpu.memory_space<vmem>>, %arg15: memref<10240x128xf32, #tpu.memory_space<vmem_shared>>, %arg16: memref<!tpu.dma_semaphore, #tpu.memory_space<semaphore_mem>>, %arg17: memref<!tpu.dma_semaphore, #tpu.memory_space<semaphore_mem>>, %arg18: memref<!tpu.dma_semaphore, #tpu.memory_space<semaphore_mem>>, %arg19: memref<!tpu.dma_semaphore, #tpu.memory_space<semaphore_mem>>, %arg20: memref<!tpu.dma_semaphore, #tpu.memory_space<semaphore_mem>>, %arg21: memref<!tpu.dma_semaphore, #tpu.memory_space<semaphore_mem>>, %arg22: memref<!tpu.dma_semaphore, #tpu.memory_space<semaphore_mem>>, %arg23: memref<!tpu.dma_semaphore, #tpu.memory_space<semaphore_mem>>, %arg24: memref<!tpu.dma_semaphore, #tpu.memory_space<semaphore_mem>>, %arg25: memref<!tpu.dma_semaphore, #tpu.memory_space<semaphore_mem>>, %arg26: memref<!tpu.dma_semaphore, #tpu.memory_space<semaphore_mem>>, %arg27: memref<!tpu.dma_semaphore, #tpu.memory_space<semaphore_mem>>) attributes {dimension_semantics = [#tpu.dimension_semantics<core_parallel>, #tpu.dimension_semantics<subcore_parallel>], iteration_bounds = array<i64: 2, 16>, scalar_prefetch = 0 : i64, scratch_operands = 22 : i64, tpu.core_type = #tpu.core_type<sc_vector_subcore>, window_params = [{transform_indices = #map}, {transform_indices = #map1}, {transform_indices = #map1}, {transform_indices = #map2}]} {
    %mul3A = arith.constant 16 : i32
    %mul3A_0 = arith.muli %arg0, %mul3A : i32
    %add3A = arith.addi %mul3A_0, %arg1 : i32
    %dma_start3A = arith.constant 0 : i32
    %dma_start3A_1 = arith.constant 0 : i32
    %dma_start3A_2 = arith.constant 0 : i32
    %dma_start3A_3 = tpu.memref_slice %arg2[%add3A, %dma_start3A, %dma_start3A_1, %dma_start3A_2] : memref<32x125x2x80xi32, #tpu.memory_space<hbm>> -> memref<1x1x2x80xi32, #tpu.memory_space<hbm>>
    %dma_start3A_4 = tpu.memref_squeeze %dma_start3A_3 : memref<1x1x2x80xi32, #tpu.memory_space<hbm>> -> memref<2x80xi32, #tpu.memory_space<hbm>>
    %dma_start3A_5 = arith.constant 0 : i32
    %dma_start3A_6 = arith.constant 0 : i32
    %dma_start3A_7 = tpu.memref_slice %arg2[%add3A, %dma_start3A, %dma_start3A_5, %dma_start3A_6] : memref<32x125x2x80xi32, #tpu.memory_space<hbm>> -> memref<1x1x2x80xi32, #tpu.memory_space<hbm>>
    %dma_start3A_8 = tpu.memref_squeeze %dma_start3A_7 : memref<1x1x2x80xi32, #tpu.memory_space<hbm>> -> memref<2x80xi32, #tpu.memory_space<hbm>>
    tpu.enqueue_dma source(%dma_start3A_8 : memref<2x80xi32, #tpu.memory_space<hbm>>) target(%arg6 : memref<2x80xi32, #tpu.memory_space<vmem>>) target_semaphore(%arg16 : memref<!tpu.dma_semaphore, #tpu.memory_space<semaphore_mem>>)
    %dma_start3A_9 = arith.constant 3 : i32
    %dma_start3A_10 = arith.constant 0 : i32
    %dma_start3A_11 = arith.constant 0 : i32
    %dma_start3A_12 = tpu.memref_slice %arg2[%add3A, %dma_start3A_9, %dma_start3A_10, %dma_start3A_11] : memref<32x125x2x80xi32, #tpu.memory_space<hbm>> -> memref<1x1x2x80xi32, #tpu.memory_space<hbm>>
    %dma_start3A_13 = tpu.memref_squeeze %dma_start3A_12 : memref<1x1x2x80xi32, #tpu.memory_space<hbm>> -> memref<2x80xi32, #tpu.memory_space<hbm>>
    %dma_start3A_14 = arith.constant 0 : i32
    %dma_start3A_15 = arith.constant 0 : i32
    %dma_start3A_16 = tpu.memref_slice %arg2[%add3A, %dma_start3A_9, %dma_start3A_14, %dma_start3A_15] : memref<32x125x2x80xi32, #tpu.memory_space<hbm>> -> memref<1x1x2x80xi32, #tpu.memory_space<hbm>>
    %dma_start3A_17 = tpu.memref_squeeze %dma_start3A_16 : memref<1x1x2x80xi32, #tpu.memory_space<hbm>> -> memref<2x80xi32, #tpu.memory_space<hbm>>
    tpu.enqueue_dma source(%dma_start3A_17 : memref<2x80xi32, #tpu.memory_space<hbm>>) target(%arg9 : memref<2x80xi32, #tpu.memory_space<vmem>>) target_semaphore(%arg19 : memref<!tpu.dma_semaphore, #tpu.memory_space<semaphore_mem>>)
    %dma_start3A_18 = arith.constant 1 : i32
    %dma_start3A_19 = arith.constant 0 : i32
    %dma_start3A_20 = arith.constant 0 : i32
    %dma_start3A_21 = tpu.memref_slice %arg2[%add3A, %dma_start3A_18, %dma_start3A_19, %dma_start3A_20] : memref<32x125x2x80xi32, #tpu.memory_space<hbm>> -> memref<1x1x2x80xi32, #tpu.memory_space<hbm>>
    %dma_start3A_22 = tpu.memref_squeeze %dma_start3A_21 : memref<1x1x2x80xi32, #tpu.memory_space<hbm>> -> memref<2x80xi32, #tpu.memory_space<hbm>>
    %dma_start3A_23 = arith.constant 0 : i32
    %dma_start3A_24 = arith.constant 0 : i32
    %dma_start3A_25 = tpu.memref_slice %arg2[%add3A, %dma_start3A_18, %dma_start3A_23, %dma_start3A_24] : memref<32x125x2x80xi32, #tpu.memory_space<hbm>> -> memref<1x1x2x80xi32, #tpu.memory_space<hbm>>
    %dma_start3A_26 = tpu.memref_squeeze %dma_start3A_25 : memref<1x1x2x80xi32, #tpu.memory_space<hbm>> -> memref<2x80xi32, #tpu.memory_space<hbm>>
    tpu.enqueue_dma source(%dma_start3A_26 : memref<2x80xi32, #tpu.memory_space<hbm>>) target(%arg7 : memref<2x80xi32, #tpu.memory_space<vmem>>) target_semaphore(%arg17 : memref<!tpu.dma_semaphore, #tpu.memory_space<semaphore_mem>>)
    %dma_start3A_27 = arith.constant 4 : i32
    %dma_start3A_28 = arith.constant 0 : i32
    %dma_start3A_29 = arith.constant 0 : i32
    %dma_start3A_30 = tpu.memref_slice %arg2[%add3A, %dma_start3A_27, %dma_start3A_28, %dma_start3A_29] : memref<32x125x2x80xi32, #tpu.memory_space<hbm>> -> memref<1x1x2x80xi32, #tpu.memory_space<hbm>>
    %dma_start3A_31 = tpu.memref_squeeze %dma_start3A_30 : memref<1x1x2x80xi32, #tpu.memory_space<hbm>> -> memref<2x80xi32, #tpu.memory_space<hbm>>
    %dma_start3A_32 = arith.constant 0 : i32
    %dma_start3A_33 = arith.constant 0 : i32
    %dma_start3A_34 = tpu.memref_slice %arg2[%add3A, %dma_start3A_27, %dma_start3A_32, %dma_start3A_33] : memref<32x125x2x80xi32, #tpu.memory_space<hbm>> -> memref<1x1x2x80xi32, #tpu.memory_space<hbm>>
    %dma_start3A_35 = tpu.memref_squeeze %dma_start3A_34 : memref<1x1x2x80xi32, #tpu.memory_space<hbm>> -> memref<2x80xi32, #tpu.memory_space<hbm>>
    tpu.enqueue_dma source(%dma_start3A_35 : memref<2x80xi32, #tpu.memory_space<hbm>>) target(%arg10 : memref<2x80xi32, #tpu.memory_space<vmem>>) target_semaphore(%arg20 : memref<!tpu.dma_semaphore, #tpu.memory_space<semaphore_mem>>)
    %dma_start3A_36 = arith.constant 2 : i32
    %dma_start3A_37 = arith.constant 0 : i32
    %dma_start3A_38 = arith.constant 0 : i32
    %dma_start3A_39 = tpu.memref_slice %arg2[%add3A, %dma_start3A_36, %dma_start3A_37, %dma_start3A_38] : memref<32x125x2x80xi32, #tpu.memory_space<hbm>> -> memref<1x1x2x80xi32, #tpu.memory_space<hbm>>
    %dma_start3A_40 = tpu.memref_squeeze %dma_start3A_39 : memref<1x1x2x80xi32, #tpu.memory_space<hbm>> -> memref<2x80xi32, #tpu.memory_space<hbm>>
    %dma_start3A_41 = arith.constant 0 : i32
    %dma_start3A_42 = arith.constant 0 : i32
    %dma_start3A_43 = tpu.memref_slice %arg2[%add3A, %dma_start3A_36, %dma_start3A_41, %dma_start3A_42] : memref<32x125x2x80xi32, #tpu.memory_space<hbm>> -> memref<1x1x2x80xi32, #tpu.memory_space<hbm>>
    %dma_start3A_44 = tpu.memref_squeeze %dma_start3A_43 : memref<1x1x2x80xi32, #tpu.memory_space<hbm>> -> memref<2x80xi32, #tpu.memory_space<hbm>>
    tpu.enqueue_dma source(%dma_start3A_44 : memref<2x80xi32, #tpu.memory_space<hbm>>) target(%arg8 : memref<2x80xi32, #tpu.memory_space<vmem>>) target_semaphore(%arg18 : memref<!tpu.dma_semaphore, #tpu.memory_space<semaphore_mem>>)
    %dma_start3A_45 = arith.constant 5 : i32
    %dma_start3A_46 = arith.constant 0 : i32
    %dma_start3A_47 = arith.constant 0 : i32
    %dma_start3A_48 = tpu.memref_slice %arg2[%add3A, %dma_start3A_45, %dma_start3A_46, %dma_start3A_47] : memref<32x125x2x80xi32, #tpu.memory_space<hbm>> -> memref<1x1x2x80xi32, #tpu.memory_space<hbm>>
    %dma_start3A_49 = tpu.memref_squeeze %dma_start3A_48 : memref<1x1x2x80xi32, #tpu.memory_space<hbm>> -> memref<2x80xi32, #tpu.memory_space<hbm>>
    %dma_start3A_50 = arith.constant 0 : i32
    %dma_start3A_51 = arith.constant 0 : i32
    %dma_start3A_52 = tpu.memref_slice %arg2[%add3A, %dma_start3A_45, %dma_start3A_50, %dma_start3A_51] : memref<32x125x2x80xi32, #tpu.memory_space<hbm>> -> memref<1x1x2x80xi32, #tpu.memory_space<hbm>>
    %dma_start3A_53 = tpu.memref_squeeze %dma_start3A_52 : memref<1x1x2x80xi32, #tpu.memory_space<hbm>> -> memref<2x80xi32, #tpu.memory_space<hbm>>
    tpu.enqueue_dma source(%dma_start3A_53 : memref<2x80xi32, #tpu.memory_space<hbm>>) target(%arg11 : memref<2x80xi32, #tpu.memory_space<vmem>>) target_semaphore(%arg21 : memref<!tpu.dma_semaphore, #tpu.memory_space<semaphore_mem>>)
    %mul3A_54 = arith.constant 640 : i32
    %mul3A_55 = arith.muli %arg1, %mul3A_54 : i32
    %mul3A_56 = arith.constant 640 : i32
    %mul3A_57 = arith.muli %arg1, %mul3A_56 : i32
    "tpu.region"() ({
      %run_scoped3A = tpu.sem_alloc : memref<!tpu.dma_semaphore, #tpu.memory_space<semaphore_mem>>
      %dma_start3A_252 = arith.constant 0 : i32
      %dma_start3A_253 = tpu.memref_slice %arg15[%mul3A_57, %dma_start3A_252] : memref<10240x128xf32, #tpu.memory_space<vmem_shared>> -> memref<640x128xf32, #tpu.memory_space<vmem_shared>>
      %dma_start3A_254 = arith.constant 0 : i32
      %dma_start3A_255 = tpu.memref_slice %arg4[%mul3A_55, %dma_start3A_254] : memref<10240x128xf32, #tpu.memory_space<hbm>> -> memref<640x128xf32, #tpu.memory_space<hbm>>
      tpu.enqueue_dma source(%dma_start3A_255 : memref<640x128xf32, #tpu.memory_space<hbm>>) target(%dma_start3A_253 : memref<640x128xf32, #tpu.memory_space<vmem_shared>>) target_semaphore(%run_scoped3A : memref<!tpu.dma_semaphore, #tpu.memory_space<semaphore_mem>>)
      %dma_wait3A_256 = arith.constant 0 : i32
      %dma_wait3A_257 = tpu.memref_slice %arg15[%mul3A_57, %dma_wait3A_256] : memref<10240x128xf32, #tpu.memory_space<vmem_shared>> -> memref<640x128xf32, #tpu.memory_space<vmem_shared>>
      %dma_wait3A_258 = arith.constant 0 : i32
      %dma_wait3A_259 = tpu.memref_slice %arg4[%mul3A_55, %dma_wait3A_258] : memref<10240x128xf32, #tpu.memory_space<hbm>> -> memref<640x128xf32, #tpu.memory_space<hbm>>
      tpu.wait_dma2 semaphore(%run_scoped3A : memref<!tpu.dma_semaphore, #tpu.memory_space<semaphore_mem>>) src(%dma_wait3A_259 : memref<640x128xf32, #tpu.memory_space<hbm>>) dst(%dma_wait3A_257 : memref<640x128xf32, #tpu.memory_space<vmem_shared>>)
      tpu.yield
    }) : () -> ()
    %dma_wait3A = arith.constant 0 : i32
    %dma_wait3A_58 = arith.constant 0 : i32
    %dma_wait3A_59 = arith.constant 0 : i32
    %dma_wait3A_60 = tpu.memref_slice %arg2[%add3A, %dma_wait3A, %dma_wait3A_58, %dma_wait3A_59] : memref<32x125x2x80xi32, #tpu.memory_space<hbm>> -> memref<1x1x2x80xi32, #tpu.memory_space<hbm>>
    %dma_wait3A_61 = tpu.memref_squeeze %dma_wait3A_60 : memref<1x1x2x80xi32, #tpu.memory_space<hbm>> -> memref<2x80xi32, #tpu.memory_space<hbm>>
    %dma_wait3A_62 = arith.constant 0 : i32
    %dma_wait3A_63 = arith.constant 0 : i32
    %dma_wait3A_64 = tpu.memref_slice %arg2[%add3A, %dma_wait3A, %dma_wait3A_62, %dma_wait3A_63] : memref<32x125x2x80xi32, #tpu.memory_space<hbm>> -> memref<1x1x2x80xi32, #tpu.memory_space<hbm>>
    %dma_wait3A_65 = tpu.memref_squeeze %dma_wait3A_64 : memref<1x1x2x80xi32, #tpu.memory_space<hbm>> -> memref<2x80xi32, #tpu.memory_space<hbm>>
    tpu.wait_dma2 semaphore(%arg16 : memref<!tpu.dma_semaphore, #tpu.memory_space<semaphore_mem>>) src(%dma_wait3A_65 : memref<2x80xi32, #tpu.memory_space<hbm>>) dst(%arg6 : memref<2x80xi32, #tpu.memory_space<vmem>>)
    %dma_start3A_66 = arith.constant 0 : i32
    %dma_start3A_67 = arith.constant 0 : i32
    %dma_start3A_68 = tpu.memref_slice %arg6[%dma_start3A_66, %dma_start3A_67] : memref<2x80xi32, #tpu.memory_space<vmem>> -> memref<1x80xi32, #tpu.memory_space<vmem>>
    %dma_start3A_69 = tpu.memref_squeeze %dma_start3A_68 : memref<1x80xi32, #tpu.memory_space<vmem>> -> memref<80xi32, #tpu.memory_space<vmem>>
    %dma_start3A_70 = arith.constant 0 : i32
    %dma_start3A_71 = arith.constant 0 : i32
    %dma_start3A_72 = tpu.memref_slice %arg3[%dma_start3A_70, %dma_start3A_71] : memref<10000x128xf32, #tpu.memory_space<hbm>> -> memref<10000x128xf32, #tpu.memory_space<hbm>>
    tpu.enqueue_indirect_dma source(%dma_start3A_72 : memref<10000x128xf32, #tpu.memory_space<hbm>>) target(%arg12 : memref<80x128xf32, #tpu.memory_space<vmem>>) offsets(%dma_start3A_69 : memref<80xi32, #tpu.memory_space<vmem>>) semaphore(%arg22 : memref<!tpu.dma_semaphore, #tpu.memory_space<semaphore_mem>>)
    %dma_wait3A_73 = arith.constant 0 : i32
    %dma_wait3A_74 = arith.constant 0 : i32
    %dma_wait3A_75 = arith.constant 0 : i32
    %dma_wait3A_76 = tpu.memref_slice %arg2[%add3A, %dma_wait3A_73, %dma_wait3A_74, %dma_wait3A_75] : memref<32x125x2x80xi32, #tpu.memory_space<hbm>> -> memref<1x1x2x80xi32, #tpu.memory_space<hbm>>
    %dma_wait3A_77 = tpu.memref_squeeze %dma_wait3A_76 : memref<1x1x2x80xi32, #tpu.memory_space<hbm>> -> memref<2x80xi32, #tpu.memory_space<hbm>>
    %dma_wait3A_78 = arith.constant 0 : i32
    %dma_wait3A_79 = arith.constant 0 : i32
    %dma_wait3A_80 = tpu.memref_slice %arg2[%add3A, %dma_wait3A_73, %dma_wait3A_78, %dma_wait3A_79] : memref<32x125x2x80xi32, #tpu.memory_space<hbm>> -> memref<1x1x2x80xi32, #tpu.memory_space<hbm>>
    %dma_wait3A_81 = tpu.memref_squeeze %dma_wait3A_80 : memref<1x1x2x80xi32, #tpu.memory_space<hbm>> -> memref<2x80xi32, #tpu.memory_space<hbm>>
    tpu.wait_dma2 semaphore(%arg17 : memref<!tpu.dma_semaphore, #tpu.memory_space<semaphore_mem>>) src(%dma_wait3A_81 : memref<2x80xi32, #tpu.memory_space<hbm>>) dst(%arg7 : memref<2x80xi32, #tpu.memory_space<vmem>>)
    %dma_start3A_82 = arith.constant 0 : i32
    %dma_start3A_83 = arith.constant 0 : i32
    %dma_start3A_84 = tpu.memref_slice %arg7[%dma_start3A_82, %dma_start3A_83] : memref<2x80xi32, #tpu.memory_space<vmem>> -> memref<1x80xi32, #tpu.memory_space<vmem>>
    %dma_start3A_85 = tpu.memref_squeeze %dma_start3A_84 : memref<1x80xi32, #tpu.memory_space<vmem>> -> memref<80xi32, #tpu.memory_space<vmem>>
    %dma_start3A_86 = arith.constant 0 : i32
    %dma_start3A_87 = arith.constant 0 : i32
    %dma_start3A_88 = tpu.memref_slice %arg3[%dma_start3A_86, %dma_start3A_87] : memref<10000x128xf32, #tpu.memory_space<hbm>> -> memref<10000x128xf32, #tpu.memory_space<hbm>>
    tpu.enqueue_indirect_dma source(%dma_start3A_88 : memref<10000x128xf32, #tpu.memory_space<hbm>>) target(%arg13 : memref<80x128xf32, #tpu.memory_space<vmem>>) offsets(%dma_start3A_85 : memref<80xi32, #tpu.memory_space<vmem>>) semaphore(%arg23 : memref<!tpu.dma_semaphore, #tpu.memory_space<semaphore_mem>>)
    %dma_wait3A_89 = arith.constant 0 : i32
    %dma_wait3A_90 = arith.constant 0 : i32
    %dma_wait3A_91 = arith.constant 0 : i32
    %dma_wait3A_92 = tpu.memref_slice %arg2[%add3A, %dma_wait3A_89, %dma_wait3A_90, %dma_wait3A_91] : memref<32x125x2x80xi32, #tpu.memory_space<hbm>> -> memref<1x1x2x80xi32, #tpu.memory_space<hbm>>
    %dma_wait3A_93 = tpu.memref_squeeze %dma_wait3A_92 : memref<1x1x2x80xi32, #tpu.memory_space<hbm>> -> memref<2x80xi32, #tpu.memory_space<hbm>>
    %dma_wait3A_94 = arith.constant 0 : i32
    %dma_wait3A_95 = arith.constant 0 : i32
    %dma_wait3A_96 = tpu.memref_slice %arg2[%add3A, %dma_wait3A_89, %dma_wait3A_94, %dma_wait3A_95] : memref<32x125x2x80xi32, #tpu.memory_space<hbm>> -> memref<1x1x2x80xi32, #tpu.memory_space<hbm>>
    %dma_wait3A_97 = tpu.memref_squeeze %dma_wait3A_96 : memref<1x1x2x80xi32, #tpu.memory_space<hbm>> -> memref<2x80xi32, #tpu.memory_space<hbm>>
    tpu.wait_dma2 semaphore(%arg18 : memref<!tpu.dma_semaphore, #tpu.memory_space<semaphore_mem>>) src(%dma_wait3A_97 : memref<2x80xi32, #tpu.memory_space<hbm>>) dst(%arg8 : memref<2x80xi32, #tpu.memory_space<vmem>>)
    %dma_start3A_98 = arith.constant 0 : i32
    %dma_start3A_99 = arith.constant 0 : i32
    %dma_start3A_100 = tpu.memref_slice %arg8[%dma_start3A_98, %dma_start3A_99] : memref<2x80xi32, #tpu.memory_space<vmem>> -> memref<1x80xi32, #tpu.memory_space<vmem>>
    %dma_start3A_101 = tpu.memref_squeeze %dma_start3A_100 : memref<1x80xi32, #tpu.memory_space<vmem>> -> memref<80xi32, #tpu.memory_space<vmem>>
    %dma_start3A_102 = arith.constant 0 : i32
    %dma_start3A_103 = arith.constant 0 : i32
    %dma_start3A_104 = tpu.memref_slice %arg3[%dma_start3A_102, %dma_start3A_103] : memref<10000x128xf32, #tpu.memory_space<hbm>> -> memref<10000x128xf32, #tpu.memory_space<hbm>>
    tpu.enqueue_indirect_dma source(%dma_start3A_104 : memref<10000x128xf32, #tpu.memory_space<hbm>>) target(%arg14 : memref<80x128xf32, #tpu.memory_space<vmem>>) offsets(%dma_start3A_101 : memref<80xi32, #tpu.memory_space<vmem>>) semaphore(%arg24 : memref<!tpu.dma_semaphore, #tpu.memory_space<semaphore_mem>>)
    %barrier3A = arith.constant 0 : index
    tpu.barrier barrier_id(%barrier3A)
    %scan3A = arith.constant 0 : i32
    %scan3A_105 = arith.constant 0 : i32
    %scan3A_106 = arith.constant 20 : i32
    %scan3A_107 = arith.addi %scan3A_105, %scan3A_106 : i32
    %scan3A_108 = arith.constant 1 : i32
    scf.for %scan3A_252 = %scan3A_105 to %scan3A_107 step %scan3A_108  : i32 {
      %mul3A_253 = arith.constant 2 : i32
      %mul3A_254 = arith.muli %scan3A_252, %mul3A_253 : i32
      %mul3A_255 = arith.constant 3 : i32
      %mul3A_256 = arith.muli %mul3A_254, %mul3A_255 : i32
      %dma_wait3A_257 = arith.constant 0 : i32
      %dma_wait3A_258 = arith.constant 0 : i32
      %dma_wait3A_259 = tpu.memref_slice %arg6[%dma_wait3A_257, %dma_wait3A_258] : memref<2x80xi32, #tpu.memory_space<vmem>> -> memref<1x80xi32, #tpu.memory_space<vmem>>
      %dma_wait3A_260 = tpu.memref_squeeze %dma_wait3A_259 : memref<1x80xi32, #tpu.memory_space<vmem>> -> memref<80xi32, #tpu.memory_space<vmem>>
      %dma_wait3A_261 = arith.constant 0 : i32
      %dma_wait3A_262 = arith.constant 0 : i32
      %dma_wait3A_263 = tpu.memref_slice %arg3[%dma_wait3A_261, %dma_wait3A_262] : memref<10000x128xf32, #tpu.memory_space<hbm>> -> memref<10000x128xf32, #tpu.memory_space<hbm>>
      tpu.wait_indirect_dma semaphore(%arg22 : memref<!tpu.dma_semaphore, #tpu.memory_space<semaphore_mem>>) src(%dma_wait3A_263 : memref<10000x128xf32, #tpu.memory_space<hbm>>) dst(%arg12 : memref<80x128xf32, #tpu.memory_space<vmem>>)
      %dma_start3A_264 = arith.constant 1 : i32
      %dma_start3A_265 = arith.constant 0 : i32
      %dma_start3A_266 = tpu.memref_slice %arg6[%dma_start3A_264, %dma_start3A_265] : memref<2x80xi32, #tpu.memory_space<vmem>> -> memref<1x80xi32, #tpu.memory_space<vmem>>
      %dma_start3A_267 = tpu.memref_squeeze %dma_start3A_266 : memref<1x80xi32, #tpu.memory_space<vmem>> -> memref<80xi32, #tpu.memory_space<vmem>>
      %dma_start3A_268 = arith.constant 0 : i32
      %dma_start3A_269 = arith.constant 0 : i32
      %dma_start3A_270 = tpu.memref_slice %arg15[%dma_start3A_268, %dma_start3A_269] : memref<10240x128xf32, #tpu.memory_space<vmem_shared>> -> memref<10240x128xf32, #tpu.memory_space<vmem_shared>>
      tpu.enqueue_indirect_dma source(%arg12 : memref<80x128xf32, #tpu.memory_space<vmem>>) target(%dma_start3A_270 : memref<10240x128xf32, #tpu.memory_space<vmem_shared>>) offsets(%dma_start3A_267 : memref<80xi32, #tpu.memory_space<vmem>>) semaphore(%arg25 : memref<!tpu.dma_semaphore, #tpu.memory_space<semaphore_mem>>) {add = true}
      %dma_wait3A_271 = arith.constant 0 : i32
      %dma_wait3A_272 = arith.constant 0 : i32
      %dma_wait3A_273 = tpu.memref_slice %arg7[%dma_wait3A_271, %dma_wait3A_272] : memref<2x80xi32, #tpu.memory_space<vmem>> -> memref<1x80xi32, #tpu.memory_space<vmem>>
      %dma_wait3A_274 = tpu.memref_squeeze %dma_wait3A_273 : memref<1x80xi32, #tpu.memory_space<vmem>> -> memref<80xi32, #tpu.memory_space<vmem>>
      %dma_wait3A_275 = arith.constant 0 : i32
      %dma_wait3A_276 = arith.constant 0 : i32
      %dma_wait3A_277 = tpu.memref_slice %arg3[%dma_wait3A_275, %dma_wait3A_276] : memref<10000x128xf32, #tpu.memory_space<hbm>> -> memref<10000x128xf32, #tpu.memory_space<hbm>>
      tpu.wait_indirect_dma semaphore(%arg23 : memref<!tpu.dma_semaphore, #tpu.memory_space<semaphore_mem>>) src(%dma_wait3A_277 : memref<10000x128xf32, #tpu.memory_space<hbm>>) dst(%arg13 : memref<80x128xf32, #tpu.memory_space<vmem>>)
      %dma_start3A_278 = arith.constant 1 : i32
      %dma_start3A_279 = arith.constant 0 : i32
      %dma_start3A_280 = tpu.memref_slice %arg7[%dma_start3A_278, %dma_start3A_279] : memref<2x80xi32, #tpu.memory_space<vmem>> -> memref<1x80xi32, #tpu.memory_space<vmem>>
      %dma_start3A_281 = tpu.memref_squeeze %dma_start3A_280 : memref<1x80xi32, #tpu.memory_space<vmem>> -> memref<80xi32, #tpu.memory_space<vmem>>
      %dma_start3A_282 = arith.constant 0 : i32
      %dma_start3A_283 = arith.constant 0 : i32
      %dma_start3A_284 = tpu.memref_slice %arg15[%dma_start3A_282, %dma_start3A_283] : memref<10240x128xf32, #tpu.memory_space<vmem_shared>> -> memref<10240x128xf32, #tpu.memory_space<vmem_shared>>
      tpu.enqueue_indirect_dma source(%arg13 : memref<80x128xf32, #tpu.memory_space<vmem>>) target(%dma_start3A_284 : memref<10240x128xf32, #tpu.memory_space<vmem_shared>>) offsets(%dma_start3A_281 : memref<80xi32, #tpu.memory_space<vmem>>) semaphore(%arg26 : memref<!tpu.dma_semaphore, #tpu.memory_space<semaphore_mem>>) {add = true}
      %dma_wait3A_285 = arith.constant 0 : i32
      %dma_wait3A_286 = arith.constant 0 : i32
      %dma_wait3A_287 = tpu.memref_slice %arg8[%dma_wait3A_285, %dma_wait3A_286] : memref<2x80xi32, #tpu.memory_space<vmem>> -> memref<1x80xi32, #tpu.memory_space<vmem>>
      %dma_wait3A_288 = tpu.memref_squeeze %dma_wait3A_287 : memref<1x80xi32, #tpu.memory_space<vmem>> -> memref<80xi32, #tpu.memory_space<vmem>>
      %dma_wait3A_289 = arith.constant 0 : i32
      %dma_wait3A_290 = arith.constant 0 : i32
      %dma_wait3A_291 = tpu.memref_slice %arg3[%dma_wait3A_289, %dma_wait3A_290] : memref<10000x128xf32, #tpu.memory_space<hbm>> -> memref<10000x128xf32, #tpu.memory_space<hbm>>
      tpu.wait_indirect_dma semaphore(%arg24 : memref<!tpu.dma_semaphore, #tpu.memory_space<semaphore_mem>>) src(%dma_wait3A_291 : memref<10000x128xf32, #tpu.memory_space<hbm>>) dst(%arg14 : memref<80x128xf32, #tpu.memory_space<vmem>>)
      %dma_start3A_292 = arith.constant 1 : i32
      %dma_start3A_293 = arith.constant 0 : i32
      %dma_start3A_294 = tpu.memref_slice %arg8[%dma_start3A_292, %dma_start3A_293] : memref<2x80xi32, #tpu.memory_space<vmem>> -> memref<1x80xi32, #tpu.memory_space<vmem>>
      %dma_start3A_295 = tpu.memref_squeeze %dma_start3A_294 : memref<1x80xi32, #tpu.memory_space<vmem>> -> memref<80xi32, #tpu.memory_space<vmem>>
      %dma_start3A_296 = arith.constant 0 : i32
      %dma_start3A_297 = arith.constant 0 : i32
      %dma_start3A_298 = tpu.memref_slice %arg15[%dma_start3A_296, %dma_start3A_297] : memref<10240x128xf32, #tpu.memory_space<vmem_shared>> -> memref<10240x128xf32, #tpu.memory_space<vmem_shared>>
      tpu.enqueue_indirect_dma source(%arg14 : memref<80x128xf32, #tpu.memory_space<vmem>>) target(%dma_start3A_298 : memref<10240x128xf32, #tpu.memory_space<vmem_shared>>) offsets(%dma_start3A_295 : memref<80xi32, #tpu.memory_space<vmem>>) semaphore(%arg27 : memref<!tpu.dma_semaphore, #tpu.memory_space<semaphore_mem>>) {add = true}
      %dma_wait3A_299 = arith.constant 0 : i32
      %dma_wait3A_300 = arith.constant 0 : i32
      %dma_wait3A_301 = arith.constant 0 : i32
      %dma_wait3A_302 = tpu.memref_slice %arg2[%add3A, %dma_wait3A_299, %dma_wait3A_300, %dma_wait3A_301] : memref<32x125x2x80xi32, #tpu.memory_space<hbm>> -> memref<1x1x2x80xi32, #tpu.memory_space<hbm>>
      %dma_wait3A_303 = tpu.memref_squeeze %dma_wait3A_302 : memref<1x1x2x80xi32, #tpu.memory_space<hbm>> -> memref<2x80xi32, #tpu.memory_space<hbm>>
      %dma_wait3A_304 = arith.constant 0 : i32
      %dma_wait3A_305 = arith.constant 0 : i32
      %dma_wait3A_306 = tpu.memref_slice %arg2[%add3A, %dma_wait3A_299, %dma_wait3A_304, %dma_wait3A_305] : memref<32x125x2x80xi32, #tpu.memory_space<hbm>> -> memref<1x1x2x80xi32, #tpu.memory_space<hbm>>
      %dma_wait3A_307 = tpu.memref_squeeze %dma_wait3A_306 : memref<1x1x2x80xi32, #tpu.memory_space<hbm>> -> memref<2x80xi32, #tpu.memory_space<hbm>>
      tpu.wait_dma2 semaphore(%arg19 : memref<!tpu.dma_semaphore, #tpu.memory_space<semaphore_mem>>) src(%dma_wait3A_307 : memref<2x80xi32, #tpu.memory_space<hbm>>) dst(%arg9 : memref<2x80xi32, #tpu.memory_space<vmem>>)
      %dma_wait3A_308 = arith.constant 1 : i32
      %dma_wait3A_309 = arith.constant 0 : i32
      %dma_wait3A_310 = tpu.memref_slice %arg6[%dma_wait3A_308, %dma_wait3A_309] : memref<2x80xi32, #tpu.memory_space<vmem>> -> memref<1x80xi32, #tpu.memory_space<vmem>>
      %dma_wait3A_311 = tpu.memref_squeeze %dma_wait3A_310 : memref<1x80xi32, #tpu.memory_space<vmem>> -> memref<80xi32, #tpu.memory_space<vmem>>
      %dma_wait3A_312 = arith.constant 0 : i32
      %dma_wait3A_313 = arith.constant 0 : i32
      %dma_wait3A_314 = tpu.memref_slice %arg15[%dma_wait3A_312, %dma_wait3A_313] : memref<10240x128xf32, #tpu.memory_space<vmem_shared>> -> memref<10240x128xf32, #tpu.memory_space<vmem_shared>>
      tpu.wait_indirect_dma semaphore(%arg25 : memref<!tpu.dma_semaphore, #tpu.memory_space<semaphore_mem>>) src(%arg12 : memref<80x128xf32, #tpu.memory_space<vmem>>) dst(%dma_wait3A_314 : memref<10240x128xf32, #tpu.memory_space<vmem_shared>>)
      %dma_start3A_315 = arith.constant 0 : i32
      %dma_start3A_316 = arith.constant 0 : i32
      %dma_start3A_317 = tpu.memref_slice %arg9[%dma_start3A_315, %dma_start3A_316] : memref<2x80xi32, #tpu.memory_space<vmem>> -> memref<1x80xi32, #tpu.memory_space<vmem>>
      %dma_start3A_318 = tpu.memref_squeeze %dma_start3A_317 : memref<1x80xi32, #tpu.memory_space<vmem>> -> memref<80xi32, #tpu.memory_space<vmem>>
      %dma_start3A_319 = arith.constant 0 : i32
      %dma_start3A_320 = arith.constant 0 : i32
      %dma_start3A_321 = tpu.memref_slice %arg3[%dma_start3A_319, %dma_start3A_320] : memref<10000x128xf32, #tpu.memory_space<hbm>> -> memref<10000x128xf32, #tpu.memory_space<hbm>>
      tpu.enqueue_indirect_dma source(%dma_start3A_321 : memref<10000x128xf32, #tpu.memory_space<hbm>>) target(%arg12 : memref<80x128xf32, #tpu.memory_space<vmem>>) offsets(%dma_start3A_318 : memref<80xi32, #tpu.memory_space<vmem>>) semaphore(%arg22 : memref<!tpu.dma_semaphore, #tpu.memory_space<semaphore_mem>>)
      %add3A_322 = arith.constant 6 : i32
      %add3A_323 = arith.addi %mul3A_256, %add3A_322 : i32
      %add3A_324 = arith.constant 0 : i32
      %add3A_325 = arith.addi %add3A_323, %add3A_324 : i32
      %lt3A = arith.constant 125 : i32
      %lt3A_326 = arith.cmpi slt, %add3A_325, %lt3A : i32
      %convert_element_type3A = arith.extui %lt3A_326 : i1 to i32
      %cond3A = arith.constant 0 : i32
      %cond3A_327 = arith.cmpi ne, %convert_element_type3A, %cond3A : i32
      scf.if %cond3A_327 {
        %dma_start3A_461 = arith.constant 0 : i32
        %dma_start3A_462 = arith.constant 0 : i32
        %dma_start3A_463 = tpu.memref_slice %arg2[%add3A, %add3A_325, %dma_start3A_461, %dma_start3A_462] : memref<32x125x2x80xi32, #tpu.memory_space<hbm>> -> memref<1x1x2x80xi32, #tpu.memory_space<hbm>>
        %dma_start3A_464 = tpu.memref_squeeze %dma_start3A_463 : memref<1x1x2x80xi32, #tpu.memory_space<hbm>> -> memref<2x80xi32, #tpu.memory_space<hbm>>
        %dma_start3A_465 = arith.constant 0 : i32
        %dma_start3A_466 = arith.constant 0 : i32
        %dma_start3A_467 = tpu.memref_slice %arg2[%add3A, %add3A_325, %dma_start3A_465, %dma_start3A_466] : memref<32x125x2x80xi32, #tpu.memory_space<hbm>> -> memref<1x1x2x80xi32, #tpu.memory_space<hbm>>
        %dma_start3A_468 = tpu.memref_squeeze %dma_start3A_467 : memref<1x1x2x80xi32, #tpu.memory_space<hbm>> -> memref<2x80xi32, #tpu.memory_space<hbm>>
        tpu.enqueue_dma source(%dma_start3A_468 : memref<2x80xi32, #tpu.memory_space<hbm>>) target(%arg6 : memref<2x80xi32, #tpu.memory_space<vmem>>) target_semaphore(%arg16 : memref<!tpu.dma_semaphore, #tpu.memory_space<semaphore_mem>>)
      } else {
      }
      %dma_wait3A_328 = arith.constant 0 : i32
      %dma_wait3A_329 = arith.constant 0 : i32
      %dma_wait3A_330 = arith.constant 0 : i32
      %dma_wait3A_331 = tpu.memref_slice %arg2[%add3A, %dma_wait3A_328, %dma_wait3A_329, %dma_wait3A_330] : memref<32x125x2x80xi32, #tpu.memory_space<hbm>> -> memref<1x1x2x80xi32, #tpu.memory_space<hbm>>
      %dma_wait3A_332 = tpu.memref_squeeze %dma_wait3A_331 : memref<1x1x2x80xi32, #tpu.memory_space<hbm>> -> memref<2x80xi32, #tpu.memory_space<hbm>>
      %dma_wait3A_333 = arith.constant 0 : i32
      %dma_wait3A_334 = arith.constant 0 : i32
      %dma_wait3A_335 = tpu.memref_slice %arg2[%add3A, %dma_wait3A_328, %dma_wait3A_333, %dma_wait3A_334] : memref<32x125x2x80xi32, #tpu.memory_space<hbm>> -> memref<1x1x2x80xi32, #tpu.memory_space<hbm>>
      %dma_wait3A_336 = tpu.memref_squeeze %dma_wait3A_335 : memref<1x1x2x80xi32, #tpu.memory_space<hbm>> -> memref<2x80xi32, #tpu.memory_space<hbm>>
      tpu.wait_dma2 semaphore(%arg20 : memref<!tpu.dma_semaphore, #tpu.memory_space<semaphore_mem>>) src(%dma_wait3A_336 : memref<2x80xi32, #tpu.memory_space<hbm>>) dst(%arg10 : memref<2x80xi32, #tpu.memory_space<vmem>>)
      %dma_wait3A_337 = arith.constant 1 : i32
      %dma_wait3A_338 = arith.constant 0 : i32
      %dma_wait3A_339 = tpu.memref_slice %arg7[%dma_wait3A_337, %dma_wait3A_338] : memref<2x80xi32, #tpu.memory_space<vmem>> -> memref<1x80xi32, #tpu.memory_space<vmem>>
      %dma_wait3A_340 = tpu.memref_squeeze %dma_wait3A_339 : memref<1x80xi32, #tpu.memory_space<vmem>> -> memref<80xi32, #tpu.memory_space<vmem>>
      %dma_wait3A_341 = arith.constant 0 : i32
      %dma_wait3A_342 = arith.constant 0 : i32
      %dma_wait3A_343 = tpu.memref_slice %arg15[%dma_wait3A_341, %dma_wait3A_342] : memref<10240x128xf32, #tpu.memory_space<vmem_shared>> -> memref<10240x128xf32, #tpu.memory_space<vmem_shared>>
      tpu.wait_indirect_dma semaphore(%arg26 : memref<!tpu.dma_semaphore, #tpu.memory_space<semaphore_mem>>) src(%arg13 : memref<80x128xf32, #tpu.memory_space<vmem>>) dst(%dma_wait3A_343 : memref<10240x128xf32, #tpu.memory_space<vmem_shared>>)
      %dma_start3A_344 = arith.constant 0 : i32
      %dma_start3A_345 = arith.constant 0 : i32
      %dma_start3A_346 = tpu.memref_slice %arg10[%dma_start3A_344, %dma_start3A_345] : memref<2x80xi32, #tpu.memory_space<vmem>> -> memref<1x80xi32, #tpu.memory_space<vmem>>
      %dma_start3A_347 = tpu.memref_squeeze %dma_start3A_346 : memref<1x80xi32, #tpu.memory_space<vmem>> -> memref<80xi32, #tpu.memory_space<vmem>>
      %dma_start3A_348 = arith.constant 0 : i32
      %dma_start3A_349 = arith.constant 0 : i32
      %dma_start3A_350 = tpu.memref_slice %arg3[%dma_start3A_348, %dma_start3A_349] : memref<10000x128xf32, #tpu.memory_space<hbm>> -> memref<10000x128xf32, #tpu.memory_space<hbm>>
      tpu.enqueue_indirect_dma source(%dma_start3A_350 : memref<10000x128xf32, #tpu.memory_space<hbm>>) target(%arg13 : memref<80x128xf32, #tpu.memory_space<vmem>>) offsets(%dma_start3A_347 : memref<80xi32, #tpu.memory_space<vmem>>) semaphore(%arg23 : memref<!tpu.dma_semaphore, #tpu.memory_space<semaphore_mem>>)
      %add3A_351 = arith.constant 6 : i32
      %add3A_352 = arith.addi %mul3A_256, %add3A_351 : i32
      %add3A_353 = arith.constant 1 : i32
      %add3A_354 = arith.addi %add3A_352, %add3A_353 : i32
      %lt3A_355 = arith.constant 125 : i32
      %lt3A_356 = arith.cmpi slt, %add3A_354, %lt3A_355 : i32
      %convert_element_type3A_357 = arith.extui %lt3A_356 : i1 to i32
      %cond3A_358 = arith.constant 0 : i32
      %cond3A_359 = arith.cmpi ne, %convert_element_type3A_357, %cond3A_358 : i32
      scf.if %cond3A_359 {
        %dma_start3A_461 = arith.constant 0 : i32
        %dma_start3A_462 = arith.constant 0 : i32
        %dma_start3A_463 = tpu.memref_slice %arg2[%add3A, %add3A_354, %dma_start3A_461, %dma_start3A_462] : memref<32x125x2x80xi32, #tpu.memory_space<hbm>> -> memref<1x1x2x80xi32, #tpu.memory_space<hbm>>
        %dma_start3A_464 = tpu.memref_squeeze %dma_start3A_463 : memref<1x1x2x80xi32, #tpu.memory_space<hbm>> -> memref<2x80xi32, #tpu.memory_space<hbm>>
        %dma_start3A_465 = arith.constant 0 : i32
        %dma_start3A_466 = arith.constant 0 : i32
        %dma_start3A_467 = tpu.memref_slice %arg2[%add3A, %add3A_354, %dma_start3A_465, %dma_start3A_466] : memref<32x125x2x80xi32, #tpu.memory_space<hbm>> -> memref<1x1x2x80xi32, #tpu.memory_space<hbm>>
        %dma_start3A_468 = tpu.memref_squeeze %dma_start3A_467 : memref<1x1x2x80xi32, #tpu.memory_space<hbm>> -> memref<2x80xi32, #tpu.memory_space<hbm>>
        tpu.enqueue_dma source(%dma_start3A_468 : memref<2x80xi32, #tpu.memory_space<hbm>>) target(%arg7 : memref<2x80xi32, #tpu.memory_space<vmem>>) target_semaphore(%arg17 : memref<!tpu.dma_semaphore, #tpu.memory_space<semaphore_mem>>)
      } else {
      }
      %dma_wait3A_360 = arith.constant 0 : i32
      %dma_wait3A_361 = arith.constant 0 : i32
      %dma_wait3A_362 = arith.constant 0 : i32
      %dma_wait3A_363 = tpu.memref_slice %arg2[%add3A, %dma_wait3A_360, %dma_wait3A_361, %dma_wait3A_362] : memref<32x125x2x80xi32, #tpu.memory_space<hbm>> -> memref<1x1x2x80xi32, #tpu.memory_space<hbm>>
      %dma_wait3A_364 = tpu.memref_squeeze %dma_wait3A_363 : memref<1x1x2x80xi32, #tpu.memory_space<hbm>> -> memref<2x80xi32, #tpu.memory_space<hbm>>
      %dma_wait3A_365 = arith.constant 0 : i32
      %dma_wait3A_366 = arith.constant 0 : i32
      %dma_wait3A_367 = tpu.memref_slice %arg2[%add3A, %dma_wait3A_360, %dma_wait3A_365, %dma_wait3A_366] : memref<32x125x2x80xi32, #tpu.memory_space<hbm>> -> memref<1x1x2x80xi32, #tpu.memory_space<hbm>>
      %dma_wait3A_368 = tpu.memref_squeeze %dma_wait3A_367 : memref<1x1x2x80xi32, #tpu.memory_space<hbm>> -> memref<2x80xi32, #tpu.memory_space<hbm>>
      tpu.wait_dma2 semaphore(%arg21 : memref<!tpu.dma_semaphore, #tpu.memory_space<semaphore_mem>>) src(%dma_wait3A_368 : memref<2x80xi32, #tpu.memory_space<hbm>>) dst(%arg11 : memref<2x80xi32, #tpu.memory_space<vmem>>)
      %dma_wait3A_369 = arith.constant 1 : i32
      %dma_wait3A_370 = arith.constant 0 : i32
      %dma_wait3A_371 = tpu.memref_slice %arg8[%dma_wait3A_369, %dma_wait3A_370] : memref<2x80xi32, #tpu.memory_space<vmem>> -> memref<1x80xi32, #tpu.memory_space<vmem>>
      %dma_wait3A_372 = tpu.memref_squeeze %dma_wait3A_371 : memref<1x80xi32, #tpu.memory_space<vmem>> -> memref<80xi32, #tpu.memory_space<vmem>>
      %dma_wait3A_373 = arith.constant 0 : i32
      %dma_wait3A_374 = arith.constant 0 : i32
      %dma_wait3A_375 = tpu.memref_slice %arg15[%dma_wait3A_373, %dma_wait3A_374] : memref<10240x128xf32, #tpu.memory_space<vmem_shared>> -> memref<10240x128xf32, #tpu.memory_space<vmem_shared>>
      tpu.wait_indirect_dma semaphore(%arg27 : memref<!tpu.dma_semaphore, #tpu.memory_space<semaphore_mem>>) src(%arg14 : memref<80x128xf32, #tpu.memory_space<vmem>>) dst(%dma_wait3A_375 : memref<10240x128xf32, #tpu.memory_space<vmem_shared>>)
      %dma_start3A_376 = arith.constant 0 : i32
      %dma_start3A_377 = arith.constant 0 : i32
      %dma_start3A_378 = tpu.memref_slice %arg11[%dma_start3A_376, %dma_start3A_377] : memref<2x80xi32, #tpu.memory_space<vmem>> -> memref<1x80xi32, #tpu.memory_space<vmem>>
      %dma_start3A_379 = tpu.memref_squeeze %dma_start3A_378 : memref<1x80xi32, #tpu.memory_space<vmem>> -> memref<80xi32, #tpu.memory_space<vmem>>
      %dma_start3A_380 = arith.constant 0 : i32
      %dma_start3A_381 = arith.constant 0 : i32
      %dma_start3A_382 = tpu.memref_slice %arg3[%dma_start3A_380, %dma_start3A_381] : memref<10000x128xf32, #tpu.memory_space<hbm>> -> memref<10000x128xf32, #tpu.memory_space<hbm>>
      tpu.enqueue_indirect_dma source(%dma_start3A_382 : memref<10000x128xf32, #tpu.memory_space<hbm>>) target(%arg14 : memref<80x128xf32, #tpu.memory_space<vmem>>) offsets(%dma_start3A_379 : memref<80xi32, #tpu.memory_space<vmem>>) semaphore(%arg24 : memref<!tpu.dma_semaphore, #tpu.memory_space<semaphore_mem>>)
      %add3A_383 = arith.constant 6 : i32
      %add3A_384 = arith.addi %mul3A_256, %add3A_383 : i32
      %add3A_385 = arith.constant 2 : i32
      %add3A_386 = arith.addi %add3A_384, %add3A_385 : i32
      %lt3A_387 = arith.constant 125 : i32
      %lt3A_388 = arith.cmpi slt, %add3A_386, %lt3A_387 : i32
      %convert_element_type3A_389 = arith.extui %lt3A_388 : i1 to i32
      %cond3A_390 = arith.constant 0 : i32
      %cond3A_391 = arith.cmpi ne, %convert_element_type3A_389, %cond3A_390 : i32
      scf.if %cond3A_391 {
        %dma_start3A_461 = arith.constant 0 : i32
        %dma_start3A_462 = arith.constant 0 : i32
        %dma_start3A_463 = tpu.memref_slice %arg2[%add3A, %add3A_386, %dma_start3A_461, %dma_start3A_462] : memref<32x125x2x80xi32, #tpu.memory_space<hbm>> -> memref<1x1x2x80xi32, #tpu.memory_space<hbm>>
        %dma_start3A_464 = tpu.memref_squeeze %dma_start3A_463 : memref<1x1x2x80xi32, #tpu.memory_space<hbm>> -> memref<2x80xi32, #tpu.memory_space<hbm>>
        %dma_start3A_465 = arith.constant 0 : i32
        %dma_start3A_466 = arith.constant 0 : i32
        %dma_start3A_467 = tpu.memref_slice %arg2[%add3A, %add3A_386, %dma_start3A_465, %dma_start3A_466] : memref<32x125x2x80xi32, #tpu.memory_space<hbm>> -> memref<1x1x2x80xi32, #tpu.memory_space<hbm>>
        %dma_start3A_468 = tpu.memref_squeeze %dma_start3A_467 : memref<1x1x2x80xi32, #tpu.memory_space<hbm>> -> memref<2x80xi32, #tpu.memory_space<hbm>>
        tpu.enqueue_dma source(%dma_start3A_468 : memref<2x80xi32, #tpu.memory_space<hbm>>) target(%arg8 : memref<2x80xi32, #tpu.memory_space<vmem>>) target_semaphore(%arg18 : memref<!tpu.dma_semaphore, #tpu.memory_space<semaphore_mem>>)
      } else {
      }
      %dma_wait3A_392 = arith.constant 0 : i32
      %dma_wait3A_393 = arith.constant 0 : i32
      %dma_wait3A_394 = tpu.memref_slice %arg9[%dma_wait3A_392, %dma_wait3A_393] : memref<2x80xi32, #tpu.memory_space<vmem>> -> memref<1x80xi32, #tpu.memory_space<vmem>>
      %dma_wait3A_395 = tpu.memref_squeeze %dma_wait3A_394 : memref<1x80xi32, #tpu.memory_space<vmem>> -> memref<80xi32, #tpu.memory_space<vmem>>
      %dma_wait3A_396 = arith.constant 0 : i32
      %dma_wait3A_397 = arith.constant 0 : i32
      %dma_wait3A_398 = tpu.memref_slice %arg3[%dma_wait3A_396, %dma_wait3A_397] : memref<10000x128xf32, #tpu.memory_space<hbm>> -> memref<10000x128xf32, #tpu.memory_space<hbm>>
      tpu.wait_indirect_dma semaphore(%arg22 : memref<!tpu.dma_semaphore, #tpu.memory_space<semaphore_mem>>) src(%dma_wait3A_398 : memref<10000x128xf32, #tpu.memory_space<hbm>>) dst(%arg12 : memref<80x128xf32, #tpu.memory_space<vmem>>)
      %dma_start3A_399 = arith.constant 1 : i32
      %dma_start3A_400 = arith.constant 0 : i32
      %dma_start3A_401 = tpu.memref_slice %arg9[%dma_start3A_399, %dma_start3A_400] : memref<2x80xi32, #tpu.memory_space<vmem>> -> memref<1x80xi32, #tpu.memory_space<vmem>>
      %dma_start3A_402 = tpu.memref_squeeze %dma_start3A_401 : memref<1x80xi32, #tpu.memory_space<vmem>> -> memref<80xi32, #tpu.memory_space<vmem>>
      %dma_start3A_403 = arith.constant 0 : i32
      %dma_start3A_404 = arith.constant 0 : i32
      %dma_start3A_405 = tpu.memref_slice %arg15[%dma_start3A_403, %dma_start3A_404] : memref<10240x128xf32, #tpu.memory_space<vmem_shared>> -> memref<10240x128xf32, #tpu.memory_space<vmem_shared>>
      tpu.enqueue_indirect_dma source(%arg12 : memref<80x128xf32, #tpu.memory_space<vmem>>) target(%dma_start3A_405 : memref<10240x128xf32, #tpu.memory_space<vmem_shared>>) offsets(%dma_start3A_402 : memref<80xi32, #tpu.memory_space<vmem>>) semaphore(%arg25 : memref<!tpu.dma_semaphore, #tpu.memory_space<semaphore_mem>>) {add = true}
      %dma_wait3A_406 = arith.constant 0 : i32
      %dma_wait3A_407 = arith.constant 0 : i32
      %dma_wait3A_408 = tpu.memref_slice %arg10[%dma_wait3A_406, %dma_wait3A_407] : memref<2x80xi32, #tpu.memory_space<vmem>> -> memref<1x80xi32, #tpu.memory_space<vmem>>
      %dma_wait3A_409 = tpu.memref_squeeze %dma_wait3A_408 : memref<1x80xi32, #tpu.memory_space<vmem>> -> memref<80xi32, #tpu.memory_space<vmem>>
      %dma_wait3A_410 = arith.constant 0 : i32
      %dma_wait3A_411 = arith.constant 0 : i32
      %dma_wait3A_412 = tpu.memref_slice %arg3[%dma_wait3A_410, %dma_wait3A_411] : memref<10000x128xf32, #tpu.memory_space<hbm>> -> memref<10000x128xf32, #tpu.memory_space<hbm>>
      tpu.wait_indirect_dma semaphore(%arg23 : memref<!tpu.dma_semaphore, #tpu.memory_space<semaphore_mem>>) src(%dma_wait3A_412 : memref<10000x128xf32, #tpu.memory_space<hbm>>) dst(%arg13 : memref<80x128xf32, #tpu.memory_space<vmem>>)
      %dma_start3A_413 = arith.constant 1 : i32
      %dma_start3A_414 = arith.constant 0 : i32
      %dma_start3A_415 = tpu.memref_slice %arg10[%dma_start3A_413, %dma_start3A_414] : memref<2x80xi32, #tpu.memory_space<vmem>> -> memref<1x80xi32, #tpu.memory_space<vmem>>
      %dma_start3A_416 = tpu.memref_squeeze %dma_start3A_415 : memref<1x80xi32, #tpu.memory_space<vmem>> -> memref<80xi32, #tpu.memory_space<vmem>>
      %dma_start3A_417 = arith.constant 0 : i32
      %dma_start3A_418 = arith.constant 0 : i32
      %dma_start3A_419 = tpu.memref_slice %arg15[%dma_start3A_417, %dma_start3A_418] : memref<10240x128xf32, #tpu.memory_space<vmem_shared>> -> memref<10240x128xf32, #tpu.memory_space<vmem_shared>>
      tpu.enqueue_indirect_dma source(%arg13 : memref<80x128xf32, #tpu.memory_space<vmem>>) target(%dma_start3A_419 : memref<10240x128xf32, #tpu.memory_space<vmem_shared>>) offsets(%dma_start3A_416 : memref<80xi32, #tpu.memory_space<vmem>>) semaphore(%arg26 : memref<!tpu.dma_semaphore, #tpu.memory_space<semaphore_mem>>) {add = true}
      %dma_wait3A_420 = arith.constant 0 : i32
      %dma_wait3A_421 = arith.constant 0 : i32
      %dma_wait3A_422 = tpu.memref_slice %arg11[%dma_wait3A_420, %dma_wait3A_421] : memref<2x80xi32, #tpu.memory_space<vmem>> -> memref<1x80xi32, #tpu.memory_space<vmem>>
      %dma_wait3A_423 = tpu.memref_squeeze %dma_wait3A_422 : memref<1x80xi32, #tpu.memory_space<vmem>> -> memref<80xi32, #tpu.memory_space<vmem>>
      %dma_wait3A_424 = arith.constant 0 : i32
      %dma_wait3A_425 = arith.constant 0 : i32
      %dma_wait3A_426 = tpu.memref_slice %arg3[%dma_wait3A_424, %dma_wait3A_425] : memref<10000x128xf32, #tpu.memory_space<hbm>> -> memref<10000x128xf32, #tpu.memory_space<hbm>>
      tpu.wait_indirect_dma semaphore(%arg24 : memref<!tpu.dma_semaphore, #tpu.memory_space<semaphore_mem>>) src(%dma_wait3A_426 : memref<10000x128xf32, #tpu.memory_space<hbm>>) dst(%arg14 : memref<80x128xf32, #tpu.memory_space<vmem>>)
      %dma_start3A_427 = arith.constant 1 : i32
      %dma_start3A_428 = arith.constant 0 : i32
      %dma_start3A_429 = tpu.memref_slice %arg11[%dma_start3A_427, %dma_start3A_428] : memref<2x80xi32, #tpu.memory_space<vmem>> -> memref<1x80xi32, #tpu.memory_space<vmem>>
      %dma_start3A_430 = tpu.memref_squeeze %dma_start3A_429 : memref<1x80xi32, #tpu.memory_space<vmem>> -> memref<80xi32, #tpu.memory_space<vmem>>
      %dma_start3A_431 = arith.constant 0 : i32
      %dma_start3A_432 = arith.constant 0 : i32
      %dma_start3A_433 = tpu.memref_slice %arg15[%dma_start3A_431, %dma_start3A_432] : memref<10240x128xf32, #tpu.memory_space<vmem_shared>> -> memref<10240x128xf32, #tpu.memory_space<vmem_shared>>
      tpu.enqueue_indirect_dma source(%arg14 : memref<80x128xf32, #tpu.memory_space<vmem>>) target(%dma_start3A_433 : memref<10240x128xf32, #tpu.memory_space<vmem_shared>>) offsets(%dma_start3A_430 : memref<80xi32, #tpu.memory_space<vmem>>) semaphore(%arg27 : memref<!tpu.dma_semaphore, #tpu.memory_space<semaphore_mem>>) {add = true}
      %add3A_434 = arith.constant 6 : i32
      %add3A_435 = arith.addi %mul3A_256, %add3A_434 : i32
      %add3A_436 = arith.constant 0 : i32
      %add3A_437 = arith.addi %add3A_435, %add3A_436 : i32
      %lt3A_438 = arith.constant 125 : i32
      %lt3A_439 = arith.cmpi slt, %add3A_437, %lt3A_438 : i32
      %convert_element_type3A_440 = arith.extui %lt3A_439 : i1 to i32
      %cond3A_441 = arith.constant 0 : i32
      %cond3A_442 = arith.cmpi ne, %convert_element_type3A_440, %cond3A_441 : i32
      scf.if %cond3A_442 {
        %dma_wait3A_461 = arith.constant 0 : i32
        %dma_wait3A_462 = arith.constant 0 : i32
        %dma_wait3A_463 = arith.constant 0 : i32
        %dma_wait3A_464 = tpu.memref_slice %arg2[%add3A, %dma_wait3A_461, %dma_wait3A_462, %dma_wait3A_463] : memref<32x125x2x80xi32, #tpu.memory_space<hbm>> -> memref<1x1x2x80xi32, #tpu.memory_space<hbm>>
        %dma_wait3A_465 = tpu.memref_squeeze %dma_wait3A_464 : memref<1x1x2x80xi32, #tpu.memory_space<hbm>> -> memref<2x80xi32, #tpu.memory_space<hbm>>
        %dma_wait3A_466 = arith.constant 0 : i32
        %dma_wait3A_467 = arith.constant 0 : i32
        %dma_wait3A_468 = tpu.memref_slice %arg2[%add3A, %dma_wait3A_461, %dma_wait3A_466, %dma_wait3A_467] : memref<32x125x2x80xi32, #tpu.memory_space<hbm>> -> memref<1x1x2x80xi32, #tpu.memory_space<hbm>>
        %dma_wait3A_469 = tpu.memref_squeeze %dma_wait3A_468 : memref<1x1x2x80xi32, #tpu.memory_space<hbm>> -> memref<2x80xi32, #tpu.memory_space<hbm>>
        tpu.wait_dma2 semaphore(%arg16 : memref<!tpu.dma_semaphore, #tpu.memory_space<semaphore_mem>>) src(%dma_wait3A_469 : memref<2x80xi32, #tpu.memory_space<hbm>>) dst(%arg6 : memref<2x80xi32, #tpu.memory_space<vmem>>)
        %dma_wait3A_470 = arith.constant 1 : i32
        %dma_wait3A_471 = arith.constant 0 : i32
        %dma_wait3A_472 = tpu.memref_slice %arg9[%dma_wait3A_470, %dma_wait3A_471] : memref<2x80xi32, #tpu.memory_space<vmem>> -> memref<1x80xi32, #tpu.memory_space<vmem>>
        %dma_wait3A_473 = tpu.memref_squeeze %dma_wait3A_472 : memref<1x80xi32, #tpu.memory_space<vmem>> -> memref<80xi32, #tpu.memory_space<vmem>>
        %dma_wait3A_474 = arith.constant 0 : i32
        %dma_wait3A_475 = arith.constant 0 : i32
        %dma_wait3A_476 = tpu.memref_slice %arg15[%dma_wait3A_474, %dma_wait3A_475] : memref<10240x128xf32, #tpu.memory_space<vmem_shared>> -> memref<10240x128xf32, #tpu.memory_space<vmem_shared>>
        tpu.wait_indirect_dma semaphore(%arg25 : memref<!tpu.dma_semaphore, #tpu.memory_space<semaphore_mem>>) src(%arg12 : memref<80x128xf32, #tpu.memory_space<vmem>>) dst(%dma_wait3A_476 : memref<10240x128xf32, #tpu.memory_space<vmem_shared>>)
        %dma_start3A_477 = arith.constant 0 : i32
        %dma_start3A_478 = arith.constant 0 : i32
        %dma_start3A_479 = tpu.memref_slice %arg6[%dma_start3A_477, %dma_start3A_478] : memref<2x80xi32, #tpu.memory_space<vmem>> -> memref<1x80xi32, #tpu.memory_space<vmem>>
        %dma_start3A_480 = tpu.memref_squeeze %dma_start3A_479 : memref<1x80xi32, #tpu.memory_space<vmem>> -> memref<80xi32, #tpu.memory_space<vmem>>
        %dma_start3A_481 = arith.constant 0 : i32
        %dma_start3A_482 = arith.constant 0 : i32
        %dma_start3A_483 = tpu.memref_slice %arg3[%dma_start3A_481, %dma_start3A_482] : memref<10000x128xf32, #tpu.memory_space<hbm>> -> memref<10000x128xf32, #tpu.memory_space<hbm>>
        tpu.enqueue_indirect_dma source(%dma_start3A_483 : memref<10000x128xf32, #tpu.memory_space<hbm>>) target(%arg12 : memref<80x128xf32, #tpu.memory_space<vmem>>) offsets(%dma_start3A_480 : memref<80xi32, #tpu.memory_space<vmem>>) semaphore(%arg22 : memref<!tpu.dma_semaphore, #tpu.memory_space<semaphore_mem>>)
        %add3A_484 = arith.constant 9 : i32
        %add3A_485 = arith.addi %mul3A_256, %add3A_484 : i32
        %add3A_486 = arith.constant 0 : i32
        %add3A_487 = arith.addi %add3A_485, %add3A_486 : i32
        %lt3A_488 = arith.constant 125 : i32
        %lt3A_489 = arith.cmpi slt, %add3A_487, %lt3A_488 : i32
        %convert_element_type3A_490 = arith.extui %lt3A_489 : i1 to i32
        %cond3A_491 = arith.constant 0 : i32
        %cond3A_492 = arith.cmpi ne, %convert_element_type3A_490, %cond3A_491 : i32
        scf.if %cond3A_492 {
          %dma_start3A_493 = arith.constant 0 : i32
          %dma_start3A_494 = arith.constant 0 : i32
          %dma_start3A_495 = tpu.memref_slice %arg2[%add3A, %add3A_487, %dma_start3A_493, %dma_start3A_494] : memref<32x125x2x80xi32, #tpu.memory_space<hbm>> -> memref<1x1x2x80xi32, #tpu.memory_space<hbm>>
          %dma_start3A_496 = tpu.memref_squeeze %dma_start3A_495 : memref<1x1x2x80xi32, #tpu.memory_space<hbm>> -> memref<2x80xi32, #tpu.memory_space<hbm>>
          %dma_start3A_497 = arith.constant 0 : i32
          %dma_start3A_498 = arith.constant 0 : i32
          %dma_start3A_499 = tpu.memref_slice %arg2[%add3A, %add3A_487, %dma_start3A_497, %dma_start3A_498] : memref<32x125x2x80xi32, #tpu.memory_space<hbm>> -> memref<1x1x2x80xi32, #tpu.memory_space<hbm>>
          %dma_start3A_500 = tpu.memref_squeeze %dma_start3A_499 : memref<1x1x2x80xi32, #tpu.memory_space<hbm>> -> memref<2x80xi32, #tpu.memory_space<hbm>>
          tpu.enqueue_dma source(%dma_start3A_500 : memref<2x80xi32, #tpu.memory_space<hbm>>) target(%arg9 : memref<2x80xi32, #tpu.memory_space<vmem>>) target_semaphore(%arg19 : memref<!tpu.dma_semaphore, #tpu.memory_space<semaphore_mem>>)
        } else {
        }
      } else {
      }
      %add3A_443 = arith.constant 6 : i32
      %add3A_444 = arith.addi %mul3A_256, %add3A_443 : i32
      %add3A_445 = arith.constant 1 : i32
      %add3A_446 = arith.addi %add3A_444, %add3A_445 : i32
      %lt3A_447 = arith.constant 125 : i32
      %lt3A_448 = arith.cmpi slt, %add3A_446, %lt3A_447 : i32
      %convert_element_type3A_449 = arith.extui %lt3A_448 : i1 to i32
      %cond3A_450 = arith.constant 0 : i32
      %cond3A_451 = arith.cmpi ne, %convert_element_type3A_449, %cond3A_450 : i32
      scf.if %cond3A_451 {
        %dma_wait3A_461 = arith.constant 0 : i32
        %dma_wait3A_462 = arith.constant 0 : i32
        %dma_wait3A_463 = arith.constant 0 : i32
        %dma_wait3A_464 = tpu.memref_slice %arg2[%add3A, %dma_wait3A_461, %dma_wait3A_462, %dma_wait3A_463] : memref<32x125x2x80xi32, #tpu.memory_space<hbm>> -> memref<1x1x2x80xi32, #tpu.memory_space<hbm>>
        %dma_wait3A_465 = tpu.memref_squeeze %dma_wait3A_464 : memref<1x1x2x80xi32, #tpu.memory_space<hbm>> -> memref<2x80xi32, #tpu.memory_space<hbm>>
        %dma_wait3A_466 = arith.constant 0 : i32
        %dma_wait3A_467 = arith.constant 0 : i32
        %dma_wait3A_468 = tpu.memref_slice %arg2[%add3A, %dma_wait3A_461, %dma_wait3A_466, %dma_wait3A_467] : memref<32x125x2x80xi32, #tpu.memory_space<hbm>> -> memref<1x1x2x80xi32, #tpu.memory_space<hbm>>
        %dma_wait3A_469 = tpu.memref_squeeze %dma_wait3A_468 : memref<1x1x2x80xi32, #tpu.memory_space<hbm>> -> memref<2x80xi32, #tpu.memory_space<hbm>>
        tpu.wait_dma2 semaphore(%arg17 : memref<!tpu.dma_semaphore, #tpu.memory_space<semaphore_mem>>) src(%dma_wait3A_469 : memref<2x80xi32, #tpu.memory_space<hbm>>) dst(%arg7 : memref<2x80xi32, #tpu.memory_space<vmem>>)
        %dma_wait3A_470 = arith.constant 1 : i32
        %dma_wait3A_471 = arith.constant 0 : i32
        %dma_wait3A_472 = tpu.memref_slice %arg10[%dma_wait3A_470, %dma_wait3A_471] : memref<2x80xi32, #tpu.memory_space<vmem>> -> memref<1x80xi32, #tpu.memory_space<vmem>>
        %dma_wait3A_473 = tpu.memref_squeeze %dma_wait3A_472 : memref<1x80xi32, #tpu.memory_space<vmem>> -> memref<80xi32, #tpu.memory_space<vmem>>
        %dma_wait3A_474 = arith.constant 0 : i32
        %dma_wait3A_475 = arith.constant 0 : i32
        %dma_wait3A_476 = tpu.memref_slice %arg15[%dma_wait3A_474, %dma_wait3A_475] : memref<10240x128xf32, #tpu.memory_space<vmem_shared>> -> memref<10240x128xf32, #tpu.memory_space<vmem_shared>>
        tpu.wait_indirect_dma semaphore(%arg26 : memref<!tpu.dma_semaphore, #tpu.memory_space<semaphore_mem>>) src(%arg13 : memref<80x128xf32, #tpu.memory_space<vmem>>) dst(%dma_wait3A_476 : memref<10240x128xf32, #tpu.memory_space<vmem_shared>>)
        %dma_start3A_477 = arith.constant 0 : i32
        %dma_start3A_478 = arith.constant 0 : i32
        %dma_start3A_479 = tpu.memref_slice %arg7[%dma_start3A_477, %dma_start3A_478] : memref<2x80xi32, #tpu.memory_space<vmem>> -> memref<1x80xi32, #tpu.memory_space<vmem>>
        %dma_start3A_480 = tpu.memref_squeeze %dma_start3A_479 : memref<1x80xi32, #tpu.memory_space<vmem>> -> memref<80xi32, #tpu.memory_space<vmem>>
        %dma_start3A_481 = arith.constant 0 : i32
        %dma_start3A_482 = arith.constant 0 : i32
        %dma_start3A_483 = tpu.memref_slice %arg3[%dma_start3A_481, %dma_start3A_482] : memref<10000x128xf32, #tpu.memory_space<hbm>> -> memref<10000x128xf32, #tpu.memory_space<hbm>>
        tpu.enqueue_indirect_dma source(%dma_start3A_483 : memref<10000x128xf32, #tpu.memory_space<hbm>>) target(%arg13 : memref<80x128xf32, #tpu.memory_space<vmem>>) offsets(%dma_start3A_480 : memref<80xi32, #tpu.memory_space<vmem>>) semaphore(%arg23 : memref<!tpu.dma_semaphore, #tpu.memory_space<semaphore_mem>>)
        %add3A_484 = arith.constant 9 : i32
        %add3A_485 = arith.addi %mul3A_256, %add3A_484 : i32
        %add3A_486 = arith.constant 1 : i32
        %add3A_487 = arith.addi %add3A_485, %add3A_486 : i32
        %lt3A_488 = arith.constant 125 : i32
        %lt3A_489 = arith.cmpi slt, %add3A_487, %lt3A_488 : i32
        %convert_element_type3A_490 = arith.extui %lt3A_489 : i1 to i32
        %cond3A_491 = arith.constant 0 : i32
        %cond3A_492 = arith.cmpi ne, %convert_element_type3A_490, %cond3A_491 : i32
        scf.if %cond3A_492 {
          %dma_start3A_493 = arith.constant 0 : i32
          %dma_start3A_494 = arith.constant 0 : i32
          %dma_start3A_495 = tpu.memref_slice %arg2[%add3A, %add3A_487, %dma_start3A_493, %dma_start3A_494] : memref<32x125x2x80xi32, #tpu.memory_space<hbm>> -> memref<1x1x2x80xi32, #tpu.memory_space<hbm>>
          %dma_start3A_496 = tpu.memref_squeeze %dma_start3A_495 : memref<1x1x2x80xi32, #tpu.memory_space<hbm>> -> memref<2x80xi32, #tpu.memory_space<hbm>>
          %dma_start3A_497 = arith.constant 0 : i32
          %dma_start3A_498 = arith.constant 0 : i32
          %dma_start3A_499 = tpu.memref_slice %arg2[%add3A, %add3A_487, %dma_start3A_497, %dma_start3A_498] : memref<32x125x2x80xi32, #tpu.memory_space<hbm>> -> memref<1x1x2x80xi32, #tpu.memory_space<hbm>>
          %dma_start3A_500 = tpu.memref_squeeze %dma_start3A_499 : memref<1x1x2x80xi32, #tpu.memory_space<hbm>> -> memref<2x80xi32, #tpu.memory_space<hbm>>
          tpu.enqueue_dma source(%dma_start3A_500 : memref<2x80xi32, #tpu.memory_space<hbm>>) target(%arg10 : memref<2x80xi32, #tpu.memory_space<vmem>>) target_semaphore(%arg20 : memref<!tpu.dma_semaphore, #tpu.memory_space<semaphore_mem>>)
        } else {
        }
      } else {
      }
      %add3A_452 = arith.constant 6 : i32
      %add3A_453 = arith.addi %mul3A_256, %add3A_452 : i32
      %add3A_454 = arith.constant 2 : i32
      %add3A_455 = arith.addi %add3A_453, %add3A_454 : i32
      %lt3A_456 = arith.constant 125 : i32
      %lt3A_457 = arith.cmpi slt, %add3A_455, %lt3A_456 : i32
      %convert_element_type3A_458 = arith.extui %lt3A_457 : i1 to i32
      %cond3A_459 = arith.constant 0 : i32
      %cond3A_460 = arith.cmpi ne, %convert_element_type3A_458, %cond3A_459 : i32
      scf.if %cond3A_460 {
        %dma_wait3A_461 = arith.constant 0 : i32
        %dma_wait3A_462 = arith.constant 0 : i32
        %dma_wait3A_463 = arith.constant 0 : i32
        %dma_wait3A_464 = tpu.memref_slice %arg2[%add3A, %dma_wait3A_461, %dma_wait3A_462, %dma_wait3A_463] : memref<32x125x2x80xi32, #tpu.memory_space<hbm>> -> memref<1x1x2x80xi32, #tpu.memory_space<hbm>>
        %dma_wait3A_465 = tpu.memref_squeeze %dma_wait3A_464 : memref<1x1x2x80xi32, #tpu.memory_space<hbm>> -> memref<2x80xi32, #tpu.memory_space<hbm>>
        %dma_wait3A_466 = arith.constant 0 : i32
        %dma_wait3A_467 = arith.constant 0 : i32
        %dma_wait3A_468 = tpu.memref_slice %arg2[%add3A, %dma_wait3A_461, %dma_wait3A_466, %dma_wait3A_467] : memref<32x125x2x80xi32, #tpu.memory_space<hbm>> -> memref<1x1x2x80xi32, #tpu.memory_space<hbm>>
        %dma_wait3A_469 = tpu.memref_squeeze %dma_wait3A_468 : memref<1x1x2x80xi32, #tpu.memory_space<hbm>> -> memref<2x80xi32, #tpu.memory_space<hbm>>
        tpu.wait_dma2 semaphore(%arg18 : memref<!tpu.dma_semaphore, #tpu.memory_space<semaphore_mem>>) src(%dma_wait3A_469 : memref<2x80xi32, #tpu.memory_space<hbm>>) dst(%arg8 : memref<2x80xi32, #tpu.memory_space<vmem>>)
        %dma_wait3A_470 = arith.constant 1 : i32
        %dma_wait3A_471 = arith.constant 0 : i32
        %dma_wait3A_472 = tpu.memref_slice %arg11[%dma_wait3A_470, %dma_wait3A_471] : memref<2x80xi32, #tpu.memory_space<vmem>> -> memref<1x80xi32, #tpu.memory_space<vmem>>
        %dma_wait3A_473 = tpu.memref_squeeze %dma_wait3A_472 : memref<1x80xi32, #tpu.memory_space<vmem>> -> memref<80xi32, #tpu.memory_space<vmem>>
        %dma_wait3A_474 = arith.constant 0 : i32
        %dma_wait3A_475 = arith.constant 0 : i32
        %dma_wait3A_476 = tpu.memref_slice %arg15[%dma_wait3A_474, %dma_wait3A_475] : memref<10240x128xf32, #tpu.memory_space<vmem_shared>> -> memref<10240x128xf32, #tpu.memory_space<vmem_shared>>
        tpu.wait_indirect_dma semaphore(%arg27 : memref<!tpu.dma_semaphore, #tpu.memory_space<semaphore_mem>>) src(%arg14 : memref<80x128xf32, #tpu.memory_space<vmem>>) dst(%dma_wait3A_476 : memref<10240x128xf32, #tpu.memory_space<vmem_shared>>)
        %dma_start3A_477 = arith.constant 0 : i32
        %dma_start3A_478 = arith.constant 0 : i32
        %dma_start3A_479 = tpu.memref_slice %arg8[%dma_start3A_477, %dma_start3A_478] : memref<2x80xi32, #tpu.memory_space<vmem>> -> memref<1x80xi32, #tpu.memory_space<vmem>>
        %dma_start3A_480 = tpu.memref_squeeze %dma_start3A_479 : memref<1x80xi32, #tpu.memory_space<vmem>> -> memref<80xi32, #tpu.memory_space<vmem>>
        %dma_start3A_481 = arith.constant 0 : i32
        %dma_start3A_482 = arith.constant 0 : i32
        %dma_start3A_483 = tpu.memref_slice %arg3[%dma_start3A_481, %dma_start3A_482] : memref<10000x128xf32, #tpu.memory_space<hbm>> -> memref<10000x128xf32, #tpu.memory_space<hbm>>
        tpu.enqueue_indirect_dma source(%dma_start3A_483 : memref<10000x128xf32, #tpu.memory_space<hbm>>) target(%arg14 : memref<80x128xf32, #tpu.memory_space<vmem>>) offsets(%dma_start3A_480 : memref<80xi32, #tpu.memory_space<vmem>>) semaphore(%arg24 : memref<!tpu.dma_semaphore, #tpu.memory_space<semaphore_mem>>)
        %add3A_484 = arith.constant 9 : i32
        %add3A_485 = arith.addi %mul3A_256, %add3A_484 : i32
        %add3A_486 = arith.constant 2 : i32
        %add3A_487 = arith.addi %add3A_485, %add3A_486 : i32
        %lt3A_488 = arith.constant 125 : i32
        %lt3A_489 = arith.cmpi slt, %add3A_487, %lt3A_488 : i32
        %convert_element_type3A_490 = arith.extui %lt3A_489 : i1 to i32
        %cond3A_491 = arith.constant 0 : i32
        %cond3A_492 = arith.cmpi ne, %convert_element_type3A_490, %cond3A_491 : i32
        scf.if %cond3A_492 {
          %dma_start3A_493 = arith.constant 0 : i32
          %dma_start3A_494 = arith.constant 0 : i32
          %dma_start3A_495 = tpu.memref_slice %arg2[%add3A, %add3A_487, %dma_start3A_493, %dma_start3A_494] : memref<32x125x2x80xi32, #tpu.memory_space<hbm>> -> memref<1x1x2x80xi32, #tpu.memory_space<hbm>>
          %dma_start3A_496 = tpu.memref_squeeze %dma_start3A_495 : memref<1x1x2x80xi32, #tpu.memory_space<hbm>> -> memref<2x80xi32, #tpu.memory_space<hbm>>
          %dma_start3A_497 = arith.constant 0 : i32
          %dma_start3A_498 = arith.constant 0 : i32
          %dma_start3A_499 = tpu.memref_slice %arg2[%add3A, %add3A_487, %dma_start3A_497, %dma_start3A_498] : memref<32x125x2x80xi32, #tpu.memory_space<hbm>> -> memref<1x1x2x80xi32, #tpu.memory_space<hbm>>
          %dma_start3A_500 = tpu.memref_squeeze %dma_start3A_499 : memref<1x1x2x80xi32, #tpu.memory_space<hbm>> -> memref<2x80xi32, #tpu.memory_space<hbm>>
          tpu.enqueue_dma source(%dma_start3A_500 : memref<2x80xi32, #tpu.memory_space<hbm>>) target(%arg11 : memref<2x80xi32, #tpu.memory_space<vmem>>) target_semaphore(%arg21 : memref<!tpu.dma_semaphore, #tpu.memory_space<semaphore_mem>>)
        } else {
        }
      } else {
      }
    }
    %scan3A_109 = arith.constant 20 : i32
    %dma_wait3A_110 = arith.constant 0 : i32
    %dma_wait3A_111 = arith.constant 0 : i32
    %dma_wait3A_112 = tpu.memref_slice %arg6[%dma_wait3A_110, %dma_wait3A_111] : memref<2x80xi32, #tpu.memory_space<vmem>> -> memref<1x80xi32, #tpu.memory_space<vmem>>
    %dma_wait3A_113 = tpu.memref_squeeze %dma_wait3A_112 : memref<1x80xi32, #tpu.memory_space<vmem>> -> memref<80xi32, #tpu.memory_space<vmem>>
    %dma_wait3A_114 = arith.constant 0 : i32
    %dma_wait3A_115 = arith.constant 0 : i32
    %dma_wait3A_116 = tpu.memref_slice %arg3[%dma_wait3A_114, %dma_wait3A_115] : memref<10000x128xf32, #tpu.memory_space<hbm>> -> memref<10000x128xf32, #tpu.memory_space<hbm>>
    tpu.wait_indirect_dma semaphore(%arg22 : memref<!tpu.dma_semaphore, #tpu.memory_space<semaphore_mem>>) src(%dma_wait3A_116 : memref<10000x128xf32, #tpu.memory_space<hbm>>) dst(%arg12 : memref<80x128xf32, #tpu.memory_space<vmem>>)
    %dma_start3A_117 = arith.constant 1 : i32
    %dma_start3A_118 = arith.constant 0 : i32
    %dma_start3A_119 = tpu.memref_slice %arg6[%dma_start3A_117, %dma_start3A_118] : memref<2x80xi32, #tpu.memory_space<vmem>> -> memref<1x80xi32, #tpu.memory_space<vmem>>
    %dma_start3A_120 = tpu.memref_squeeze %dma_start3A_119 : memref<1x80xi32, #tpu.memory_space<vmem>> -> memref<80xi32, #tpu.memory_space<vmem>>
    %dma_start3A_121 = arith.constant 0 : i32
    %dma_start3A_122 = arith.constant 0 : i32
    %dma_start3A_123 = tpu.memref_slice %arg15[%dma_start3A_121, %dma_start3A_122] : memref<10240x128xf32, #tpu.memory_space<vmem_shared>> -> memref<10240x128xf32, #tpu.memory_space<vmem_shared>>
    tpu.enqueue_indirect_dma source(%arg12 : memref<80x128xf32, #tpu.memory_space<vmem>>) target(%dma_start3A_123 : memref<10240x128xf32, #tpu.memory_space<vmem_shared>>) offsets(%dma_start3A_120 : memref<80xi32, #tpu.memory_space<vmem>>) semaphore(%arg25 : memref<!tpu.dma_semaphore, #tpu.memory_space<semaphore_mem>>) {add = true}
    %dma_wait3A_124 = arith.constant 0 : i32
    %dma_wait3A_125 = arith.constant 0 : i32
    %dma_wait3A_126 = tpu.memref_slice %arg7[%dma_wait3A_124, %dma_wait3A_125] : memref<2x80xi32, #tpu.memory_space<vmem>> -> memref<1x80xi32, #tpu.memory_space<vmem>>
    %dma_wait3A_127 = tpu.memref_squeeze %dma_wait3A_126 : memref<1x80xi32, #tpu.memory_space<vmem>> -> memref<80xi32, #tpu.memory_space<vmem>>
    %dma_wait3A_128 = arith.constant 0 : i32
    %dma_wait3A_129 = arith.constant 0 : i32
    %dma_wait3A_130 = tpu.memref_slice %arg3[%dma_wait3A_128, %dma_wait3A_129] : memref<10000x128xf32, #tpu.memory_space<hbm>> -> memref<10000x128xf32, #tpu.memory_space<hbm>>
    tpu.wait_indirect_dma semaphore(%arg23 : memref<!tpu.dma_semaphore, #tpu.memory_space<semaphore_mem>>) src(%dma_wait3A_130 : memref<10000x128xf32, #tpu.memory_space<hbm>>) dst(%arg13 : memref<80x128xf32, #tpu.memory_space<vmem>>)
    %dma_start3A_131 = arith.constant 1 : i32
    %dma_start3A_132 = arith.constant 0 : i32
    %dma_start3A_133 = tpu.memref_slice %arg7[%dma_start3A_131, %dma_start3A_132] : memref<2x80xi32, #tpu.memory_space<vmem>> -> memref<1x80xi32, #tpu.memory_space<vmem>>
    %dma_start3A_134 = tpu.memref_squeeze %dma_start3A_133 : memref<1x80xi32, #tpu.memory_space<vmem>> -> memref<80xi32, #tpu.memory_space<vmem>>
    %dma_start3A_135 = arith.constant 0 : i32
    %dma_start3A_136 = arith.constant 0 : i32
    %dma_start3A_137 = tpu.memref_slice %arg15[%dma_start3A_135, %dma_start3A_136] : memref<10240x128xf32, #tpu.memory_space<vmem_shared>> -> memref<10240x128xf32, #tpu.memory_space<vmem_shared>>
    tpu.enqueue_indirect_dma source(%arg13 : memref<80x128xf32, #tpu.memory_space<vmem>>) target(%dma_start3A_137 : memref<10240x128xf32, #tpu.memory_space<vmem_shared>>) offsets(%dma_start3A_134 : memref<80xi32, #tpu.memory_space<vmem>>) semaphore(%arg26 : memref<!tpu.dma_semaphore, #tpu.memory_space<semaphore_mem>>) {add = true}
    %dma_wait3A_138 = arith.constant 0 : i32
    %dma_wait3A_139 = arith.constant 0 : i32
    %dma_wait3A_140 = tpu.memref_slice %arg8[%dma_wait3A_138, %dma_wait3A_139] : memref<2x80xi32, #tpu.memory_space<vmem>> -> memref<1x80xi32, #tpu.memory_space<vmem>>
    %dma_wait3A_141 = tpu.memref_squeeze %dma_wait3A_140 : memref<1x80xi32, #tpu.memory_space<vmem>> -> memref<80xi32, #tpu.memory_space<vmem>>
    %dma_wait3A_142 = arith.constant 0 : i32
    %dma_wait3A_143 = arith.constant 0 : i32
    %dma_wait3A_144 = tpu.memref_slice %arg3[%dma_wait3A_142, %dma_wait3A_143] : memref<10000x128xf32, #tpu.memory_space<hbm>> -> memref<10000x128xf32, #tpu.memory_space<hbm>>
    tpu.wait_indirect_dma semaphore(%arg24 : memref<!tpu.dma_semaphore, #tpu.memory_space<semaphore_mem>>) src(%dma_wait3A_144 : memref<10000x128xf32, #tpu.memory_space<hbm>>) dst(%arg14 : memref<80x128xf32, #tpu.memory_space<vmem>>)
    %dma_start3A_145 = arith.constant 1 : i32
    %dma_start3A_146 = arith.constant 0 : i32
    %dma_start3A_147 = tpu.memref_slice %arg8[%dma_start3A_145, %dma_start3A_146] : memref<2x80xi32, #tpu.memory_space<vmem>> -> memref<1x80xi32, #tpu.memory_space<vmem>>
    %dma_start3A_148 = tpu.memref_squeeze %dma_start3A_147 : memref<1x80xi32, #tpu.memory_space<vmem>> -> memref<80xi32, #tpu.memory_space<vmem>>
    %dma_start3A_149 = arith.constant 0 : i32
    %dma_start3A_150 = arith.constant 0 : i32
    %dma_start3A_151 = tpu.memref_slice %arg15[%dma_start3A_149, %dma_start3A_150] : memref<10240x128xf32, #tpu.memory_space<vmem_shared>> -> memref<10240x128xf32, #tpu.memory_space<vmem_shared>>
    tpu.enqueue_indirect_dma source(%arg14 : memref<80x128xf32, #tpu.memory_space<vmem>>) target(%dma_start3A_151 : memref<10240x128xf32, #tpu.memory_space<vmem_shared>>) offsets(%dma_start3A_148 : memref<80xi32, #tpu.memory_space<vmem>>) semaphore(%arg27 : memref<!tpu.dma_semaphore, #tpu.memory_space<semaphore_mem>>) {add = true}
    %dma_wait3A_152 = arith.constant 0 : i32
    %dma_wait3A_153 = arith.constant 0 : i32
    %dma_wait3A_154 = arith.constant 0 : i32
    %dma_wait3A_155 = tpu.memref_slice %arg2[%add3A, %dma_wait3A_152, %dma_wait3A_153, %dma_wait3A_154] : memref<32x125x2x80xi32, #tpu.memory_space<hbm>> -> memref<1x1x2x80xi32, #tpu.memory_space<hbm>>
    %dma_wait3A_156 = tpu.memref_squeeze %dma_wait3A_155 : memref<1x1x2x80xi32, #tpu.memory_space<hbm>> -> memref<2x80xi32, #tpu.memory_space<hbm>>
    %dma_wait3A_157 = arith.constant 0 : i32
    %dma_wait3A_158 = arith.constant 0 : i32
    %dma_wait3A_159 = tpu.memref_slice %arg2[%add3A, %dma_wait3A_152, %dma_wait3A_157, %dma_wait3A_158] : memref<32x125x2x80xi32, #tpu.memory_space<hbm>> -> memref<1x1x2x80xi32, #tpu.memory_space<hbm>>
    %dma_wait3A_160 = tpu.memref_squeeze %dma_wait3A_159 : memref<1x1x2x80xi32, #tpu.memory_space<hbm>> -> memref<2x80xi32, #tpu.memory_space<hbm>>
    tpu.wait_dma2 semaphore(%arg19 : memref<!tpu.dma_semaphore, #tpu.memory_space<semaphore_mem>>) src(%dma_wait3A_160 : memref<2x80xi32, #tpu.memory_space<hbm>>) dst(%arg9 : memref<2x80xi32, #tpu.memory_space<vmem>>)
    %dma_wait3A_161 = arith.constant 1 : i32
    %dma_wait3A_162 = arith.constant 0 : i32
    %dma_wait3A_163 = tpu.memref_slice %arg6[%dma_wait3A_161, %dma_wait3A_162] : memref<2x80xi32, #tpu.memory_space<vmem>> -> memref<1x80xi32, #tpu.memory_space<vmem>>
    %dma_wait3A_164 = tpu.memref_squeeze %dma_wait3A_163 : memref<1x80xi32, #tpu.memory_space<vmem>> -> memref<80xi32, #tpu.memory_space<vmem>>
    %dma_wait3A_165 = arith.constant 0 : i32
    %dma_wait3A_166 = arith.constant 0 : i32
    %dma_wait3A_167 = tpu.memref_slice %arg15[%dma_wait3A_165, %dma_wait3A_166] : memref<10240x128xf32, #tpu.memory_space<vmem_shared>> -> memref<10240x128xf32, #tpu.memory_space<vmem_shared>>
    tpu.wait_indirect_dma semaphore(%arg25 : memref<!tpu.dma_semaphore, #tpu.memory_space<semaphore_mem>>) src(%arg12 : memref<80x128xf32, #tpu.memory_space<vmem>>) dst(%dma_wait3A_167 : memref<10240x128xf32, #tpu.memory_space<vmem_shared>>)
    %dma_start3A_168 = arith.constant 0 : i32
    %dma_start3A_169 = arith.constant 0 : i32
    %dma_start3A_170 = tpu.memref_slice %arg9[%dma_start3A_168, %dma_start3A_169] : memref<2x80xi32, #tpu.memory_space<vmem>> -> memref<1x80xi32, #tpu.memory_space<vmem>>
    %dma_start3A_171 = tpu.memref_squeeze %dma_start3A_170 : memref<1x80xi32, #tpu.memory_space<vmem>> -> memref<80xi32, #tpu.memory_space<vmem>>
    %dma_start3A_172 = arith.constant 0 : i32
    %dma_start3A_173 = arith.constant 0 : i32
    %dma_start3A_174 = tpu.memref_slice %arg3[%dma_start3A_172, %dma_start3A_173] : memref<10000x128xf32, #tpu.memory_space<hbm>> -> memref<10000x128xf32, #tpu.memory_space<hbm>>
    tpu.enqueue_indirect_dma source(%dma_start3A_174 : memref<10000x128xf32, #tpu.memory_space<hbm>>) target(%arg12 : memref<80x128xf32, #tpu.memory_space<vmem>>) offsets(%dma_start3A_171 : memref<80xi32, #tpu.memory_space<vmem>>) semaphore(%arg22 : memref<!tpu.dma_semaphore, #tpu.memory_space<semaphore_mem>>)
    %dma_wait3A_175 = arith.constant 0 : i32
    %dma_wait3A_176 = arith.constant 0 : i32
    %dma_wait3A_177 = arith.constant 0 : i32
    %dma_wait3A_178 = tpu.memref_slice %arg2[%add3A, %dma_wait3A_175, %dma_wait3A_176, %dma_wait3A_177] : memref<32x125x2x80xi32, #tpu.memory_space<hbm>> -> memref<1x1x2x80xi32, #tpu.memory_space<hbm>>
    %dma_wait3A_179 = tpu.memref_squeeze %dma_wait3A_178 : memref<1x1x2x80xi32, #tpu.memory_space<hbm>> -> memref<2x80xi32, #tpu.memory_space<hbm>>
    %dma_wait3A_180 = arith.constant 0 : i32
    %dma_wait3A_181 = arith.constant 0 : i32
    %dma_wait3A_182 = tpu.memref_slice %arg2[%add3A, %dma_wait3A_175, %dma_wait3A_180, %dma_wait3A_181] : memref<32x125x2x80xi32, #tpu.memory_space<hbm>> -> memref<1x1x2x80xi32, #tpu.memory_space<hbm>>
    %dma_wait3A_183 = tpu.memref_squeeze %dma_wait3A_182 : memref<1x1x2x80xi32, #tpu.memory_space<hbm>> -> memref<2x80xi32, #tpu.memory_space<hbm>>
    tpu.wait_dma2 semaphore(%arg20 : memref<!tpu.dma_semaphore, #tpu.memory_space<semaphore_mem>>) src(%dma_wait3A_183 : memref<2x80xi32, #tpu.memory_space<hbm>>) dst(%arg10 : memref<2x80xi32, #tpu.memory_space<vmem>>)
    %dma_wait3A_184 = arith.constant 1 : i32
    %dma_wait3A_185 = arith.constant 0 : i32
    %dma_wait3A_186 = tpu.memref_slice %arg7[%dma_wait3A_184, %dma_wait3A_185] : memref<2x80xi32, #tpu.memory_space<vmem>> -> memref<1x80xi32, #tpu.memory_space<vmem>>
    %dma_wait3A_187 = tpu.memref_squeeze %dma_wait3A_186 : memref<1x80xi32, #tpu.memory_space<vmem>> -> memref<80xi32, #tpu.memory_space<vmem>>
    %dma_wait3A_188 = arith.constant 0 : i32
    %dma_wait3A_189 = arith.constant 0 : i32
    %dma_wait3A_190 = tpu.memref_slice %arg15[%dma_wait3A_188, %dma_wait3A_189] : memref<10240x128xf32, #tpu.memory_space<vmem_shared>> -> memref<10240x128xf32, #tpu.memory_space<vmem_shared>>
    tpu.wait_indirect_dma semaphore(%arg26 : memref<!tpu.dma_semaphore, #tpu.memory_space<semaphore_mem>>) src(%arg13 : memref<80x128xf32, #tpu.memory_space<vmem>>) dst(%dma_wait3A_190 : memref<10240x128xf32, #tpu.memory_space<vmem_shared>>)
    %dma_start3A_191 = arith.constant 0 : i32
    %dma_start3A_192 = arith.constant 0 : i32
    %dma_start3A_193 = tpu.memref_slice %arg10[%dma_start3A_191, %dma_start3A_192] : memref<2x80xi32, #tpu.memory_space<vmem>> -> memref<1x80xi32, #tpu.memory_space<vmem>>
    %dma_start3A_194 = tpu.memref_squeeze %dma_start3A_193 : memref<1x80xi32, #tpu.memory_space<vmem>> -> memref<80xi32, #tpu.memory_space<vmem>>
    %dma_start3A_195 = arith.constant 0 : i32
    %dma_start3A_196 = arith.constant 0 : i32
    %dma_start3A_197 = tpu.memref_slice %arg3[%dma_start3A_195, %dma_start3A_196] : memref<10000x128xf32, #tpu.memory_space<hbm>> -> memref<10000x128xf32, #tpu.memory_space<hbm>>
    tpu.enqueue_indirect_dma source(%dma_start3A_197 : memref<10000x128xf32, #tpu.memory_space<hbm>>) target(%arg13 : memref<80x128xf32, #tpu.memory_space<vmem>>) offsets(%dma_start3A_194 : memref<80xi32, #tpu.memory_space<vmem>>) semaphore(%arg23 : memref<!tpu.dma_semaphore, #tpu.memory_space<semaphore_mem>>)
    %dma_wait3A_198 = arith.constant 0 : i32
    %dma_wait3A_199 = arith.constant 0 : i32
    %dma_wait3A_200 = tpu.memref_slice %arg9[%dma_wait3A_198, %dma_wait3A_199] : memref<2x80xi32, #tpu.memory_space<vmem>> -> memref<1x80xi32, #tpu.memory_space<vmem>>
    %dma_wait3A_201 = tpu.memref_squeeze %dma_wait3A_200 : memref<1x80xi32, #tpu.memory_space<vmem>> -> memref<80xi32, #tpu.memory_space<vmem>>
    %dma_wait3A_202 = arith.constant 0 : i32
    %dma_wait3A_203 = arith.constant 0 : i32
    %dma_wait3A_204 = tpu.memref_slice %arg3[%dma_wait3A_202, %dma_wait3A_203] : memref<10000x128xf32, #tpu.memory_space<hbm>> -> memref<10000x128xf32, #tpu.memory_space<hbm>>
    tpu.wait_indirect_dma semaphore(%arg22 : memref<!tpu.dma_semaphore, #tpu.memory_space<semaphore_mem>>) src(%dma_wait3A_204 : memref<10000x128xf32, #tpu.memory_space<hbm>>) dst(%arg12 : memref<80x128xf32, #tpu.memory_space<vmem>>)
    %dma_start3A_205 = arith.constant 1 : i32
    %dma_start3A_206 = arith.constant 0 : i32
    %dma_start3A_207 = tpu.memref_slice %arg9[%dma_start3A_205, %dma_start3A_206] : memref<2x80xi32, #tpu.memory_space<vmem>> -> memref<1x80xi32, #tpu.memory_space<vmem>>
    %dma_start3A_208 = tpu.memref_squeeze %dma_start3A_207 : memref<1x80xi32, #tpu.memory_space<vmem>> -> memref<80xi32, #tpu.memory_space<vmem>>
    %dma_start3A_209 = arith.constant 0 : i32
    %dma_start3A_210 = arith.constant 0 : i32
    %dma_start3A_211 = tpu.memref_slice %arg15[%dma_start3A_209, %dma_start3A_210] : memref<10240x128xf32, #tpu.memory_space<vmem_shared>> -> memref<10240x128xf32, #tpu.memory_space<vmem_shared>>
    tpu.enqueue_indirect_dma source(%arg12 : memref<80x128xf32, #tpu.memory_space<vmem>>) target(%dma_start3A_211 : memref<10240x128xf32, #tpu.memory_space<vmem_shared>>) offsets(%dma_start3A_208 : memref<80xi32, #tpu.memory_space<vmem>>) semaphore(%arg25 : memref<!tpu.dma_semaphore, #tpu.memory_space<semaphore_mem>>) {add = true}
    %dma_wait3A_212 = arith.constant 0 : i32
    %dma_wait3A_213 = arith.constant 0 : i32
    %dma_wait3A_214 = tpu.memref_slice %arg10[%dma_wait3A_212, %dma_wait3A_213] : memref<2x80xi32, #tpu.memory_space<vmem>> -> memref<1x80xi32, #tpu.memory_space<vmem>>
    %dma_wait3A_215 = tpu.memref_squeeze %dma_wait3A_214 : memref<1x80xi32, #tpu.memory_space<vmem>> -> memref<80xi32, #tpu.memory_space<vmem>>
    %dma_wait3A_216 = arith.constant 0 : i32
    %dma_wait3A_217 = arith.constant 0 : i32
    %dma_wait3A_218 = tpu.memref_slice %arg3[%dma_wait3A_216, %dma_wait3A_217] : memref<10000x128xf32, #tpu.memory_space<hbm>> -> memref<10000x128xf32, #tpu.memory_space<hbm>>
    tpu.wait_indirect_dma semaphore(%arg23 : memref<!tpu.dma_semaphore, #tpu.memory_space<semaphore_mem>>) src(%dma_wait3A_218 : memref<10000x128xf32, #tpu.memory_space<hbm>>) dst(%arg13 : memref<80x128xf32, #tpu.memory_space<vmem>>)
    %dma_start3A_219 = arith.constant 1 : i32
    %dma_start3A_220 = arith.constant 0 : i32
    %dma_start3A_221 = tpu.memref_slice %arg10[%dma_start3A_219, %dma_start3A_220] : memref<2x80xi32, #tpu.memory_space<vmem>> -> memref<1x80xi32, #tpu.memory_space<vmem>>
    %dma_start3A_222 = tpu.memref_squeeze %dma_start3A_221 : memref<1x80xi32, #tpu.memory_space<vmem>> -> memref<80xi32, #tpu.memory_space<vmem>>
    %dma_start3A_223 = arith.constant 0 : i32
    %dma_start3A_224 = arith.constant 0 : i32
    %dma_start3A_225 = tpu.memref_slice %arg15[%dma_start3A_223, %dma_start3A_224] : memref<10240x128xf32, #tpu.memory_space<vmem_shared>> -> memref<10240x128xf32, #tpu.memory_space<vmem_shared>>
    tpu.enqueue_indirect_dma source(%arg13 : memref<80x128xf32, #tpu.memory_space<vmem>>) target(%dma_start3A_225 : memref<10240x128xf32, #tpu.memory_space<vmem_shared>>) offsets(%dma_start3A_222 : memref<80xi32, #tpu.memory_space<vmem>>) semaphore(%arg26 : memref<!tpu.dma_semaphore, #tpu.memory_space<semaphore_mem>>) {add = true}
    %dma_wait3A_226 = arith.constant 1 : i32
    %dma_wait3A_227 = arith.constant 0 : i32
    %dma_wait3A_228 = tpu.memref_slice %arg9[%dma_wait3A_226, %dma_wait3A_227] : memref<2x80xi32, #tpu.memory_space<vmem>> -> memref<1x80xi32, #tpu.memory_space<vmem>>
    %dma_wait3A_229 = tpu.memref_squeeze %dma_wait3A_228 : memref<1x80xi32, #tpu.memory_space<vmem>> -> memref<80xi32, #tpu.memory_space<vmem>>
    %dma_wait3A_230 = arith.constant 0 : i32
    %dma_wait3A_231 = arith.constant 0 : i32
    %dma_wait3A_232 = tpu.memref_slice %arg15[%dma_wait3A_230, %dma_wait3A_231] : memref<10240x128xf32, #tpu.memory_space<vmem_shared>> -> memref<10240x128xf32, #tpu.memory_space<vmem_shared>>
    tpu.wait_indirect_dma semaphore(%arg25 : memref<!tpu.dma_semaphore, #tpu.memory_space<semaphore_mem>>) src(%arg12 : memref<80x128xf32, #tpu.memory_space<vmem>>) dst(%dma_wait3A_232 : memref<10240x128xf32, #tpu.memory_space<vmem_shared>>)
    %dma_wait3A_233 = arith.constant 1 : i32
    %dma_wait3A_234 = arith.constant 0 : i32
    %dma_wait3A_235 = tpu.memref_slice %arg10[%dma_wait3A_233, %dma_wait3A_234] : memref<2x80xi32, #tpu.memory_space<vmem>> -> memref<1x80xi32, #tpu.memory_space<vmem>>
    %dma_wait3A_236 = tpu.memref_squeeze %dma_wait3A_235 : memref<1x80xi32, #tpu.memory_space<vmem>> -> memref<80xi32, #tpu.memory_space<vmem>>
    %dma_wait3A_237 = arith.constant 0 : i32
    %dma_wait3A_238 = arith.constant 0 : i32
    %dma_wait3A_239 = tpu.memref_slice %arg15[%dma_wait3A_237, %dma_wait3A_238] : memref<10240x128xf32, #tpu.memory_space<vmem_shared>> -> memref<10240x128xf32, #tpu.memory_space<vmem_shared>>
    tpu.wait_indirect_dma semaphore(%arg26 : memref<!tpu.dma_semaphore, #tpu.memory_space<semaphore_mem>>) src(%arg13 : memref<80x128xf32, #tpu.memory_space<vmem>>) dst(%dma_wait3A_239 : memref<10240x128xf32, #tpu.memory_space<vmem_shared>>)
    %dma_wait3A_240 = arith.constant 1 : i32
    %dma_wait3A_241 = arith.constant 0 : i32
    %dma_wait3A_242 = tpu.memref_slice %arg8[%dma_wait3A_240, %dma_wait3A_241] : memref<2x80xi32, #tpu.memory_space<vmem>> -> memref<1x80xi32, #tpu.memory_space<vmem>>
    %dma_wait3A_243 = tpu.memref_squeeze %dma_wait3A_242 : memref<1x80xi32, #tpu.memory_space<vmem>> -> memref<80xi32, #tpu.memory_space<vmem>>
    %dma_wait3A_244 = arith.constant 0 : i32
    %dma_wait3A_245 = arith.constant 0 : i32
    %dma_wait3A_246 = tpu.memref_slice %arg15[%dma_wait3A_244, %dma_wait3A_245] : memref<10240x128xf32, #tpu.memory_space<vmem_shared>> -> memref<10240x128xf32, #tpu.memory_space<vmem_shared>>
    tpu.wait_indirect_dma semaphore(%arg27 : memref<!tpu.dma_semaphore, #tpu.memory_space<semaphore_mem>>) src(%arg14 : memref<80x128xf32, #tpu.memory_space<vmem>>) dst(%dma_wait3A_246 : memref<10240x128xf32, #tpu.memory_space<vmem_shared>>)
    %barrier3A_247 = arith.constant 0 : index
    tpu.barrier barrier_id(%barrier3A_247)
    %mul3A_248 = arith.constant 640 : i32
    %mul3A_249 = arith.muli %arg1, %mul3A_248 : i32
    %mul3A_250 = arith.constant 640 : i32
    %mul3A_251 = arith.muli %arg1, %mul3A_250 : i32
    "tpu.region"() ({
      %run_scoped3A = tpu.sem_alloc : memref<!tpu.dma_semaphore, #tpu.memory_space<semaphore_mem>>
      %dma_start3A_252 = arith.constant 0 : i32
      %dma_start3A_253 = tpu.memref_slice %arg5[%arg0, %mul3A_251, %dma_start3A_252] : memref<2x10240x128xf32, #tpu.memory_space<hbm>> -> memref<1x640x128xf32, #tpu.memory_space<hbm>>
      %dma_start3A_254 = tpu.memref_squeeze %dma_start3A_253 : memref<1x640x128xf32, #tpu.memory_space<hbm>> -> memref<640x128xf32, #tpu.memory_space<hbm>>
      %dma_start3A_255 = arith.constant 0 : i32
      %dma_start3A_256 = tpu.memref_slice %arg15[%mul3A_249, %dma_start3A_255] : memref<10240x128xf32, #tpu.memory_space<vmem_shared>> -> memref<640x128xf32, #tpu.memory_space<vmem_shared>>
      tpu.enqueue_dma source(%dma_start3A_256 : memref<640x128xf32, #tpu.memory_space<vmem_shared>>) target(%dma_start3A_254 : memref<640x128xf32, #tpu.memory_space<hbm>>) target_semaphore(%run_scoped3A : memref<!tpu.dma_semaphore, #tpu.memory_space<semaphore_mem>>)
      %dma_wait3A_257 = arith.constant 0 : i32
      %dma_wait3A_258 = tpu.memref_slice %arg5[%arg0, %mul3A_251, %dma_wait3A_257] : memref<2x10240x128xf32, #tpu.memory_space<hbm>> -> memref<1x640x128xf32, #tpu.memory_space<hbm>>
      %dma_wait3A_259 = tpu.memref_squeeze %dma_wait3A_258 : memref<1x640x128xf32, #tpu.memory_space<hbm>> -> memref<640x128xf32, #tpu.memory_space<hbm>>
      %dma_wait3A_260 = arith.constant 0 : i32
      %dma_wait3A_261 = tpu.memref_slice %arg15[%mul3A_249, %dma_wait3A_260] : memref<10240x128xf32, #tpu.memory_space<vmem_shared>> -> memref<640x128xf32, #tpu.memory_space<vmem_shared>>
      tpu.wait_dma2 semaphore(%run_scoped3A : memref<!tpu.dma_semaphore, #tpu.memory_space<semaphore_mem>>) src(%dma_wait3A_261 : memref<640x128xf32, #tpu.memory_space<vmem_shared>>) dst(%dma_wait3A_259 : memref<640x128xf32, #tpu.memory_space<hbm>>)
      tpu.yield
    }) : () -> ()
    return
  }
}

module attributes {stable_mosaic.version = 14 : i64} {
  func.func @_tc_pre(%arg0: i32, %arg1: memref<1000x128xf32, #tpu.memory_space<vmem>>, %arg2: memref<128x128xf32, #tpu.memory_space<vmem>>, %arg3: memref<2x1x1x1000xf32, #tpu.memory_space<vmem>>, %arg4: memref<1000x128xf32, #tpu.memory_space<vmem>>, %arg5: memref<1000x128xf32, #tpu.memory_space<vmem>>) attributes {dimension_semantics = [#tpu.dimension_semantics<arbitrary>], iteration_bounds = array<i64: 10>, scalar_prefetch = 0 : i64, scratch_operands = 0 : i64, tpu.core_type = #tpu.core_type<tc>, window_params = [{transform_indices = @transform_0, window_bounds = array<i64: 1000, 128>}, {pipeline_mode = #tpu.pipeline_mode<synchronous>, transform_indices = @transform_1, window_bounds = array<i64: 128, 128>}, {transform_indices = @transform_2, window_bounds = array<i64: 2, 1, 1, 1000>}, {transform_indices = @transform_3, window_bounds = array<i64: 1000, 128>}, {transform_indices = @transform_4, window_bounds = array<i64: 1000, 128>}]} {
    %get3A = arith.constant 0 : index
    %get3A_0 = arith.constant 0 : index
    %get3A_1 = vector.load %arg1[%get3A, %get3A_0] : memref<1000x128xf32, #tpu.memory_space<vmem>>, vector<1000x128xf32>
    %get3A_2 = arith.constant 0 : index
    %get3A_3 = arith.constant 0 : index
    %get3A_4 = vector.load %arg2[%get3A_2, %get3A_3] : memref<128x128xf32, #tpu.memory_space<vmem>>, vector<128x128xf32>
    %dot_general3A = arith.constant dense<0.000000e+00> : vector<1000x128xf32>
    %dot_general3A_5 = tpu.matmul %get3A_1, %get3A_4, %dot_general3A {dimension_numbers = #tpu.dot_dimension_numbers<[1], [0], [0], [1], [0, 0, 1, 1], [], []>, transpose_lhs_hint = false} : vector<1000x128xf32>, vector<128x128xf32>, vector<1000x128xf32> -> vector<1000x128xf32>
    %get3A_6 = arith.constant 0 : index
    %get3A_7 = arith.constant 0 : index
    %get3A_8 = arith.constant 0 : index
    %get3A_9 = arith.constant 0 : index
    %get3A_10 = vector.load %arg3[%get3A_6, %get3A_7, %get3A_8, %get3A_9] : memref<2x1x1x1000xf32, #tpu.memory_space<vmem>>, vector<1x1x1x1000xf32>
    %get3A_11 = vector.shape_cast %get3A_10 : vector<1x1x1x1000xf32> to vector<1000xf32>
    %get3A_12 = arith.constant 1 : index
    %get3A_13 = arith.constant 0 : index
    %get3A_14 = arith.constant 0 : index
    %get3A_15 = arith.constant 0 : index
    %get3A_16 = vector.load %arg3[%get3A_12, %get3A_13, %get3A_14, %get3A_15] : memref<2x1x1x1000xf32, #tpu.memory_space<vmem>>, vector<1x1x1x1000xf32>
    %get3A_17 = vector.shape_cast %get3A_16 : vector<1x1x1x1000xf32> to vector<1000xf32>
    %add3A = arith.addf %get3A_11, %get3A_17 : vector<1000xf32>
    %add3A_18 = arith.constant 1.000000e+00 : f32
    %add3A_19 = vector.broadcast %add3A_18 : f32 to vector<1000xf32>
    %add3A_20 = arith.addf %add3A, %add3A_19 : vector<1000xf32>
    %rsqrt3A = math.rsqrt %add3A_20 : vector<1000xf32>
    %swap3A = arith.constant 0 : index
    %swap3A_21 = arith.constant 0 : index
    %swap3A_22 = vector.load %arg4[%swap3A, %swap3A_21] : memref<1000x128xf32, #tpu.memory_space<vmem>>, vector<1000x128xf32>
    tpu.vector_store %arg4[%swap3A, %swap3A_21], %dot_general3A_5 {strides = array<i32>} : memref<1000x128xf32, #tpu.memory_space<vmem>>, vector<1000x128xf32>,
    %broadcast_in_dim3A = vector.shape_cast %rsqrt3A : vector<1000xf32> to vector<1000x1xf32>
    %mul3A = vector.broadcast %broadcast_in_dim3A : vector<1000x1xf32> to vector<1000x128xf32>
    %mul3A_23 = arith.mulf %dot_general3A_5, %mul3A : vector<1000x128xf32>
    %swap3A_24 = arith.constant 0 : index
    %swap3A_25 = arith.constant 0 : index
    %swap3A_26 = vector.load %arg5[%swap3A_24, %swap3A_25] : memref<1000x128xf32, #tpu.memory_space<vmem>>, vector<1000x128xf32>
    tpu.vector_store %arg5[%swap3A_24, %swap3A_25], %mul3A_23 {strides = array<i32>} : memref<1000x128xf32, #tpu.memory_space<vmem>>, vector<1000x128xf32>,
    return
  }
  func.func @transform_0(%arg0: i32) -> (i32, i32) {
    %c0_i32 = arith.constant 0 : i32
    %c0_i32_0 = arith.constant 0 : i32
    return %arg0, %c0_i32 : i32, i32
  }
  func.func @transform_1(%arg0: i32) -> (i32, i32) {
    %c0_i32 = arith.constant 0 : i32
    %c0_i32_0 = arith.constant 0 : i32
    %c0_i32_1 = arith.constant 0 : i32
    return %c0_i32, %c0_i32_0 : i32, i32
  }
  func.func @transform_2(%arg0: i32) -> (i32, i32, i32, i32) {
    %c0_i32 = arith.constant 0 : i32
    %c0_i32_0 = arith.constant 0 : i32
    %c0_i32_1 = arith.constant 0 : i32
    %c0_i32_2 = arith.constant 0 : i32
    return %c0_i32, %arg0, %c0_i32_0, %c0_i32_1 : i32, i32, i32, i32
  }
  func.func @transform_3(%arg0: i32) -> (i32, i32) {
    %c0_i32 = arith.constant 0 : i32
    %c0_i32_0 = arith.constant 0 : i32
    return %arg0, %c0_i32 : i32, i32
  }
  func.func @transform_4(%arg0: i32) -> (i32, i32) {
    %c0_i32 = arith.constant 0 : i32
    %c0_i32_0 = arith.constant 0 : i32
    return %arg0, %c0_i32 : i32, i32
  }
}

module attributes {stable_mosaic.version = 14 : i64} {
  func.func @_tc_mid(%arg0: i32, %arg1: memref<2x1000x128xf32, #tpu.memory_space<vmem>>, %arg2: memref<1000x128xf32, #tpu.memory_space<vmem>>, %arg3: memref<2x1x1x1000xf32, #tpu.memory_space<vmem>>, %arg4: memref<128xf32, #tpu.memory_space<vmem>>, %arg5: memref<128x128xf32, #tpu.memory_space<vmem>>, %arg6: memref<128x1xf32, #tpu.memory_space<vmem>>, %arg7: memref<1000x1xf32, #tpu.memory_space<vmem>>, %arg8: memref<1000x1xf32, #tpu.memory_space<vmem>>) attributes {dimension_semantics = [#tpu.dimension_semantics<arbitrary>], iteration_bounds = array<i64: 10>, scalar_prefetch = 0 : i64, scratch_operands = 0 : i64, tpu.core_type = #tpu.core_type<tc>, window_params = [{transform_indices = @transform_0, window_bounds = array<i64: 2, 1000, 128>}, {transform_indices = @transform_1, window_bounds = array<i64: 1000, 128>}, {transform_indices = @transform_2, window_bounds = array<i64: 2, 1, 1, 1000>}, {pipeline_mode = #tpu.pipeline_mode<synchronous>, transform_indices = @transform_3, window_bounds = array<i64: 128>}, {pipeline_mode = #tpu.pipeline_mode<synchronous>, transform_indices = @transform_4, window_bounds = array<i64: 128, 128>}, {pipeline_mode = #tpu.pipeline_mode<synchronous>, transform_indices = @transform_5, window_bounds = array<i64: 128, 1>}, {transform_indices = @transform_6, window_bounds = array<i64: 1000, 1>}, {transform_indices = @transform_7, window_bounds = array<i64: 1000, 1>}]} {
    %get3A = arith.constant 0 : index
    %get3A_0 = arith.constant 0 : index
    %get3A_1 = arith.constant 0 : index
    %get3A_2 = vector.load %arg1[%get3A, %get3A_0, %get3A_1] : memref<2x1000x128xf32, #tpu.memory_space<vmem>>, vector<1x1000x128xf32>
    %get3A_3 = vector.shape_cast %get3A_2 : vector<1x1000x128xf32> to vector<1000x128xf32>
    %get3A_4 = arith.constant 1 : index
    %get3A_5 = arith.constant 0 : index
    %get3A_6 = arith.constant 0 : index
    %get3A_7 = vector.load %arg1[%get3A_4, %get3A_5, %get3A_6] : memref<2x1000x128xf32, #tpu.memory_space<vmem>>, vector<1x1000x128xf32>
    %get3A_8 = vector.shape_cast %get3A_7 : vector<1x1000x128xf32> to vector<1000x128xf32>
    %add3A = arith.addf %get3A_3, %get3A_8 : vector<1000x128xf32>
    %get3A_9 = arith.constant 0 : index
    %get3A_10 = arith.constant 0 : index
    %get3A_11 = arith.constant 0 : index
    %get3A_12 = arith.constant 0 : index
    %get3A_13 = vector.load %arg3[%get3A_9, %get3A_10, %get3A_11, %get3A_12] : memref<2x1x1x1000xf32, #tpu.memory_space<vmem>>, vector<1x1x1x1000xf32>
    %get3A_14 = vector.shape_cast %get3A_13 : vector<1x1x1x1000xf32> to vector<1000xf32>
    %get3A_15 = arith.constant 1 : index
    %get3A_16 = arith.constant 0 : index
    %get3A_17 = arith.constant 0 : index
    %get3A_18 = arith.constant 0 : index
    %get3A_19 = vector.load %arg3[%get3A_15, %get3A_16, %get3A_17, %get3A_18] : memref<2x1x1x1000xf32, #tpu.memory_space<vmem>>, vector<1x1x1x1000xf32>
    %get3A_20 = vector.shape_cast %get3A_19 : vector<1x1x1x1000xf32> to vector<1000xf32>
    %add3A_21 = arith.addf %get3A_14, %get3A_20 : vector<1000xf32>
    %add3A_22 = arith.constant 1.000000e+00 : f32
    %add3A_23 = vector.broadcast %add3A_22 : f32 to vector<1000xf32>
    %add3A_24 = arith.addf %add3A_21, %add3A_23 : vector<1000xf32>
    %rsqrt3A = math.rsqrt %add3A_24 : vector<1000xf32>
    %broadcast_in_dim3A = vector.shape_cast %rsqrt3A : vector<1000xf32> to vector<1000x1xf32>
    %mul3A = vector.broadcast %broadcast_in_dim3A : vector<1000x1xf32> to vector<1000x128xf32>
    %mul3A_25 = arith.mulf %add3A, %mul3A : vector<1000x128xf32>
    %get3A_26 = arith.constant 0 : index
    %get3A_27 = arith.constant 0 : index
    %get3A_28 = vector.load %arg2[%get3A_26, %get3A_27] : memref<1000x128xf32, #tpu.memory_space<vmem>>, vector<1000x128xf32>
    %div3A = arith.constant 1.000000e+00 : f32
    %div3A_29 = vector.broadcast %div3A : f32 to vector<1000xf32>
    %div3A_30 = arith.divf %div3A_29, %add3A_24 : vector<1000xf32>
    %broadcast_in_dim3A_31 = vector.shape_cast %div3A_30 : vector<1000xf32> to vector<1000x1xf32>
    %mul3A_32 = vector.broadcast %broadcast_in_dim3A_31 : vector<1000x1xf32> to vector<1000x128xf32>
    %mul3A_33 = arith.mulf %get3A_28, %mul3A_32 : vector<1000x128xf32>
    %add3A_34 = arith.addf %mul3A_25, %mul3A_33 : vector<1000x128xf32>
    %get3A_35 = arith.constant 0 : index
    %get3A_36 = vector.load %arg4[%get3A_35] : memref<128xf32, #tpu.memory_space<vmem>>, vector<128xf32>
    %broadcast_in_dim3A_37 = vector.shape_cast %get3A_36 : vector<128xf32> to vector<1x128xf32>
    %add3A_38 = vector.broadcast %broadcast_in_dim3A_37 : vector<1x128xf32> to vector<1000x128xf32>
    %add3A_39 = arith.addf %add3A_34, %add3A_38 : vector<1000x128xf32>
    %max3A = arith.constant 0.000000e+00 : f32
    %max3A_40 = vector.broadcast %max3A : f32 to vector<1000x128xf32>
    %max3A_41 = arith.maximumf %add3A_39, %max3A_40 : vector<1000x128xf32>
    %get3A_42 = arith.constant 0 : index
    %get3A_43 = arith.constant 0 : index
    %get3A_44 = vector.load %arg5[%get3A_42, %get3A_43] : memref<128x128xf32, #tpu.memory_space<vmem>>, vector<128x128xf32>
    %get3A_45 = arith.constant 0 : index
    %get3A_46 = arith.constant 0 : index
    %get3A_47 = vector.load %arg6[%get3A_45, %get3A_46] : memref<128x1xf32, #tpu.memory_space<vmem>>, vector<128x1xf32>
    %dot_general3A = arith.constant dense<0.000000e+00> : vector<128x1xf32>
    %dot_general3A_48 = tpu.matmul %get3A_44, %get3A_47, %dot_general3A {dimension_numbers = #tpu.dot_dimension_numbers<[1], [0], [0], [1], [0, 0, 1, 1], [], []>, transpose_lhs_hint = false} : vector<128x128xf32>, vector<128x1xf32>, vector<128x1xf32> -> vector<128x1xf32>
    %dot_general3A_49 = arith.constant dense<0.000000e+00> : vector<1000x1xf32>
    %dot_general3A_50 = tpu.matmul %max3A_41, %dot_general3A_48, %dot_general3A_49 {dimension_numbers = #tpu.dot_dimension_numbers<[1], [0], [0], [1], [0, 0, 1, 1], [], []>, transpose_lhs_hint = false} : vector<1000x128xf32>, vector<128x1xf32>, vector<1000x1xf32> -> vector<1000x1xf32>
    %swap3A = arith.constant 0 : index
    %swap3A_51 = arith.constant 0 : index
    %swap3A_52 = vector.load %arg7[%swap3A, %swap3A_51] : memref<1000x1xf32, #tpu.memory_space<vmem>>, vector<1000x1xf32>
    tpu.vector_store %arg7[%swap3A, %swap3A_51], %dot_general3A_50 {strides = array<i32>} : memref<1000x1xf32, #tpu.memory_space<vmem>>, vector<1000x1xf32>,
    %broadcast_in_dim3A_53 = vector.shape_cast %rsqrt3A : vector<1000xf32> to vector<1000x1xf32>
    %mul3A_54 = arith.mulf %dot_general3A_50, %broadcast_in_dim3A_53 : vector<1000x1xf32>
    %swap3A_55 = arith.constant 0 : index
    %swap3A_56 = arith.constant 0 : index
    %swap3A_57 = vector.load %arg8[%swap3A_55, %swap3A_56] : memref<1000x1xf32, #tpu.memory_space<vmem>>, vector<1000x1xf32>
    tpu.vector_store %arg8[%swap3A_55, %swap3A_56], %mul3A_54 {strides = array<i32>} : memref<1000x1xf32, #tpu.memory_space<vmem>>, vector<1000x1xf32>,
    return
  }
  func.func @transform_0(%arg0: i32) -> (i32, i32, i32) {
    %c0_i32 = arith.constant 0 : i32
    %c0_i32_0 = arith.constant 0 : i32
    %c0_i32_1 = arith.constant 0 : i32
    return %c0_i32, %arg0, %c0_i32_0 : i32, i32, i32
  }
  func.func @transform_1(%arg0: i32) -> (i32, i32) {
    %c0_i32 = arith.constant 0 : i32
    %c0_i32_0 = arith.constant 0 : i32
    return %arg0, %c0_i32 : i32, i32
  }
  func.func @transform_2(%arg0: i32) -> (i32, i32, i32, i32) {
    %c0_i32 = arith.constant 0 : i32
    %c0_i32_0 = arith.constant 0 : i32
    %c0_i32_1 = arith.constant 0 : i32
    %c0_i32_2 = arith.constant 0 : i32
    return %c0_i32, %arg0, %c0_i32_0, %c0_i32_1 : i32, i32, i32, i32
  }
  func.func @transform_3(%arg0: i32) -> i32 {
    %c0_i32 = arith.constant 0 : i32
    %c0_i32_0 = arith.constant 0 : i32
    return %c0_i32 : i32
  }
  func.func @transform_4(%arg0: i32) -> (i32, i32) {
    %c0_i32 = arith.constant 0 : i32
    %c0_i32_0 = arith.constant 0 : i32
    %c0_i32_1 = arith.constant 0 : i32
    return %c0_i32, %c0_i32_0 : i32, i32
  }
  func.func @transform_5(%arg0: i32) -> (i32, i32) {
    %c0_i32 = arith.constant 0 : i32
    %c0_i32_0 = arith.constant 0 : i32
    %c0_i32_1 = arith.constant 0 : i32
    return %c0_i32, %c0_i32_0 : i32, i32
  }
  func.func @transform_6(%arg0: i32) -> (i32, i32) {
    %c0_i32 = arith.constant 0 : i32
    %c0_i32_0 = arith.constant 0 : i32
    return %arg0, %c0_i32 : i32, i32
  }
  func.func @transform_7(%arg0: i32) -> (i32, i32) {
    %c0_i32 = arith.constant 0 : i32
    %c0_i32_0 = arith.constant 0 : i32
    return %arg0, %c0_i32 : i32, i32
  }
}

module attributes {stable_mosaic.version = 14 : i64} {
  func.func @_tc_post(%arg0: i32, %arg1: memref<2x1x1x1000xf32, #tpu.memory_space<vmem>>, %arg2: memref<1000x1xf32, #tpu.memory_space<vmem>>, %arg3: memref<2x1x1x1000xf32, #tpu.memory_space<vmem>>, %arg4: memref<128xf32, #tpu.memory_space<vmem>>, %arg5: memref<128x1xf32, #tpu.memory_space<vmem>>, %arg6: memref<1xf32, #tpu.memory_space<vmem>>, %arg7: memref<1000x1xf32, #tpu.memory_space<vmem>>) attributes {dimension_semantics = [#tpu.dimension_semantics<arbitrary>], iteration_bounds = array<i64: 10>, scalar_prefetch = 0 : i64, scratch_operands = 0 : i64, tpu.core_type = #tpu.core_type<tc>, window_params = [{transform_indices = @transform_0, window_bounds = array<i64: 2, 1, 1, 1000>}, {transform_indices = @transform_1, window_bounds = array<i64: 1000, 1>}, {transform_indices = @transform_2, window_bounds = array<i64: 2, 1, 1, 1000>}, {pipeline_mode = #tpu.pipeline_mode<synchronous>, transform_indices = @transform_3, window_bounds = array<i64: 128>}, {pipeline_mode = #tpu.pipeline_mode<synchronous>, transform_indices = @transform_4, window_bounds = array<i64: 128, 1>}, {pipeline_mode = #tpu.pipeline_mode<synchronous>, transform_indices = @transform_5, window_bounds = array<i64: 1>}, {transform_indices = @transform_6, window_bounds = array<i64: 1000, 1>}]} {
    %get3A = arith.constant 0 : index
    %get3A_0 = arith.constant 0 : index
    %get3A_1 = arith.constant 0 : index
    %get3A_2 = arith.constant 0 : index
    %get3A_3 = vector.load %arg1[%get3A, %get3A_0, %get3A_1, %get3A_2] : memref<2x1x1x1000xf32, #tpu.memory_space<vmem>>, vector<1x1x1x1000xf32>
    %get3A_4 = vector.shape_cast %get3A_3 : vector<1x1x1x1000xf32> to vector<1000xf32>
    %get3A_5 = arith.constant 1 : index
    %get3A_6 = arith.constant 0 : index
    %get3A_7 = arith.constant 0 : index
    %get3A_8 = arith.constant 0 : index
    %get3A_9 = vector.load %arg1[%get3A_5, %get3A_6, %get3A_7, %get3A_8] : memref<2x1x1x1000xf32, #tpu.memory_space<vmem>>, vector<1x1x1x1000xf32>
    %get3A_10 = vector.shape_cast %get3A_9 : vector<1x1x1x1000xf32> to vector<1000xf32>
    %add3A = arith.addf %get3A_4, %get3A_10 : vector<1000xf32>
    %get3A_11 = arith.constant 0 : index
    %get3A_12 = arith.constant 0 : index
    %get3A_13 = arith.constant 0 : index
    %get3A_14 = arith.constant 0 : index
    %get3A_15 = vector.load %arg3[%get3A_11, %get3A_12, %get3A_13, %get3A_14] : memref<2x1x1x1000xf32, #tpu.memory_space<vmem>>, vector<1x1x1x1000xf32>
    %get3A_16 = vector.shape_cast %get3A_15 : vector<1x1x1x1000xf32> to vector<1000xf32>
    %get3A_17 = arith.constant 1 : index
    %get3A_18 = arith.constant 0 : index
    %get3A_19 = arith.constant 0 : index
    %get3A_20 = arith.constant 0 : index
    %get3A_21 = vector.load %arg3[%get3A_17, %get3A_18, %get3A_19, %get3A_20] : memref<2x1x1x1000xf32, #tpu.memory_space<vmem>>, vector<1x1x1x1000xf32>
    %get3A_22 = vector.shape_cast %get3A_21 : vector<1x1x1x1000xf32> to vector<1000xf32>
    %add3A_23 = arith.addf %get3A_16, %get3A_22 : vector<1000xf32>
    %add3A_24 = arith.constant 1.000000e+00 : f32
    %add3A_25 = vector.broadcast %add3A_24 : f32 to vector<1000xf32>
    %add3A_26 = arith.addf %add3A_23, %add3A_25 : vector<1000xf32>
    %rsqrt3A = math.rsqrt %add3A_26 : vector<1000xf32>
    %get3A_27 = arith.constant 0 : index
    %get3A_28 = vector.load %arg4[%get3A_27] : memref<128xf32, #tpu.memory_space<vmem>>, vector<128xf32>
    %get3A_29 = arith.constant 0 : index
    %get3A_30 = arith.constant 0 : index
    %get3A_31 = vector.load %arg5[%get3A_29, %get3A_30] : memref<128x1xf32, #tpu.memory_space<vmem>>, vector<128x1xf32>
    %get3A_32 = vector.shape_cast %get3A_31 : vector<128x1xf32> to vector<128xf32>
    %mul3A = arith.mulf %get3A_28, %get3A_32 : vector<128xf32>
    %reduce_sum3A = vector.shape_cast %mul3A : vector<128xf32> to vector<1x128xf32>
    %reduce_sum3A_33 = arith.constant dense<0.000000e+00> : vector<1xf32>
    %reduce_sum3A_34 = vector.multi_reduction <add>, %reduce_sum3A, %reduce_sum3A_33 [1] : vector<1x128xf32> to vector<1xf32>
    %reduce_sum3A_35 = vector.shape_cast %reduce_sum3A_34 : vector<1xf32> to vector<1x1xf32>
    %reduce_sum3A_36 = vector.extract %reduce_sum3A_35[0, 0] : f32 from vector<1x1xf32>
    %get3A_37 = arith.constant 0 : index
    %get3A_38 = vector.load %arg6[%get3A_37] : memref<1xf32, #tpu.memory_space<vmem>>, vector<1xf32>
    %get3A_39 = vector.extract %get3A_38[0] : f32 from vector<1xf32>
    %add3A_40 = arith.addf %reduce_sum3A_36, %get3A_39 : f32
    %mul3A_41 = arith.mulf %add3A, %rsqrt3A : vector<1000xf32>
    %get3A_42 = arith.constant 0 : index
    %get3A_43 = arith.constant 0 : index
    %get3A_44 = vector.load %arg2[%get3A_42, %get3A_43] : memref<1000x1xf32, #tpu.memory_space<vmem>>, vector<1000x1xf32>
    %get3A_45 = vector.shape_cast %get3A_44 : vector<1000x1xf32> to vector<1000xf32>
    %div3A = arith.constant 1.000000e+00 : f32
    %div3A_46 = vector.broadcast %div3A : f32 to vector<1000xf32>
    %div3A_47 = arith.divf %div3A_46, %add3A_26 : vector<1000xf32>
    %mul3A_48 = arith.mulf %get3A_45, %div3A_47 : vector<1000xf32>
    %add3A_49 = arith.addf %mul3A_41, %mul3A_48 : vector<1000xf32>
    %add3A_50 = vector.broadcast %add3A_40 : f32 to vector<1000xf32>
    %add3A_51 = arith.addf %add3A_49, %add3A_50 : vector<1000xf32>
    %logistic3A = arith.negf %add3A_51 : vector<1000xf32>
    %logistic3A_52 = math.exp %logistic3A : vector<1000xf32>
    %logistic3A_53 = arith.constant 1.000000e+00 : f32
    %logistic3A_54 = vector.broadcast %logistic3A_53 : f32 to vector<1000xf32>
    %logistic3A_55 = arith.addf %logistic3A_54, %logistic3A_52 : vector<1000xf32>
    %logistic3A_56 = arith.divf %logistic3A_54, %logistic3A_55 : vector<1000xf32>
    %broadcast_in_dim3A = vector.shape_cast %logistic3A_56 : vector<1000xf32> to vector<1000x1xf32>
    %swap3A = arith.constant 0 : index
    %swap3A_57 = arith.constant 0 : index
    %swap3A_58 = vector.load %arg7[%swap3A, %swap3A_57] : memref<1000x1xf32, #tpu.memory_space<vmem>>, vector<1000x1xf32>
    tpu.vector_store %arg7[%swap3A, %swap3A_57], %broadcast_in_dim3A {strides = array<i32>} : memref<1000x1xf32, #tpu.memory_space<vmem>>, vector<1000x1xf32>,
    return
  }
  func.func @transform_0(%arg0: i32) -> (i32, i32, i32, i32) {
    %c0_i32 = arith.constant 0 : i32
    %c0_i32_0 = arith.constant 0 : i32
    %c0_i32_1 = arith.constant 0 : i32
    %c0_i32_2 = arith.constant 0 : i32
    return %c0_i32, %arg0, %c0_i32_0, %c0_i32_1 : i32, i32, i32, i32
  }
  func.func @transform_1(%arg0: i32) -> (i32, i32) {
    %c0_i32 = arith.constant 0 : i32
    %c0_i32_0 = arith.constant 0 : i32
    return %arg0, %c0_i32 : i32, i32
  }
  func.func @transform_2(%arg0: i32) -> (i32, i32, i32, i32) {
    %c0_i32 = arith.constant 0 : i32
    %c0_i32_0 = arith.constant 0 : i32
    %c0_i32_1 = arith.constant 0 : i32
    %c0_i32_2 = arith.constant 0 : i32
    return %c0_i32, %arg0, %c0_i32_0, %c0_i32_1 : i32, i32, i32, i32
  }
  func.func @transform_3(%arg0: i32) -> i32 {
    %c0_i32 = arith.constant 0 : i32
    %c0_i32_0 = arith.constant 0 : i32
    return %c0_i32 : i32
  }
  func.func @transform_4(%arg0: i32) -> (i32, i32) {
    %c0_i32 = arith.constant 0 : i32
    %c0_i32_0 = arith.constant 0 : i32
    %c0_i32_1 = arith.constant 0 : i32
    return %c0_i32, %c0_i32_0 : i32, i32
  }
  func.func @transform_5(%arg0: i32) -> i32 {
    %c0_i32 = arith.constant 0 : i32
    %c0_i32_0 = arith.constant 0 : i32
    return %c0_i32 : i32
  }
  func.func @transform_6(%arg0: i32) -> (i32, i32) {
    %c0_i32 = arith.constant 0 : i32
    %c0_i32_0 = arith.constant 0 : i32
    return %arg0, %c0_i32 : i32, i32
  }
}

</mosaic_0001>

<sc_bundles>
// kernel: kernel.11.cloned.1.call-start
scs
__scs_entry_jumppad:
0x0: {  	(pc) =	sbr.rel $0x88, $3  }
0x1: {  	(tag) =	ssettag $0x0;
	lr =	simm.s32 $0x1  }
0x2: {  	[smem:$0x3F99] =	sst lr;
	_ =	strace $0xD0000000  }
0x3: {  	_ = 	snop  }
0x4: {  	_ = 	snop  }
0x5: {  	_ = 	snop  }
0x6: {  	_ = 	snop  }
0x7: {  	_ = 	snop  }
__scs_overlays_trampoline_lowered:
0x8: {  	[smem:$0x3FA8] =	sst s0  }
0x9: {  	[smem:$0x3FA9] =	sst s1  }
0xa: {  	[smem:$0x3FAA] =	sst s2  }
0xb: {  	[smem:$0x3FAB] =	sst s3  }
0xc: {  	[smem:$0x3FAC] =	sst s4  }
0xd: {  	[smem:$0x3FAD] =	sst s5  }
0xe: {  	[smem:$0x3FAE] =	sst s6  }
0xf: {  	[smem:$0x3FAF] =	sst s7  }
0x10: {  	[smem:$0x3FB0] =	sst s8  }
0x11: {  	[smem:$0x3FB1] =	sst s9;
	s0 =	simm.s32 @!p0 $0x0  }
0x12: {  	s1 =	sld [smem:$0x3F97];
	s0 =	simm.s32 @p0 $0x1  }
0x13: {  	[smem:$0x3FB2] =	sst s0;
	s0 =	simm.s32 @!p1 $0x0  }
0x14: {  	s2 =	sld [smem:$0x3F96];
	s0 =	simm.s32 @p1 $0x1  }
0x15: {  	[smem:$0x3FB3] =	sst s0;
	s0 =	simm.s32 @!p2 $0x0  }
0x16: {  	s3 =	sld [smem:$0x3FDB];
	s0 =	simm.s32 @p2 $0x1  }
0x17: {  	s4 =	simm.s32 $0x1BF5;
	[smem:$0x3FB5] =	sst s0  }
0x18: {  	s0 =	sld [smem:$0x3F98];
	_ =	swait.ge [sflag:s4], $0x0  }
0x19: {  	s7 =	sld [smem:$0x3F99]  }
0x1a: {  	s8 =	sadd.s32 $0xFFFFE003, lr  }
0x1b: {  	s9 =	sadd.s32 $0xFFFFFEF7, lr;
	s5 =	simm.s32 $0xFFFFFFFF;
	p2 =	slt.u32 s8, $0xFFFFF086  }
0x1c: {  	p1 =	slt.u32 s9, $0xF7A;
	s5 =	simm.s32 @!p2 $0x0  }
0x1d: {  	s5 =	simm.s32 @p1 $0x1;
	p0 =	seq.s32 s7, s2  }
0x1e: {  	s7 =	smul.u32 @!p0 $0xF7A, s2;
	p2 =	seq.s32 @!p0 s5, $0x0  }
0x1f: {  	s9 =	smul.u32 $0xF7A, s1;
	s8 =	simm.s32 @!p0 $0x1BF5;
	p2 =	por !p2, p0  }
0x20: {  	[sflag:s8] =	ssyncset.s32 @!p0 $0xFFFFF086;
	s6 =	sadd.s32 @!p0 s3, s7;
	s7 =	simm.s32 @!p0 $0x108  }
0x21: {  	s3 =	sadd.s32 s3, s9;
	s6 =	sadd.s32 @!p0 $0x88, s6;
	s7 =	simm.s32 @p2 $0x1082  }
0x22: {  	[simem:s7], [sflag:s8] =	dma.local @!p0 [hbm:s6], $0xF7A  }
0x23: {  	s9 =	sor.u32 $0xD0000000, s2;
	s6 =	simm.s32 $0x108;
	_ =	swait.ge @!p0 [sflag:s8], $0x0  }
0x24: {  	s3 =	sadd.s32 $0x88, s3;
	s6 =	simm.s32 @!p1 $0x1082;
	[sflag:s4] =	ssyncset.s32 $0xFFFFF086  }
0x25: {  	[simem:s6], [sflag:s4] =	dma.local [hbm:s3], $0xF7A  }
0x26: {  	[smem:$0x3F99] =	sst s1;
	(tag) =	ssettag s2;
	_ =	strace s9  }
0x27: {  	s1 =	sld [smem:$0x3FA9]  }
0x28: {  	s2 =	sld [smem:$0x3FAA]  }
0x29: {  	s4 =	sld [smem:$0x3FAC]  }
0x2a: {  	p0 =	seq.s32 s5, $0x0;
	s5 =	sld [smem:$0x3FAD]  }
0x2b: {  	s6 =	sld [smem:$0x3FAE]  }
0x2c: {  	s7 =	sld [smem:$0x3FAF]  }
0x2d: {  	s3 =	simm.s32 $0x108;
	s8 =	sld [smem:$0x3FB0]  }
0x2e: {  	s3 =	simm.s32 @!p0 $0x1082;
	s9 =	sld [smem:$0x3FB1]  }
0x2f: {  	lr =	sadd.s32 s0, s3;
	s0 =	sld [smem:$0x3FA8]  }
0x30: {  	s3 =	sld [smem:$0x3FAB]  }
0x31: {  	[smem:$0x3FB4] =	sst s10  }
0x32: {  	s10 =	sld [smem:$0x3FB2];
	_ =	sdelay $0x3  }
0x33: {  	p0 =	seq.s32 s10, $0x1;
	s10 =	sld [smem:$0x3FB4];
	_ =	sdelay $0x3  }
0x34: {  	[smem:$0x3FB4] =	sst s10  }
0x35: {  	s10 =	sld [smem:$0x3FB3];
	_ =	sdelay $0x3  }
0x36: {  	p1 =	seq.s32 s10, $0x1;
	s10 =	sld [smem:$0x3FB4];
	_ =	sdelay $0x3  }
0x37: {  	[smem:$0x3FB4] =	sst s10  }
0x38: {  	s10 =	sld [smem:$0x3FB5]  }
0x39: {  	_ = 	snop;
	(pc) =	sbr.ind lr, $3  }
0x3a: {  	_ = 	snop  }
0x3b: {  	_ = 	snop  }
0x3c: {  	p2 =	seq.s32 s10, $0x1;
	s10 =	sld [smem:$0x3FB4]  }
0x3d: {  	_ =	shalt  }
0x3e: {  	_ =	shalt  }
0x3f: {  	_ =	shalt  }
0x40: {  	_ =	shalt  }
0x41: {  	_ =	shalt  }
0x42: {  	_ =	shalt  }
0x43: {  	_ =	shalt  }
0x44: {  	_ =	shalt  }
0x45: {  	_ =	shalt  }
0x46: {  	_ =	shalt  }
0x47: {  	_ =	shalt  }
0x48: {  	_ =	shalt  }
0x49: {  	_ =	shalt  }
0x4a: {  	_ =	shalt  }
0x4b: {  	_ =	shalt  }
0x4c: {  	_ =	shalt  }
0x4d: {  	_ =	shalt  }
0x4e: {  	_ =	shalt  }
0x4f: {  	_ =	shalt  }
0x50: {  	_ =	shalt  }
0x51: {  	_ =	shalt  }
0x52: {  	_ =	shalt  }
0x53: {  	_ =	shalt  }
0x54: {  	_ =	shalt  }
0x55: {  	_ =	shalt  }
0x56: {  	_ =	shalt  }
0x57: {  	_ =	shalt  }
0x58: {  	_ =	shalt  }
0x59: {  	_ =	shalt  }
0x5a: {  	_ =	shalt  }
0x5b: {  	_ =	shalt  }
0x5c: {  	_ =	shalt  }
0x5d: {  	_ =	shalt  }
0x5e: {  	_ =	shalt  }
0x5f: {  	_ =	shalt  }
0x60: {  	_ =	shalt  }
0x61: {  	_ =	shalt  }
0x62: {  	_ =	shalt  }
0x63: {  	_ =	shalt  }
0x64: {  	_ =	shalt  }
0x65: {  	_ =	shalt  }
0x66: {  	_ =	shalt  }
0x67: {  	_ =	shalt  }
0x68: {  	_ =	shalt  }
0x69: {  	_ =	shalt  }
0x6a: {  	_ =	shalt  }
0x6b: {  	_ =	shalt  }
0x6c: {  	_ =	shalt  }
0x6d: {  	_ =	shalt  }
0x6e: {  	_ =	shalt  }
0x6f: {  	_ =	shalt  }
0x70: {  	_ =	shalt  }
0x71: {  	_ =	shalt  }
0x72: {  	_ =	shalt  }
0x73: {  	_ =	shalt  }
0x74: {  	_ =	shalt  }
0x75: {  	_ =	shalt  }
0x76: {  	_ =	shalt  }
0x77: {  	_ =	shalt  }
0x78: {  	_ =	shalt  }
0x79: {  	_ =	shalt  }
0x7a: {  	_ =	shalt  }
0x7b: {  	_ =	shalt  }
0x7c: {  	_ =	shalt  }
0x7d: {  	_ =	shalt  }
0x7e: {  	_ =	shalt  }
0x7f: {  	_ =	shalt  }
0x80: {  	_ =	shalt  }
0x81: {  	_ =	shalt  }
0x82: {  	_ =	shalt  }
0x83: {  	_ =	shalt  }
0x84: {  	_ =	shalt  }
0x85: {  	_ =	shalt  }
0x86: {  	_ =	shalt  }
0x87: {  	_ =	shalt  }
.Lfunc_end0:
.L_simem_size_0:
called_computation.1_lowered:
.L_overlay_start_0:
0x88: {  	s2 =	sld [smem:$0x3FD9]  }
0x89: {  	s3 =	sld [smem:$0x3FFE];
	_ =	sdelay $0x1  }
0x8a: {  	s1 =	srdreg.scid  }
0x8b: {  	s0 =	sand.u32 $0x1, s1  }
0x8c: {  	s16 =	sshll.u32 s0, $0xA;
	s2 =	sadd.s32 s3, s2  }
0x8d: {  	s2 =	sadd.s32 s2, s16  }
0x8e: {  	[smem:$0x3FC0] =	sst s2  }
0x8f: {  	_ = 	snop  }
0x90: {  	(tm) =	ssettm $0x1  }
0x91: {  	s17 =	sld [smem:$0x3FFB];
	_ =	sdelay $0x3  }
0x92: {  	_ =	strace s17  }
0x93: {  	s2 =	sld [smem:$0x3FFC];
	_ =	sdelay $0x3  }
0x94: {  	_ =	strace s2  }
0x95: {  	s2 =	sld [smem:$0x3FFD];
	_ =	sdelay $0x3  }
0x96: {  	_ =	strace s2  }
0x97: {  	_ =	strace $0x8FFFFFFF  }
0x98: {  	s18 =	sld [smem:$0x3FDB];
	_ =	sdelay $0x1  }
0x99: {  	s19 =	simm.s32 $_scs_section_size  }
0x9a: {  	s4 =	simm.s32 $_size__tile_overlayer_lowered;
	s5 =	simm.s32 $_tile_overlayer_lowered  }
0x9b: {  	s22 =	simm.s32 $0x1BFF;
	s21 =	sshll.u32 s5, $0x1;
	s2 =	sadd.s32 s19, s18  }
0x9c: {  	s6 =	simm.s32 $0x0;
	s20 =	sshll.u32 s4, $0x1;
	s4 =	sadd.s32 s21, s2  }
0x9d: {  	[timem:s6], [sflag:s22] =	dma.local [hbm:s4], s20  }
0x9e: {  	_ =	swait.ge [sflag:s22], s20  }
0x9f: {  	s3 =	ssub.s32 $0x0, s20;
	[sflag:s22] =	ssyncset.done $0x0  }
0xa0: {  	[sflag:s22] =	ssyncadd.s32 s3;
	_ =	sdelay $0x1  }
0xa1: {  	s23 =	simm.s32 $0x1B8B  }
0xa2: {  	_ =	swait.ge [sflag:s23], $0x1  }
0xa3: {  	[sflag:s23] =	ssyncset.done $0x0  }
0xa4: {  	s25 =	simm.s32 $0x1B8E;
	s24 =	sld [smem:$0x3FFE];
	[sflag:s23] =	ssyncadd.s32 $0xFFFFFFFF  }
0xa5: {  	s26 =	simm.s32 $execute0_lowered;
	[smem:$0x3FD2] =	sst s25  }
0xa6: {  	s4 =	sshll.u32 s26, $0x1;
	_ =	strace $0x80000049;
	[dreg:$0x1] =	wrdreg $0xFFFFFFFF  }
0xa7: {  	s28 =	simm.s32 $_size_execute0_lowered;
	s2 =	sadd.s32 s2, s4;
	[dreg:$0x0] =	wrdreg $0x0  }
0xa8: {  	s4 =	sshll.u32 s28, $0x1;
	[dreg:$0x2] =	wrdreg s2  }
0xa9: {  	[dreg:$0x3] =	wrdreg s4  }
0xaa: {  	[dreg:$0x4] =	wrdreg $0xC0  }
0xab: {  	_ =	task [dreg:s6], $0x5FFFF  }
0xac: {  	[dreg:$0x1] =	wrdreg $0xFFFFFFFF  }
0xad: {  	[dreg:$0x0] =	wrdreg $0x60  }
0xae: {  	[dreg:$0x2] =	wrdreg s24  }
0xaf: {  	[dreg:$0x3] =	wrdreg $0x7E000  }
0xb0: {  	[dreg:$0x4] =	wrdreg $0x9  }
0xb1: {  	_ =	task.clear_ibuf [dreg:s6], $0x5FFFF;
	_ =	strace $0x90000049  }
0xb2: {  	s29 =	simm.s32 $0x9;
	_ =	strace $0x8000004B  }
0xb3: {  	_ =	swait.ge [sflag:s29], $0x1  }
0xb4: {  	[sflag:s29] =	ssyncadd.s32 $0xFFFFFFFF  }
0xb5: {  	_ =	strace $0x9000004B  }
0xb6: {  	_ =	sfence  }
0xb7: {  	s30 =	sld [smem:$0x0];
	_ =	sdelay $0x2  }
0xb8: {  	s31 =	sshll.u32 s1, $0xD;
	s1 =	sshrl.u32 s1, $0x2  }
0xb9: {  	s3 =	sand.u32 $0x4000, s31;
	s1 =	sadd.s32 s1, s30  }
0xba: {  	s0 =	sor.u32 s3, s0;
	s1 =	sshll.u32 s1, $0x11  }
0xbb: {  	s0 =	sor.u32 s1, s0  }
0xbc: {  	s0 =	sadd.s32 $0x8F2B, s0  }
0xbd: {  	[sflag:s0] =	ssyncadd.remote.s32 $0x1  }
0xbe: {  	_ =	sfence.sel $0xFFFF  }
0xbf: {  	[dreg:$0x0] =	wrdreg $0xFFFFFFFF;
	(pc) =	sbr.abs _section_cstart, $3  }
0xc0: {  	[dreg:$0x1] =	wrdreg $0xFFFFFFFF  }
0xc1: {  	_ =	task.clear_ibuf [dreg:s6], $0x2FFFF;
	_ =	strace $0x9FFFFFFF  }
0xc2: {  	(tm) =	ssettm $0x7FFFFFFF  }
0xc3: {  	_ =	shalt  }
tec
execute0_lowered:
.L_overlay_start_1:
0x0: {  	(tag) =	ssettag $0x1  }
0x1: {  	s0 =	rddreg [dreg:$0x0]  }
0x2: {  	s2 =	rddreg [dreg:$0x1];
	s3 =	simm.s32 $0x0  }
0x3: {  	s9 =	stileid.u32;
	s1 =	srdreg.scid;
	s28 =	simm.s32 $0x500  }
0x4: {  	s30 =	simm.s32 $0x1;
	s31 =	simm.s32 $0x50;
	s29 =	simm.s32 $0xB  }
0x5: {  	[smem:$0x7FF] =	sst s3;
	s4 =	smul.u32 $0x14000, s9;
	s1 =	sand.u32 $0x1, s1  }
0x6: {  	s10 =	sadd.s32 $0x1C600, s0;
	s5 =	sadd.s32 $0x3BA00, s0;
	s20 =	smul.u32 $0x50000, s9  }
0x7: {  	s24 =	smul.u32 $0x7D00, s9;
	s26 =	sshll.u32 s9, $0x6;
	_ =	strace $0x8000004A  }
0x8: {  	s6 =	smul.u32 $0x140000, s1;
	s7 =	sshll.u32 s1, $0x4;
	s18 =	ssub.s32 $0x2, s1  }
0x9: {  	s1 =	smul.u32 $0x7D000, s1;
	s7 =	sor.u32 s9, s7;
	s8 =	sshrl.u32 s4, $0x3  }
0xa: {  	s19 =	sshrl.u32 s18, $0x1;
	s4 =	sadd.s32 s4, s6;
	s16 =	smul.u32 $0x7D00, s7  }
0xb: {  	s17 =	sadd.s32 s8, s0;
	s1 =	sadd.s32 s24, s1;
	s24 =	simm.s32 $0x100  }
0xc: {  	s4 =	sshrl.u32 s4, $0x3;
	s25 =	sadd.s32 $0x62C00, s17;
	s7 =	sadd.s32 $0xB00, s1  }
0xd: {  	s8 =	sadd.s32 $0xA00, s1;
	s13 =	sadd.s32 $0x900, s1;
	s14 =	sadd.s32 $0x800, s1  }
0xe: {  	s15 =	sadd.s32 $0x700, s1;
	s17 =	simm.s32 $0x0;
	s0 =	sadd.s32 s4, s0  }
0xf: {  	s6 =	sshrl.u32 s16, $0x3;
	s4 =	ssub.s32 s18, s19;
	[dreg:$0xa] =	wrdreg s25  }
0x10: {  	s9 =	sshrl.u32 s7, $0x3;
	s16 =	sadd.s32 $0x600, s1;
	[dreg:$0x11] =	wrdreg s17  }
0x11: {  	s18 =	smov.u32 s10;
	s11 =	sadd.s32 s10, s6;
	[dreg:$0x10] =	wrdreg s16  }
0x12: {  	s25 =	simm.s32 $0x400;
	s0 =	sadd.s32 $0x8AC00, s0;
	[dreg:$0x3] =	wrdreg s11  }
0x13: {  	s1 =	simm.s32 $0x2;
	s4 =	smax.u32 s4, $0x1;
	[dreg:$0xc] =	wrdreg s0  }
0x14: {  	s7 =	simm.s32 $0x2E00;
	s21 =	sadd.s32 $0x60, s11;
	[dreg:$0xd] =	wrdreg s4  }
0x15: {  	s6 =	sshrl.u32 s20, $0x2;
	s22 =	sadd.s32 $0x20, s11;
	[dreg:$0x4] =	wrdreg s21  }
0x16: {  	s23 =	sadd.s32 $0x80, s11;
	s12 =	sadd.s32 $0x40, s11;
	[dreg:$0x5] =	wrdreg s22  }
0x17: {  	s11 =	sadd.s32 $0xA0, s11;
	s6 =	sadd.s32 s6, s2;
	[dreg:$0x6] =	wrdreg s23  }
0x18: {  	s0 =	sadd.s32 s9, s10;
	s4 =	sshrl.u32 s14, $0x3;
	[dreg:$0x7] =	wrdreg s12  }
0x19: {  	s9 =	simm.s32 $0x5600;
	s14 =	simm.s32 $0x5;
	[dreg:$0x8] =	wrdreg s11  }
0x1a: {  	[dreg:$0x9] =	wrdreg s6;
	s6 =	sor.u32 $0x1C0D, s26;
	s11 =	sshrl.u32 s8, $0x3  }
0x1b: {  	[dreg:$0xe] =	wrdreg s0;
	s0 =	sshrl.u32 s13, $0x3;
	s20 =	sadd.s32 s4, s10  }
0x1c: {  	s23 =	simm.s32 $0x300;
	s26 =	simm.s32 $0x200;
	s8 =	simm.s32 $0x3  }
.Ltmp0:
0x1d: {  	s22 =	simm.s32 $0xA;
	s13 =	simm.s32 $0xC;
	(pc) =	sbr.rel .LBB2_1-.Ltmp0, $4  }
0x1e: {  	[dreg:$0xb] =	wrdreg s6;
	s12 =	sadd.s32 s11, s10;
	s6 =	sshrl.u32 s15, $0x3  }
0x1f: {  	s19 =	sadd.s32 s0, s10;
	s0 =	simm.s32 $0x600;
	s15 =	simm.s32 $0x9  }
0x20: {  	s11 =	simm.s32 $0x6;
	[dreg:$0xf] =	wrdreg s12;
	s21 =	sadd.s32 s6, s10  }
0x21: {  	s10 =	simm.s32 $0x7;
	s12 =	simm.s32 $0x8;
	s6 =	simm.s32 $0x4  }
.LBB2_4:
0x22: {  	_ =	swait.ge [sflag:s10], $0x2800  }
0x23: {  	[sflag:s10] =	ssyncset.done $0x0  }
0x24: {  	s4 =	simm.s32 $0x80;
	[sflag:s10] =	ssyncadd.s32 $0xFFFFD800  }
0x25: {  	[spmem:s2] =	stream.indirect.scatter.add.f32 [tilespmem:s0], [sflag:$0xA], $0x80, s4, s31, $0xb8;
	[tilespmem:$0x1BE00] =	vst v63  }
0x26: {  	_ =	swait.ge [sflag:s12], $0x2800  }
0x27: {  	[sflag:s12] =	ssyncset.done $0x0  }
0x28: {  	s16 =	simm.s32 $0x180;
	[sflag:s12] =	ssyncadd.s32 $0xFFFFD800  }
0x29: {  	[spmem:s2] =	stream.indirect.scatter.add.f32 [tilespmem:s7], [sflag:$0xB], $0x80, s16, s31, $0xb8;
	[tilespmem:$0x1BE00] =	vst v63  }
0x2a: {  	_ =	swait.ge [sflag:s15], $0x2800  }
0x2b: {  	[sflag:s15] =	ssyncset.done $0x0  }
0x2c: {  	s17 =	simm.s32 $0x280;
	[sflag:s15] =	ssyncadd.s32 $0xFFFFD800  }
0x2d: {  	[spmem:s2] =	stream.indirect.scatter.add.f32 [tilespmem:s9], [sflag:$0xC], $0x80, s17, s31, $0xb8;
	[tilespmem:$0x1BE00] =	vst v63  }
0x2e: {  	_ =	swait.ge [sflag:s6], $0x100  }
0x2f: {  	[sflag:s6] =	ssyncset.done $0x0  }
0x30: {  	[sflag:s6] =	ssyncadd.s32 $0xFFFFFF00  }
0x31: {  	_ =	swait.ge [sflag:s22], $0x2800  }
0x32: {  	[sflag:s22] =	ssyncset.done $0x0  }
0x33: {  	[sflag:s22] =	ssyncadd.s32 $0xFFFFD800  }
0x34: {  	[tilespmem:s0], [sflag:$0x7] =	stream.indirect.gather [hbm4b:s5+s31], $0x80, s23, s31, $0xb8;
	[tilespmem:$0x1BE00] =	vst v63  }
0x35: {  	_ =	swait.ge [sflag:s14], $0x100  }
0x36: {  	[sflag:s14] =	ssyncset.done $0x0  }
0x37: {  	[sflag:s14] =	ssyncadd.s32 $0xFFFFFF00  }
0x38: {  	_ =	swait.ge [sflag:s29], $0x2800  }
0x39: {  	[sflag:s29] =	ssyncset.done $0x0  }
0x3a: {  	[sflag:s29] =	ssyncadd.s32 $0xFFFFD800  }
0x3b: {  	[tilespmem:s7], [sflag:$0x8] =	stream.indirect.gather [hbm4b:s5+s31], $0x80, s25, s31, $0xb8;
	[tilespmem:$0x1BE00] =	vst v63  }
0x3c: {  	_ =	swait.ge [sflag:s10], $0x2800  }
0x3d: {  	[sflag:s10] =	ssyncset.done $0x0  }
0x3e: {  	s16 =	simm.s32 $0x380;
	[sflag:s10] =	ssyncadd.s32 $0xFFFFD800  }
0x3f: {  	[spmem:s2] =	stream.indirect.scatter.add.f32 [tilespmem:s0], [sflag:$0xA], $0x80, s16, s31, $0xb8;
	[tilespmem:$0x1BE00] =	vst v63  }
0x40: {  	_ =	swait.ge [sflag:s12], $0x2800  }
0x41: {  	[sflag:s12] =	ssyncset.done $0x0  }
0x42: {  	s17 =	simm.s32 $0x480;
	[sflag:s12] =	ssyncadd.s32 $0xFFFFD800  }
0x43: {  	[spmem:s2] =	stream.indirect.scatter.add.f32 [tilespmem:s7], [sflag:$0xB], $0x80, s17, s31, $0xb8;
	[tilespmem:$0x1BE00] =	vst v63  }
0x44: {  	_ =	swait.ge [sflag:s22], $0x2800  }
0x45: {  	[sflag:s22] =	ssyncset.done $0x0  }
0x46: {  	[sflag:s22] =	ssyncadd.s32 $0xFFFFD800  }
0x47: {  	_ =	swait.ge [sflag:s29], $0x2800  }
0x48: {  	[sflag:s29] =	ssyncset.done $0x0  }
0x49: {  	[sflag:s29] =	ssyncadd.s32 $0xFFFFD800  }
0x4a: {  	_ =	swait.ge [sflag:s13], $0x2800  }
0x4b: {  	[sflag:s13] =	ssyncset.done $0x0  }
0x4c: {  	[sflag:s13] =	ssyncadd.s32 $0xFFFFD800  }
0x4d: {  	[bflag:$0x0] =	sbarrier.arrive $0xFFFF  }
0x4e: {  	s17 =	rddreg [dreg:$0xb]  }
0x4f: {  	s4 =	rddreg [dreg:$0xc]  }
0x50: {  	s16 =	rddreg [dreg:$0x12]  }
0x51: {  	[hbm:s4], [sflag:s17] =	dma.local [spmem:s16], $0x2800  }
0x52: {  	s17 =	simm.s32 $0xD  }
0x53: {  	_ =	swait.ge [sflag:s17], $0x2800  }
0x54: {  	s4 =	rddreg [dreg:$0x11]  }
0x55: {  	s16 =	sadd.s32 $0x1, s4;
	s4 =	rddreg [dreg:$0xd]  }
0x56: {  	p0 =	sne.s32 s16, s4  }
.Ltmp1:
0x57: {  	_ = 	snop;
	(pc) =	sbr.rel @!p0 .LBB2_5-.Ltmp1, $3  }
0x58: {  	_ =	sdelay $0x1  }
0x59: {  	[sflag:s17] =	ssyncset.done $0x0  }
0x5a: {  	[sflag:s17] =	ssyncadd.s32 $0xFFFFD800;
	[dreg:$0x11] =	wrdreg s16  }
.LBB2_1:
0x5b: {  	s4 =	rddreg [dreg:$0x3]  }
0x5c: {  	[tilespmem:s3], [sflag:$0x1] =	stream.linear.gather [hbm4b:s4+s3], $0x100, $0x38;
	[tilespmem:$0x1BE00] =	vst v63  }
0x5d: {  	s17 =	rddreg [dreg:$0x4]  }
0x5e: {  	[tilespmem:s23], [sflag:$0x4] =	stream.linear.gather [hbm4b:s17+s3], $0x100, $0x38;
	[tilespmem:$0x1BE00] =	vst v63  }
0x5f: {  	s16 =	rddreg [dreg:$0x5]  }
0x60: {  	[tilespmem:s24], [sflag:$0x2] =	stream.linear.gather [hbm4b:s16+s3], $0x100, $0x38;
	[tilespmem:$0x1BE00] =	vst v63  }
0x61: {  	s17 =	rddreg [dreg:$0x6]  }
0x62: {  	[tilespmem:s25], [sflag:$0x5] =	stream.linear.gather [hbm4b:s17+s3], $0x100, $0x38;
	[tilespmem:$0x1BE00] =	vst v63  }
0x63: {  	s16 =	rddreg [dreg:$0x7]  }
0x64: {  	[tilespmem:s26], [sflag:$0x3] =	stream.linear.gather [hbm4b:s16+s3], $0x100, $0x38;
	[tilespmem:$0x1BE00] =	vst v63  }
0x65: {  	s16 =	rddreg [dreg:$0x9]  }
0x66: {  	s17 =	rddreg [dreg:$0x8];
	s4 =	sshrl.u32 s16, $0x3  }
0x67: {  	[tilespmem:s28], [sflag:$0x6] =	stream.linear.gather [hbm4b:s17+s3], $0x100, $0x38;
	[tilespmem:$0x1BE00] =	vst v63  }
0x68: {  	[dreg:$0x12] =	wrdreg s4  }
0x69: {  	s4 =	rddreg [dreg:$0xa]  }
0x6a: {  	s17 =	rddreg [dreg:$0xb]  }
0x6b: {  	s16 =	rddreg [dreg:$0x12]  }
0x6c: {  	[spmem:s16], [sflag:s17] =	dma.local [hbm:s4], $0x2800  }
0x6d: {  	s17 =	simm.s32 $0xD  }
0x6e: {  	_ =	swait.ge [sflag:s17], $0x2800  }
0x6f: {  	[sflag:s17] =	ssyncset.done $0x0  }
0x70: {  	[sflag:s17] =	ssyncadd.s32 $0xFFFFD800  }
0x71: {  	_ =	swait.ge [sflag:s30], $0x100  }
0x72: {  	[sflag:s30] =	ssyncset.done $0x0  }
0x73: {  	[sflag:s30] =	ssyncadd.s32 $0xFFFFFF00  }
0x74: {  	[tilespmem:s0], [sflag:$0x7] =	stream.indirect.gather [hbm4b:s5+s31], $0x80, s3, s31, $0xb8;
	[tilespmem:$0x1BE00] =	vst v63  }
0x75: {  	_ =	swait.ge [sflag:s1], $0x100  }
0x76: {  	[sflag:s1] =	ssyncset.done $0x0  }
0x77: {  	[sflag:s1] =	ssyncadd.s32 $0xFFFFFF00  }
0x78: {  	[tilespmem:s7], [sflag:$0x8] =	stream.indirect.gather [hbm4b:s5+s31], $0x80, s24, s31, $0xb8;
	[tilespmem:$0x1BE00] =	vst v63  }
0x79: {  	_ =	swait.ge [sflag:s8], $0x100  }
0x7a: {  	[sflag:s8] =	ssyncset.done $0x0  }
0x7b: {  	[sflag:s8] =	ssyncadd.s32 $0xFFFFFF00  }
0x7c: {  	[tilespmem:s9], [sflag:$0x9] =	stream.indirect.gather [hbm4b:s5+s31], $0x80, s26, s31, $0xb8;
	[tilespmem:$0x1BE00] =	vst v63  }
0x7d: {  	[bflag:$0x0] =	sbarrier.arrive $0xFFFF  }
0x7e: {  	s4 =	simm.s32 $0x0;
	s16 =	rddreg [dreg:$0x10]  }
.LBB2_2:
0x7f: {  	_ =	swait.ge [sflag:s10], $0x2800  }
0x80: {  	[sflag:s10] =	ssyncset.done $0x0  }
0x81: {  	s17 =	simm.s32 $0x80;
	[sflag:s10] =	ssyncadd.s32 $0xFFFFD800  }
0x82: {  	[spmem:s2] =	stream.indirect.scatter.add.f32 [tilespmem:s0], [sflag:$0xA], $0x80, s17, s31, $0xb8;
	[tilespmem:$0x1BE00] =	vst v63  }
0x83: {  	_ =	swait.ge [sflag:s12], $0x2800  }
0x84: {  	[sflag:s12] =	ssyncset.done $0x0  }
0x85: {  	s17 =	simm.s32 $0x180;
	[sflag:s12] =	ssyncadd.s32 $0xFFFFD800  }
0x86: {  	[spmem:s2] =	stream.indirect.scatter.add.f32 [tilespmem:s7], [sflag:$0xB], $0x80, s17, s31, $0xb8;
	[tilespmem:$0x1BE00] =	vst v63  }
0x87: {  	_ =	swait.ge [sflag:s15], $0x2800  }
0x88: {  	[sflag:s15] =	ssyncset.done $0x0  }
0x89: {  	s17 =	simm.s32 $0x280;
	[sflag:s15] =	ssyncadd.s32 $0xFFFFD800  }
0x8a: {  	[spmem:s2] =	stream.indirect.scatter.add.f32 [tilespmem:s9], [sflag:$0xC], $0x80, s17, s31, $0xb8;
	[tilespmem:$0x1BE00] =	vst v63  }
0x8b: {  	_ =	swait.ge [sflag:s6], $0x100  }
0x8c: {  	[sflag:s6] =	ssyncset.done $0x0  }
0x8d: {  	[sflag:s6] =	ssyncadd.s32 $0xFFFFFF00  }
0x8e: {  	_ =	swait.ge [sflag:s22], $0x2800  }
0x8f: {  	[sflag:s22] =	ssyncset.done $0x0  }
0x90: {  	s17 =	sshrl.u32 s16, $0x3;
	[sflag:s22] =	ssyncadd.s32 $0xFFFFD800  }
0x91: {  	[tilespmem:s0], [sflag:$0x7] =	stream.indirect.gather [hbm4b:s5+s31], $0x80, s23, s31, $0xb8;
	[tilespmem:$0x1BE00] =	vst v63  }
0x92: {  	s17 =	sadd.s32 s18, s17  }
0x93: {  	[tilespmem:s3], [sflag:$0x1] =	stream.linear.gather [hbm4b:s17+s3], $0x100, $0x38;
	[tilespmem:$0x1BE00] =	vst v63  }
0x94: {  	_ =	swait.ge [sflag:s14], $0x100  }
0x95: {  	[sflag:s14] =	ssyncset.done $0x0  }
0x96: {  	[sflag:s14] =	ssyncadd.s32 $0xFFFFFF00  }
0x97: {  	_ =	swait.ge [sflag:s29], $0x2800  }
0x98: {  	[sflag:s29] =	ssyncset.done $0x0  }
0x99: {  	[sflag:s29] =	ssyncadd.s32 $0xFFFFD800  }
0x9a: {  	[tilespmem:s7], [sflag:$0x8] =	stream.indirect.gather [hbm4b:s5+s31], $0x80, s25, s31, $0xb8;
	[tilespmem:$0x1BE00] =	vst v63  }
0x9b: {  	s17 =	sadd.s32 s4, s21  }
0x9c: {  	[tilespmem:s24], [sflag:$0x2] =	stream.linear.gather [hbm4b:s17+s3], $0x100, $0x38;
	[tilespmem:$0x1BE00] =	vst v63  }
0x9d: {  	_ =	swait.ge [sflag:s11], $0x100  }
0x9e: {  	[sflag:s11] =	ssyncset.done $0x0  }
0x9f: {  	[sflag:s11] =	ssyncadd.s32 $0xFFFFFF00  }
0xa0: {  	_ =	swait.ge [sflag:s13], $0x2800  }
0xa1: {  	[sflag:s13] =	ssyncset.done $0x0  }
0xa2: {  	[sflag:s13] =	ssyncadd.s32 $0xFFFFD800  }
0xa3: {  	[tilespmem:s9], [sflag:$0x9] =	stream.indirect.gather [hbm4b:s5+s31], $0x80, s28, s31, $0xb8;
	[tilespmem:$0x1BE00] =	vst v63  }
0xa4: {  	s17 =	sadd.s32 s4, s20  }
0xa5: {  	[tilespmem:s26], [sflag:$0x3] =	stream.linear.gather [hbm4b:s17+s3], $0x100, $0x38;
	[tilespmem:$0x1BE00] =	vst v63  }
0xa6: {  	_ =	swait.ge [sflag:s10], $0x2800  }
0xa7: {  	[sflag:s10] =	ssyncset.done $0x0  }
0xa8: {  	s17 =	simm.s32 $0x380;
	[sflag:s10] =	ssyncadd.s32 $0xFFFFD800  }
0xa9: {  	[spmem:s2] =	stream.indirect.scatter.add.f32 [tilespmem:s0], [sflag:$0xA], $0x80, s17, s31, $0xb8;
	[tilespmem:$0x1BE00] =	vst v63  }
0xaa: {  	_ =	swait.ge [sflag:s12], $0x2800  }
0xab: {  	[sflag:s12] =	ssyncset.done $0x0  }
0xac: {  	s17 =	simm.s32 $0x480;
	[sflag:s12] =	ssyncadd.s32 $0xFFFFD800  }
0xad: {  	[spmem:s2] =	stream.indirect.scatter.add.f32 [tilespmem:s7], [sflag:$0xB], $0x80, s17, s31, $0xb8;
	[tilespmem:$0x1BE00] =	vst v63  }
0xae: {  	_ =	swait.ge [sflag:s15], $0x2800  }
0xaf: {  	[sflag:s15] =	ssyncset.done $0x0  }
0xb0: {  	s17 =	simm.s32 $0x580;
	[sflag:s15] =	ssyncadd.s32 $0xFFFFD800  }
0xb1: {  	[spmem:s2] =	stream.indirect.scatter.add.f32 [tilespmem:s9], [sflag:$0xC], $0x80, s17, s31, $0xb8;
	[tilespmem:$0x1BE00] =	vst v63  }
0xb2: {  	_ =	swait.ge [sflag:s30], $0x100  }
0xb3: {  	[sflag:s30] =	ssyncset.done $0x0  }
0xb4: {  	[sflag:s30] =	ssyncadd.s32 $0xFFFFFF00  }
0xb5: {  	_ =	swait.ge [sflag:s22], $0x2800  }
0xb6: {  	[sflag:s22] =	ssyncset.done $0x0  }
0xb7: {  	[sflag:s22] =	ssyncadd.s32 $0xFFFFD800  }
0xb8: {  	[tilespmem:s0], [sflag:$0x7] =	stream.indirect.gather [hbm4b:s5+s31], $0x80, s3, s31, $0xb8;
	[tilespmem:$0x1BE00] =	vst v63  }
0xb9: {  	s17 =	sadd.s32 s4, s19  }
0xba: {  	[tilespmem:s23], [sflag:$0x4] =	stream.linear.gather [hbm4b:s17+s3], $0x100, $0x38;
	[tilespmem:$0x1BE00] =	vst v63  }
0xbb: {  	_ =	swait.ge [sflag:s1], $0x100  }
0xbc: {  	[sflag:s1] =	ssyncset.done $0x0  }
0xbd: {  	[sflag:s1] =	ssyncadd.s32 $0xFFFFFF00  }
0xbe: {  	_ =	swait.ge [sflag:s29], $0x2800  }
0xbf: {  	[sflag:s29] =	ssyncset.done $0x0  }
0xc0: {  	s17 =	rddreg [dreg:$0xf];
	[sflag:s29] =	ssyncadd.s32 $0xFFFFD800  }
0xc1: {  	[tilespmem:s7], [sflag:$0x8] =	stream.indirect.gather [hbm4b:s5+s31], $0x80, s24, s31, $0xb8;
	[tilespmem:$0x1BE00] =	vst v63  }
0xc2: {  	s17 =	sadd.s32 s4, s17  }
0xc3: {  	[tilespmem:s25], [sflag:$0x5] =	stream.linear.gather [hbm4b:s17+s3], $0x100, $0x38;
	[tilespmem:$0x1BE00] =	vst v63  }
0xc4: {  	_ =	swait.ge [sflag:s8], $0x100  }
0xc5: {  	p0 =	seq.s32 s4, $0xE40;
	[sflag:s8] =	ssyncset.done $0x0  }
.Ltmp2:
0xc6: {  	[sflag:s8] =	ssyncadd.s32 $0xFFFFFF00;
	(pc) =	sbr.rel @p0 .LBB2_4-.Ltmp2, $4  }
0xc7: {  	_ =	swait.ge [sflag:s13], $0x2800  }
0xc8: {  	[sflag:s13] =	ssyncset.done $0x0  }
0xc9: {  	[sflag:s13] =	ssyncadd.s32 $0xFFFFD800  }
0xca: {  	[tilespmem:s9], [sflag:$0x9] =	stream.indirect.gather [hbm4b:s5+s31], $0x80, s26, s31, $0xb8;
	[tilespmem:$0x1BE00] =	vst v63  }
.Ltmp3:
0xcb: {  	(pc) =	sbr.rel .LBB2_2-.Ltmp3, $4  }
0xcc: {  	_ = 	snop  }
0xcd: {  	s17 =	rddreg [dreg:$0xe]  }
0xce: {  	s16 =	sadd.s32 $0x600, s16;
	s17 =	sadd.s32 s4, s17;
	s4 =	sadd.s32 $0xC0, s4  }
0xcf: {  	[tilespmem:s28], [sflag:$0x6] =	stream.linear.gather [hbm4b:s17+s3], $0x100, $0x38;
	[tilespmem:$0x1BE00] =	vst v63  }
.LBB2_5:
0xd0: {  	_ =	sfence.sel $0x180000  }
0xd1: {  	[bflag:$0x0] =	sbarrier.arrive $0xFFFF  }
0xd2: {  	_ =	strace $0x9000004A  }
0xd3: {  	s0 =	stileid.u32;
	[bflag:$0x2] =	sbarrier.arrive $0xFFFF  }
0xd4: {  	p0 =	sne.s32 s0, $0x0;
	s0 =	rddreg [dreg:$0x2]  }
0xd5: {  	s0 =	sadd.s32 @!p0 $0x100000, s0  }
0xd6: {  	[sflag:s0] =	ssyncadd.tile.s32 @!p0 $0x1;
	_ =	shalt  }
.Lfunc_end2:
_tile_overlayer_lowered:
.L_overlay_start_2:
0xd7: {  	(tag) =	ssettag $0x2  }
0xd8: {  	s0 =	rddreg [dreg:$0x0];
	s2 =	stileid.u32  }
0xd9: {  	s1 =	rddreg [dreg:$0x1];
	p0 =	sne.s32 s2, $0x0  }
0xda: {  	s3 =	rddreg [dreg:$0x2];
	[bflag:$0x3] =	sbarrier.arrive $0xFFFF;
	s2 =	simm.s32 @!p0 $0x1C0D  }
0xdb: {  	[timem:s3], [sflag:s2] =	dma.local @!p0 [hbm:s0], s1  }
0xdc: {  	s0 =	simm.s32 @!p0 $0xD  }
0xdd: {  	_ =	swait.ge @!p0 [sflag:s0], s1  }
0xde: {  	s1 =	ssub.s32 @!p0 $0x0, s1;
	[sflag:s0] =	ssyncset.done @!p0 $0x0  }
0xdf: {  	[sflag:s0] =	ssyncadd.s32 @!p0 s1  }
0xe0: {  	[bflag:$0x3] =	sbarrier.arrive $0xFFFF  }
0xe1: {  	_ =	shalt  }

// kernel: kernel.14.cloned.1.call-start
scs
__scs_entry_jumppad:
0x0: {  	(pc) =	sbr.rel $0x88, $3  }
0x1: {  	(tag) =	ssettag $0x0;
	lr =	simm.s32 $0x1  }
0x2: {  	[smem:$0x3F99] =	sst lr;
	_ =	strace $0xD0000000  }
0x3: {  	_ = 	snop  }
0x4: {  	_ = 	snop  }
0x5: {  	_ = 	snop  }
0x6: {  	_ = 	snop  }
0x7: {  	_ = 	snop  }
__scs_overlays_trampoline_lowered:
0x8: {  	[smem:$0x3FA8] =	sst s0  }
0x9: {  	[smem:$0x3FA9] =	sst s1  }
0xa: {  	[smem:$0x3FAA] =	sst s2  }
0xb: {  	[smem:$0x3FAB] =	sst s3  }
0xc: {  	[smem:$0x3FAC] =	sst s4  }
0xd: {  	[smem:$0x3FAD] =	sst s5  }
0xe: {  	[smem:$0x3FAE] =	sst s6  }
0xf: {  	[smem:$0x3FAF] =	sst s7  }
0x10: {  	[smem:$0x3FB0] =	sst s8  }
0x11: {  	[smem:$0x3FB1] =	sst s9;
	s0 =	simm.s32 @!p0 $0x0  }
0x12: {  	s1 =	sld [smem:$0x3F97];
	s0 =	simm.s32 @p0 $0x1  }
0x13: {  	[smem:$0x3FB2] =	sst s0;
	s0 =	simm.s32 @!p1 $0x0  }
0x14: {  	s2 =	sld [smem:$0x3F96];
	s0 =	simm.s32 @p1 $0x1  }
0x15: {  	[smem:$0x3FB3] =	sst s0;
	s0 =	simm.s32 @!p2 $0x0  }
0x16: {  	s3 =	sld [smem:$0x3FDB];
	s0 =	simm.s32 @p2 $0x1  }
0x17: {  	s4 =	simm.s32 $0x1BF5;
	[smem:$0x3FB5] =	sst s0  }
0x18: {  	s0 =	sld [smem:$0x3F98];
	_ =	swait.ge [sflag:s4], $0x0  }
0x19: {  	s7 =	sld [smem:$0x3F99]  }
0x1a: {  	s8 =	sadd.s32 $0xFFFFE003, lr  }
0x1b: {  	s9 =	sadd.s32 $0xFFFFFEF7, lr;
	s5 =	simm.s32 $0xFFFFFFFF;
	p2 =	slt.u32 s8, $0xFFFFF086  }
0x1c: {  	p1 =	slt.u32 s9, $0xF7A;
	s5 =	simm.s32 @!p2 $0x0  }
0x1d: {  	s5 =	simm.s32 @p1 $0x1;
	p0 =	seq.s32 s7, s2  }
0x1e: {  	s7 =	smul.u32 @!p0 $0xF7A, s2;
	p2 =	seq.s32 @!p0 s5, $0x0  }
0x1f: {  	s9 =	smul.u32 $0xF7A, s1;
	s8 =	simm.s32 @!p0 $0x1BF5;
	p2 =	por !p2, p0  }
0x20: {  	[sflag:s8] =	ssyncset.s32 @!p0 $0xFFFFF086;
	s6 =	sadd.s32 @!p0 s3, s7;
	s7 =	simm.s32 @!p0 $0x108  }
0x21: {  	s3 =	sadd.s32 s3, s9;
	s6 =	sadd.s32 @!p0 $0x88, s6;
	s7 =	simm.s32 @p2 $0x1082  }
0x22: {  	[simem:s7], [sflag:s8] =	dma.local @!p0 [hbm:s6], $0xF7A  }
0x23: {  	s9 =	sor.u32 $0xD0000000, s2;
	s6 =	simm.s32 $0x108;
	_ =	swait.ge @!p0 [sflag:s8], $0x0  }
0x24: {  	s3 =	sadd.s32 $0x88, s3;
	s6 =	simm.s32 @!p1 $0x1082;
	[sflag:s4] =	ssyncset.s32 $0xFFFFF086  }
0x25: {  	[simem:s6], [sflag:s4] =	dma.local [hbm:s3], $0xF7A  }
0x26: {  	[smem:$0x3F99] =	sst s1;
	(tag) =	ssettag s2;
	_ =	strace s9  }
0x27: {  	s1 =	sld [smem:$0x3FA9]  }
0x28: {  	s2 =	sld [smem:$0x3FAA]  }
0x29: {  	s4 =	sld [smem:$0x3FAC]  }
0x2a: {  	p0 =	seq.s32 s5, $0x0;
	s5 =	sld [smem:$0x3FAD]  }
0x2b: {  	s6 =	sld [smem:$0x3FAE]  }
0x2c: {  	s7 =	sld [smem:$0x3FAF]  }
0x2d: {  	s3 =	simm.s32 $0x108;
	s8 =	sld [smem:$0x3FB0]  }
0x2e: {  	s3 =	simm.s32 @!p0 $0x1082;
	s9 =	sld [smem:$0x3FB1]  }
0x2f: {  	lr =	sadd.s32 s0, s3;
	s0 =	sld [smem:$0x3FA8]  }
0x30: {  	s3 =	sld [smem:$0x3FAB]  }
0x31: {  	[smem:$0x3FB4] =	sst s10  }
0x32: {  	s10 =	sld [smem:$0x3FB2];
	_ =	sdelay $0x3  }
0x33: {  	p0 =	seq.s32 s10, $0x1;
	s10 =	sld [smem:$0x3FB4];
	_ =	sdelay $0x3  }
0x34: {  	[smem:$0x3FB4] =	sst s10  }
0x35: {  	s10 =	sld [smem:$0x3FB3];
	_ =	sdelay $0x3  }
0x36: {  	p1 =	seq.s32 s10, $0x1;
	s10 =	sld [smem:$0x3FB4];
	_ =	sdelay $0x3  }
0x37: {  	[smem:$0x3FB4] =	sst s10  }
0x38: {  	s10 =	sld [smem:$0x3FB5]  }
0x39: {  	_ = 	snop;
	(pc) =	sbr.ind lr, $3  }
0x3a: {  	_ = 	snop  }
0x3b: {  	_ = 	snop  }
0x3c: {  	p2 =	seq.s32 s10, $0x1;
	s10 =	sld [smem:$0x3FB4]  }
0x3d: {  	_ =	shalt  }
0x3e: {  	_ =	shalt  }
0x3f: {  	_ =	shalt  }
0x40: {  	_ =	shalt  }
0x41: {  	_ =	shalt  }
0x42: {  	_ =	shalt  }
0x43: {  	_ =	shalt  }
0x44: {  	_ =	shalt  }
0x45: {  	_ =	shalt  }
0x46: {  	_ =	shalt  }
0x47: {  	_ =	shalt  }
0x48: {  	_ =	shalt  }
0x49: {  	_ =	shalt  }
0x4a: {  	_ =	shalt  }
0x4b: {  	_ =	shalt  }
0x4c: {  	_ =	shalt  }
0x4d: {  	_ =	shalt  }
0x4e: {  	_ =	shalt  }
0x4f: {  	_ =	shalt  }
0x50: {  	_ =	shalt  }
0x51: {  	_ =	shalt  }
0x52: {  	_ =	shalt  }
0x53: {  	_ =	shalt  }
0x54: {  	_ =	shalt  }
0x55: {  	_ =	shalt  }
0x56: {  	_ =	shalt  }
0x57: {  	_ =	shalt  }
0x58: {  	_ =	shalt  }
0x59: {  	_ =	shalt  }
0x5a: {  	_ =	shalt  }
0x5b: {  	_ =	shalt  }
0x5c: {  	_ =	shalt  }
0x5d: {  	_ =	shalt  }
0x5e: {  	_ =	shalt  }
0x5f: {  	_ =	shalt  }
0x60: {  	_ =	shalt  }
0x61: {  	_ =	shalt  }
0x62: {  	_ =	shalt  }
0x63: {  	_ =	shalt  }
0x64: {  	_ =	shalt  }
0x65: {  	_ =	shalt  }
0x66: {  	_ =	shalt  }
0x67: {  	_ =	shalt  }
0x68: {  	_ =	shalt  }
0x69: {  	_ =	shalt  }
0x6a: {  	_ =	shalt  }
0x6b: {  	_ =	shalt  }
0x6c: {  	_ =	shalt  }
0x6d: {  	_ =	shalt  }
0x6e: {  	_ =	shalt  }
0x6f: {  	_ =	shalt  }
0x70: {  	_ =	shalt  }
0x71: {  	_ =	shalt  }
0x72: {  	_ =	shalt  }
0x73: {  	_ =	shalt  }
0x74: {  	_ =	shalt  }
0x75: {  	_ =	shalt  }
0x76: {  	_ =	shalt  }
0x77: {  	_ =	shalt  }
0x78: {  	_ =	shalt  }
0x79: {  	_ =	shalt  }
0x7a: {  	_ =	shalt  }
0x7b: {  	_ =	shalt  }
0x7c: {  	_ =	shalt  }
0x7d: {  	_ =	shalt  }
0x7e: {  	_ =	shalt  }
0x7f: {  	_ =	shalt  }
0x80: {  	_ =	shalt  }
0x81: {  	_ =	shalt  }
0x82: {  	_ =	shalt  }
0x83: {  	_ =	shalt  }
0x84: {  	_ =	shalt  }
0x85: {  	_ =	shalt  }
0x86: {  	_ =	shalt  }
0x87: {  	_ =	shalt  }
.Lfunc_end0:
.L_simem_size_0:
called_computation.2_lowered:
.L_overlay_start_0:
0x88: {  	s2 =	sld [smem:$0x3FD9]  }
0x89: {  	s3 =	sld [smem:$0x3FFE];
	_ =	sdelay $0x1  }
0x8a: {  	s1 =	srdreg.scid  }
0x8b: {  	s0 =	sand.u32 $0x1, s1  }
0x8c: {  	s16 =	sshll.u32 s0, $0xA;
	s2 =	sadd.s32 s3, s2  }
0x8d: {  	s2 =	sadd.s32 s2, s16  }
0x8e: {  	[smem:$0x3FC0] =	sst s2  }
0x8f: {  	_ = 	snop  }
0x90: {  	(tm) =	ssettm $0x1  }
0x91: {  	s17 =	sld [smem:$0x3FFB];
	_ =	sdelay $0x3  }
0x92: {  	_ =	strace s17  }
0x93: {  	s2 =	sld [smem:$0x3FFC];
	_ =	sdelay $0x3  }
0x94: {  	_ =	strace s2  }
0x95: {  	s2 =	sld [smem:$0x3FFD];
	_ =	sdelay $0x3  }
0x96: {  	_ =	strace s2  }
0x97: {  	_ =	strace $0x8FFFFFFF  }
0x98: {  	s18 =	sld [smem:$0x3FDB];
	_ =	sdelay $0x1  }
0x99: {  	s19 =	simm.s32 $_scs_section_size  }
0x9a: {  	s4 =	simm.s32 $_size__tile_overlayer_lowered;
	s5 =	simm.s32 $_tile_overlayer_lowered  }
0x9b: {  	s22 =	simm.s32 $0x1BFF;
	s21 =	sshll.u32 s5, $0x1;
	s2 =	sadd.s32 s19, s18  }
0x9c: {  	s6 =	simm.s32 $0x0;
	s20 =	sshll.u32 s4, $0x1;
	s4 =	sadd.s32 s21, s2  }
0x9d: {  	[timem:s6], [sflag:s22] =	dma.local [hbm:s4], s20  }
0x9e: {  	_ =	swait.ge [sflag:s22], s20  }
0x9f: {  	s3 =	ssub.s32 $0x0, s20;
	[sflag:s22] =	ssyncset.done $0x0  }
0xa0: {  	[sflag:s22] =	ssyncadd.s32 s3;
	_ =	sdelay $0x1  }
0xa1: {  	s23 =	simm.s32 $0x1B8B  }
0xa2: {  	_ =	swait.ge [sflag:s23], $0x1  }
0xa3: {  	[sflag:s23] =	ssyncset.done $0x0  }
0xa4: {  	s25 =	simm.s32 $0x1B8E;
	s24 =	sld [smem:$0x3FFE];
	[sflag:s23] =	ssyncadd.s32 $0xFFFFFFFF  }
0xa5: {  	s26 =	simm.s32 $execute0_lowered;
	[smem:$0x3FD2] =	sst s25  }
0xa6: {  	s4 =	sshll.u32 s26, $0x1;
	_ =	strace $0x8000004C;
	[dreg:$0x1] =	wrdreg $0xFFFFFFFF  }
0xa7: {  	s28 =	simm.s32 $_size_execute0_lowered;
	s2 =	sadd.s32 s2, s4;
	[dreg:$0x0] =	wrdreg $0x0  }
0xa8: {  	s4 =	sshll.u32 s28, $0x1;
	[dreg:$0x2] =	wrdreg s2  }
0xa9: {  	[dreg:$0x3] =	wrdreg s4  }
0xaa: {  	[dreg:$0x4] =	wrdreg $0xC0  }
0xab: {  	_ =	task [dreg:s6], $0x5FFFF  }
0xac: {  	[dreg:$0x1] =	wrdreg $0xFFFFFFFF  }
0xad: {  	[dreg:$0x0] =	wrdreg $0x60  }
0xae: {  	[dreg:$0x2] =	wrdreg s24  }
0xaf: {  	[dreg:$0x3] =	wrdreg $0x92000  }
0xb0: {  	[dreg:$0x4] =	wrdreg $0x9  }
0xb1: {  	_ =	task.clear_ibuf [dreg:s6], $0x5FFFF;
	_ =	strace $0x9000004C  }
0xb2: {  	s29 =	simm.s32 $0x9;
	_ =	strace $0x8000004E  }
0xb3: {  	_ =	swait.ge [sflag:s29], $0x1  }
0xb4: {  	[sflag:s29] =	ssyncadd.s32 $0xFFFFFFFF  }
0xb5: {  	_ =	strace $0x9000004E  }
0xb6: {  	_ =	sfence  }
0xb7: {  	s30 =	sld [smem:$0x0];
	_ =	sdelay $0x2  }
0xb8: {  	s31 =	sshll.u32 s1, $0xD;
	s1 =	sshrl.u32 s1, $0x2  }
0xb9: {  	s3 =	sand.u32 $0x4000, s31;
	s1 =	sadd.s32 s1, s30  }
0xba: {  	s0 =	sor.u32 s3, s0;
	s1 =	sshll.u32 s1, $0x11  }
0xbb: {  	s0 =	sor.u32 s1, s0  }
0xbc: {  	s0 =	sadd.s32 $0x8F2B, s0  }
0xbd: {  	[sflag:s0] =	ssyncadd.remote.s32 $0x1  }
0xbe: {  	_ =	sfence.sel $0xFFFF  }
0xbf: {  	[dreg:$0x0] =	wrdreg $0xFFFFFFFF;
	(pc) =	sbr.abs _section_cstart, $3  }
0xc0: {  	[dreg:$0x1] =	wrdreg $0xFFFFFFFF  }
0xc1: {  	_ =	task.clear_ibuf [dreg:s6], $0x2FFFF;
	_ =	strace $0x9FFFFFFF  }
0xc2: {  	(tm) =	ssettm $0x7FFFFFFF  }
0xc3: {  	_ =	shalt  }
tec
execute0_lowered:
.L_overlay_start_1:
0x0: {  	(tag) =	ssettag $0x1  }
0x1: {  	s0 =	srdreg.scid;
	s5 =	rddreg [dreg:$0x0]  }
0x2: {  	s24 =	stileid.u32;
	s2 =	rddreg [dreg:$0x1]  }
0x3: {  	s13 =	simm.s32 $0x2780;
	s14 =	simm.s32 $0x6780;
	s15 =	simm.s32 $0x50  }
0x4: {  	s16 =	simm.s32 $0x8F80;
	s17 =	simm.s32 $0x9000;
	s18 =	simm.s32 $0x9080  }
0x5: {  	s19 =	simm.s32 $0x9100;
	s20 =	simm.s32 $0x9180;
	s21 =	simm.s32 $0x1  }
0x6: {  	s22 =	simm.s32 $0x2;
	s23 =	simm.s32 $0x3;
	s28 =	simm.s32 $0x10  }
0x7: {  	s29 =	simm.s32 $0x0;
	s1 =	sand.u32 $0x1, s0;
	s25 =	smul.u32 $0x500, s24  }
0x8: {  	s7 =	smul.u32 $0x280, s24;
	s31 =	sshll.u32 s24, $0x6;
	s3 =	sshll.u32 s1, $0x4  }
0x9: {  	s9 =	sshll.u32 s1, $0x7;
	s1 =	ssub.s32 $0x2, s1;
	s4 =	sor.u32 s24, s3  }
0xa: {  	s3 =	simm.s32 $0x0;
	s26 =	sshrl.u32 s7, $0x3;
	s30 =	sshrl.u32 s1, $0x1  }
0xb: {  	s12 =	sadd.s32 s7, s2;
	s24 =	simm.s32 $0x4;
	s6 =	smul.u32 $0x4E2, s4  }
0xc: {  	[smem:$0x7FF] =	sst s3;
	s4 =	sshll.u32 s4, $0xB;
	s1 =	ssub.s32 s1, s30  }
0xd: {  	_ =	strace $0x8000004D;
	s10 =	sadd.s32 s4, s5;
	s4 =	sadd.s32 $0x1BC00, s5  }
0xe: {  	s8 =	sadd.s32 s6, s5;
	s6 =	sor.u32 s9, s25;
	s9 =	sadd.s32 s26, s5  }
0xf: {  	s7 =	sadd.s32 $0xB600, s10;
	s10 =	smax.u32 s1, $0x1;
	s25 =	simm.s32 $0x5  }
0x10: {  	s26 =	simm.s32 $0x20;
	s6 =	sshrl.u32 s6, $0x3;
	s8 =	sadd.s32 $0x1800, s8  }
0x11: {  	s11 =	sadd.s32 s6, s5;
	s5 =	sadd.s32 $0x1B600, s9;
	s6 =	sor.u32 $0x1C06, s31  }
0x12: {  	s9 =	sadd.s32 $0x1C200, s11;
	s11 =	sshrl.u32 s12, $0x3;
	s12 =	simm.s32 $0x6  }
.LBB2_1:
0x13: {  	[spmem:s11], [sflag:s6] =	dma.local [hbm:s5], $0x50  }
0x14: {  	_ =	swait.ge [sflag:s12], $0x50  }
0x15: {  	[sflag:s12] =	ssyncset.done $0x0  }
0x16: {  	[sflag:s12] =	ssyncadd.s32 $0xFFFFFFB0  }
0x17: {  	[tilespmem:s13], [sflag:$0x6] =	stream.linear.gather [hbm4b:s7+s3], $0x3E80, $0x38;
	[tilespmem:$0x9480] =	vst v63  }
0x18: {  	_ =	swait.ge [sflag:s12], $0x3E80  }
0x19: {  	[sflag:s12] =	ssyncset.done $0x0  }
0x1a: {  	[sflag:s12] =	ssyncadd.s32 $0xFFFFC180  }
0x1b: {  	[tilespmem:s3], [sflag:$0x6] =	stream.linear.gather [hbm4b:s8+s3], $0x2710, $0x38;
	[tilespmem:$0x9480] =	vst v63  }
0x1c: {  	_ =	swait.ge [sflag:s12], $0x2710  }
0x1d: {  	[sflag:s12] =	ssyncset.done $0x0  }
0x1e: {  	[sflag:s12] =	ssyncadd.s32 $0xFFFFD8F0  }
0x1f: {  	[tilespmem:s14], [sflag:$0x6] =	stream.linear.gather [hbm4b:s4+s3], $0x2800, $0x38;
	[tilespmem:$0x9480] =	vst v63  }
0x20: {  	_ =	swait.ge [sflag:s12], $0x2800  }
0x21: {  	[sflag:s12] =	ssyncset.done $0x0  }
0x22: {  	[sflag:s12] =	ssyncadd.s32 $0xFFFFD800  }
0x23: {  	s30 =	simm.s32 $0xC0;
	s31 =	simm.s32 $0x0;
	[bflag:$0x0] =	sbarrier.arrive $0xFFFF  }
.LBB2_2:
0x24: {  	p0 =	seq.s32 s31, $0x0  }
0x25: {  	s1 =	simm.s32 @!p0 $0x1  }
0x26: {  	_ =	swait.ge @!p0 [sflag:s1], $0x50  }
0x27: {  	[sflag:s1] =	ssyncset.done @!p0 $0x0  }
0x28: {  	[sflag:s1] =	ssyncadd.s32 @!p0 $0xFFFFFFB0  }
0x29: {  	v0 =	vld [tilespmem:s30+$0xFFFFFF40];
	_ =	sdelay $0x7  }
0x2a: {  	v0 =	vld.idx.msk [tilespmem:v0+s14+$0x0], $0xffff;
	_ =	sdelay $0x4  }
0x2b: {  	[tilespmem:$0x8F80] =	vst v0  }
0x2c: {  	v0 =	vld [tilespmem:s30+$0xFFFFFF50];
	_ =	sdelay $0x7  }
0x2d: {  	v0 =	vld.idx.msk [tilespmem:v0+s14+$0x0], $0xffff;
	_ =	sdelay $0x4  }
0x2e: {  	[tilespmem:$0x8F90] =	vst v0  }
0x2f: {  	v0 =	vld [tilespmem:s30+$0xFFFFFF60];
	_ =	sdelay $0x7  }
0x30: {  	v0 =	vld.idx.msk [tilespmem:v0+s14+$0x0], $0xffff;
	_ =	sdelay $0x4  }
0x31: {  	[tilespmem:$0x8FA0] =	vst v0  }
0x32: {  	v0 =	vld [tilespmem:s30+$0xFFFFFF70];
	_ =	sdelay $0x7  }
0x33: {  	v0 =	vld.idx.msk [tilespmem:v0+s14+$0x0], $0xffff;
	_ =	sdelay $0x4  }
0x34: {  	[tilespmem:$0x8FB0] =	vst v0  }
0x35: {  	v0 =	vld [tilespmem:s30+$0xFFFFFF80];
	_ =	sdelay $0x7  }
0x36: {  	v0 =	vld.idx.msk [tilespmem:v0+s14+$0x0], $0xffff;
	_ =	sdelay $0x3  }
0x37: {  	s1 =	sshra.s32 s31, $0x2  }
0x38: {  	s0 =	sadd.s32 $0x2780, s1;
	[tilespmem:$0x8FC0] =	vst v0  }
0x39: {  	[spmem:s2] =	stream.indirect.scatter.add.f32 [tilespmem:s16], [sflag:$0x1], $0x1, s0, s15, $0xb8;
	[tilespmem:$0x9480] =	vst v63  }
0x3a: {  	s0 =	simm.s32 @!p0 $0x2  }
0x3b: {  	_ =	swait.ge @!p0 [sflag:s0], $0x50  }
0x3c: {  	[sflag:s0] =	ssyncset.done @!p0 $0x0  }
0x3d: {  	[sflag:s0] =	ssyncadd.s32 @!p0 $0xFFFFFFB0  }
0x3e: {  	v60 =	vld [tilespmem:s30+$0xFFFFFF90];
	_ =	sdelay $0x7  }
0x3f: {  	v0 =	vld.idx.msk [tilespmem:v60+s14+$0x0], $0xffff;
	_ =	sdelay $0x4  }
0x40: {  	[tilespmem:$0x9000] =	vst v0  }
0x41: {  	v0 =	vld [tilespmem:s30+$0xFFFFFFA0];
	_ =	sdelay $0x7  }
0x42: {  	v0 =	vld.idx.msk [tilespmem:v0+s14+$0x0], $0xffff;
	_ =	sdelay $0x4  }
0x43: {  	[tilespmem:$0x9010] =	vst v0  }
0x44: {  	v0 =	vld [tilespmem:s30+$0xFFFFFFB0];
	_ =	sdelay $0x7  }
0x45: {  	v0 =	vld.idx.msk [tilespmem:v0+s14+$0x0], $0xffff;
	_ =	sdelay $0x4  }
0x46: {  	[tilespmem:$0x9020] =	vst v0  }
0x47: {  	v0 =	vld [tilespmem:s30+$0xFFFFFFC0];
	_ =	sdelay $0x7  }
0x48: {  	v0 =	vld.idx.msk [tilespmem:v0+s14+$0x0], $0xffff;
	_ =	sdelay $0x4  }
0x49: {  	[tilespmem:$0x9030] =	vst v0  }
0x4a: {  	v0 =	vld [tilespmem:s30+$0xFFFFFFD0];
	_ =	sdelay $0x7  }
0x4b: {  	v0 =	vld.idx.msk [tilespmem:v0+s14+$0x0], $0xffff;
	_ =	sdelay $0x4  }
0x4c: {  	s0 =	sadd.s32 $0x2800, s1;
	[tilespmem:$0x9040] =	vst v0  }
0x4d: {  	[spmem:s2] =	stream.indirect.scatter.add.f32 [tilespmem:s17], [sflag:$0x2], $0x1, s0, s15, $0xb8;
	[tilespmem:$0x9480] =	vst v63  }
0x4e: {  	s0 =	simm.s32 @!p0 $0x3  }
0x4f: {  	_ =	swait.ge @!p0 [sflag:s0], $0x50  }
0x50: {  	[sflag:s0] =	ssyncset.done @!p0 $0x0  }
0x51: {  	[sflag:s0] =	ssyncadd.s32 @!p0 $0xFFFFFFB0  }
0x52: {  	v61 =	vld [tilespmem:s30+$0xFFFFFFE0];
	_ =	sdelay $0x7  }
0x53: {  	v0 =	vld.idx.msk [tilespmem:v61+s14+$0x0], $0xffff;
	_ =	sdelay $0x4  }
0x54: {  	[tilespmem:$0x9080] =	vst v0  }
0x55: {  	v0 =	vld [tilespmem:s30+$0xFFFFFFF0];
	_ =	sdelay $0x7  }
0x56: {  	v0 =	vld.idx.msk [tilespmem:v0+s14+$0x0], $0xffff;
	_ =	sdelay $0x4  }
0x57: {  	[tilespmem:$0x9090] =	vst v0  }
0x58: {  	v0 =	vld [tilespmem:s30+$0x0];
	_ =	sdelay $0x7  }
0x59: {  	v0 =	vld.idx.msk [tilespmem:v0+s14+$0x0], $0xffff;
	_ =	sdelay $0x4  }
0x5a: {  	[tilespmem:$0x90A0] =	vst v0  }
0x5b: {  	v0 =	vld [tilespmem:s30+$0x10];
	_ =	sdelay $0x7  }
0x5c: {  	v0 =	vld.idx.msk [tilespmem:v0+s14+$0x0], $0xffff;
	_ =	sdelay $0x4  }
0x5d: {  	[tilespmem:$0x90B0] =	vst v0  }
0x5e: {  	v0 =	vld [tilespmem:s30+$0x20];
	_ =	sdelay $0x7  }
0x5f: {  	v0 =	vld.idx.msk [tilespmem:v0+s14+$0x0], $0xffff;
	_ =	sdelay $0x4  }
0x60: {  	s0 =	sadd.s32 $0x2880, s1;
	[tilespmem:$0x90C0] =	vst v0  }
0x61: {  	[spmem:s2] =	stream.indirect.scatter.add.f32 [tilespmem:s18], [sflag:$0x3], $0x1, s0, s15, $0xb8;
	[tilespmem:$0x9480] =	vst v63  }
0x62: {  	s0 =	simm.s32 @!p0 $0x4  }
0x63: {  	_ =	swait.ge @!p0 [sflag:s0], $0x50  }
0x64: {  	[sflag:s0] =	ssyncset.done @!p0 $0x0  }
0x65: {  	[sflag:s0] =	ssyncadd.s32 @!p0 $0xFFFFFFB0  }
0x66: {  	v62 =	vld [tilespmem:s30+$0x30];
	_ =	sdelay $0x7  }
0x67: {  	v0 =	vld.idx.msk [tilespmem:v62+s14+$0x0], $0xffff;
	_ =	sdelay $0x4  }
0x68: {  	[tilespmem:$0x9100] =	vst v0  }
0x69: {  	v0 =	vld [tilespmem:s30+$0x40];
	_ =	sdelay $0x7  }
0x6a: {  	v0 =	vld.idx.msk [tilespmem:v0+s14+$0x0], $0xffff;
	_ =	sdelay $0x4  }
0x6b: {  	[tilespmem:$0x9110] =	vst v0  }
0x6c: {  	v0 =	vld [tilespmem:s30+$0x50];
	_ =	sdelay $0x7  }
0x6d: {  	v0 =	vld.idx.msk [tilespmem:v0+s14+$0x0], $0xffff;
	_ =	sdelay $0x4  }
0x6e: {  	[tilespmem:$0x9120] =	vst v0  }
0x6f: {  	v0 =	vld [tilespmem:s30+$0x60];
	_ =	sdelay $0x7  }
0x70: {  	v0 =	vld.idx.msk [tilespmem:v0+s14+$0x0], $0xffff;
	_ =	sdelay $0x4  }
0x71: {  	[tilespmem:$0x9130] =	vst v0  }
0x72: {  	v0 =	vld [tilespmem:s30+$0x70];
	_ =	sdelay $0x7  }
0x73: {  	v0 =	vld.idx.msk [tilespmem:v0+s14+$0x0], $0xffff;
	_ =	sdelay $0x4  }
0x74: {  	s0 =	sadd.s32 $0x2900, s1;
	[tilespmem:$0x9140] =	vst v0  }
0x75: {  	[spmem:s2] =	stream.indirect.scatter.add.f32 [tilespmem:s19], [sflag:$0x4], $0x1, s0, s15, $0xb8;
	[tilespmem:$0x9480] =	vst v63  }
0x76: {  	s0 =	simm.s32 @!p0 $0x5  }
0x77: {  	_ =	swait.ge @!p0 [sflag:s0], $0x50  }
0x78: {  	[sflag:s0] =	ssyncset.done @!p0 $0x0  }
0x79: {  	[sflag:s0] =	ssyncadd.s32 @!p0 $0xFFFFFFB0  }
0x7a: {  	v63 =	vld [tilespmem:s30+$0x80];
	_ =	sdelay $0x7  }
0x7b: {  	v0 =	vld.idx.msk [tilespmem:v63+s14+$0x0], $0xffff;
	_ =	sdelay $0x4  }
0x7c: {  	[tilespmem:$0x9180] =	vst v0  }
0x7d: {  	v0 =	vld [tilespmem:s30+$0x90];
	_ =	sdelay $0x7  }
0x7e: {  	v0 =	vld.idx.msk [tilespmem:v0+s14+$0x0], $0xffff;
	_ =	sdelay $0x4  }
0x7f: {  	[tilespmem:$0x9190] =	vst v0  }
0x80: {  	v0 =	vld [tilespmem:s30+$0xA0];
	_ =	sdelay $0x7  }
0x81: {  	v0 =	vld.idx.msk [tilespmem:v0+s14+$0x0], $0xffff;
	_ =	sdelay $0x4  }
0x82: {  	[tilespmem:$0x91A0] =	vst v0  }
0x83: {  	v0 =	vld [tilespmem:s30+$0xB0];
	_ =	sdelay $0x7  }
0x84: {  	v0 =	vld.idx.msk [tilespmem:v0+s14+$0x0], $0xffff;
	_ =	sdelay $0x4  }
0x85: {  	[tilespmem:$0x91B0] =	vst v0  }
0x86: {  	v0 =	vld [tilespmem:s30+$0xC0];
	_ =	sdelay $0x7  }
0x87: {  	s31 =	sadd.s32 $0xA00, s31;
	v0 =	vld.idx.msk [tilespmem:v0+s14+$0x0], $0xffff  }
0x88: {  	p0 =	sne.s32 s31, $0xFA00  }
.Ltmp0:
0x89: {  	_ = 	snop;
	(pc) =	sbr.rel @p0 .LBB2_2-.Ltmp0, $3  }
0x8a: {  	_ =	sdelay $0x1  }
0x8b: {  	s1 =	sadd.s32 $0x2980, s1;
	s30 =	sadd.s32 $0x190, s30;
	[tilespmem:$0x91C0] =	vst v0  }
0x8c: {  	[spmem:s2] =	stream.indirect.scatter.add.f32 [tilespmem:s20], [sflag:$0x5], $0x1, s1, s15, $0xb8;
	[tilespmem:$0x9480] =	vst v63  }
0x8d: {  	_ =	swait.ge [sflag:s21], $0x50  }
0x8e: {  	[sflag:s21] =	ssyncset.done $0x0  }
0x8f: {  	[sflag:s21] =	ssyncadd.s32 $0xFFFFFFB0  }
0x90: {  	_ =	swait.ge [sflag:s22], $0x50  }
0x91: {  	[sflag:s22] =	ssyncset.done $0x0  }
0x92: {  	[sflag:s22] =	ssyncadd.s32 $0xFFFFFFB0  }
0x93: {  	_ =	swait.ge [sflag:s23], $0x50  }
0x94: {  	[sflag:s23] =	ssyncset.done $0x0  }
0x95: {  	[sflag:s23] =	ssyncadd.s32 $0xFFFFFFB0  }
0x96: {  	_ =	swait.ge [sflag:s24], $0x50  }
0x97: {  	[sflag:s24] =	ssyncset.done $0x0  }
0x98: {  	[sflag:s24] =	ssyncadd.s32 $0xFFFFFFB0  }
0x99: {  	_ =	swait.ge [sflag:s25], $0x50  }
0x9a: {  	s29 =	sadd.s32 $0x1, s29;
	[sflag:s25] =	ssyncset.done $0x0  }
0x9b: {  	p0 =	sne.s32 s29, s10;
	[sflag:s25] =	ssyncadd.s32 $0xFFFFFFB0  }
.Ltmp1:
0x9c: {  	[bflag:$0x0] =	sbarrier.arrive $0xFFFF;
	(pc) =	sbr.rel @p0 .LBB2_1-.Ltmp1, $4  }
0x9d: {  	[hbm:s9@s26], [sflag:s6] =	dma.strided [spmem:s11@s28], $0x50, s21, $0x10   }
0x9e: {  	_ =	swait.ge [sflag:s12], $0x50  }
0x9f: {  	[sflag:s12] =	ssyncset.done $0x0  }
0xa0: {  	[sflag:s12] =	ssyncadd.s32 $0xFFFFFFB0  }
0xa1: {  	_ =	sfence.sel $0x180000  }
0xa2: {  	[bflag:$0x0] =	sbarrier.arrive $0xFFFF  }
0xa3: {  	_ =	strace $0x9000004D  }
0xa4: {  	s0 =	stileid.u32;
	[bflag:$0x2] =	sbarrier.arrive $0xFFFF  }
0xa5: {  	p0 =	sne.s32 s0, $0x0;
	s0 =	rddreg [dreg:$0x2]  }
0xa6: {  	s0 =	sadd.s32 @!p0 $0x100000, s0  }
0xa7: {  	[sflag:s0] =	ssyncadd.tile.s32 @!p0 $0x1;
	_ =	shalt  }
.Lfunc_end2:
_tile_overlayer_lowered:
.L_overlay_start_2:
0xa8: {  	(tag) =	ssettag $0x2  }
0xa9: {  	s0 =	rddreg [dreg:$0x0];
	s2 =	stileid.u32  }
0xaa: {  	s1 =	rddreg [dreg:$0x1];
	p0 =	sne.s32 s2, $0x0  }
0xab: {  	s3 =	rddreg [dreg:$0x2];
	[bflag:$0x3] =	sbarrier.arrive $0xFFFF;
	s2 =	simm.s32 @!p0 $0x1C06  }
0xac: {  	[timem:s3], [sflag:s2] =	dma.local @!p0 [hbm:s0], s1  }
0xad: {  	s0 =	simm.s32 @!p0 $0x6  }
0xae: {  	_ =	swait.ge @!p0 [sflag:s0], s1  }
0xaf: {  	s1 =	ssub.s32 @!p0 $0x0, s1;
	[sflag:s0] =	ssyncset.done @!p0 $0x0  }
0xb0: {  	[sflag:s0] =	ssyncadd.s32 @!p0 s1  }
0xb1: {  	[bflag:$0x3] =	sbarrier.arrive $0xFFFF  }
0xb2: {  	_ =	shalt  }

// kernel: kernel.8.cloned.1.call-start
scs
__scs_entry_jumppad:
0x0: {  	(pc) =	sbr.rel $0x88, $3  }
0x1: {  	(tag) =	ssettag $0x0;
	lr =	simm.s32 $0x1  }
0x2: {  	[smem:$0x3F99] =	sst lr;
	_ =	strace $0xD0000000  }
0x3: {  	_ = 	snop  }
0x4: {  	_ = 	snop  }
0x5: {  	_ = 	snop  }
0x6: {  	_ = 	snop  }
0x7: {  	_ = 	snop  }
__scs_overlays_trampoline_lowered:
0x8: {  	[smem:$0x3FA8] =	sst s0  }
0x9: {  	[smem:$0x3FA9] =	sst s1  }
0xa: {  	[smem:$0x3FAA] =	sst s2  }
0xb: {  	[smem:$0x3FAB] =	sst s3  }
0xc: {  	[smem:$0x3FAC] =	sst s4  }
0xd: {  	[smem:$0x3FAD] =	sst s5  }
0xe: {  	[smem:$0x3FAE] =	sst s6  }
0xf: {  	[smem:$0x3FAF] =	sst s7  }
0x10: {  	[smem:$0x3FB0] =	sst s8  }
0x11: {  	[smem:$0x3FB1] =	sst s9;
	s0 =	simm.s32 @!p0 $0x0  }
0x12: {  	s1 =	sld [smem:$0x3F97];
	s0 =	simm.s32 @p0 $0x1  }
0x13: {  	[smem:$0x3FB2] =	sst s0;
	s0 =	simm.s32 @!p1 $0x0  }
0x14: {  	s2 =	sld [smem:$0x3F96];
	s0 =	simm.s32 @p1 $0x1  }
0x15: {  	[smem:$0x3FB3] =	sst s0;
	s0 =	simm.s32 @!p2 $0x0  }
0x16: {  	s3 =	sld [smem:$0x3FDB];
	s0 =	simm.s32 @p2 $0x1  }
0x17: {  	s4 =	simm.s32 $0x1BF5;
	[smem:$0x3FB5] =	sst s0  }
0x18: {  	s0 =	sld [smem:$0x3F98];
	_ =	swait.ge [sflag:s4], $0x0  }
0x19: {  	s7 =	sld [smem:$0x3F99]  }
0x1a: {  	s8 =	sadd.s32 $0xFFFFE003, lr  }
0x1b: {  	s9 =	sadd.s32 $0xFFFFFEF7, lr;
	s5 =	simm.s32 $0xFFFFFFFF;
	p2 =	slt.u32 s8, $0xFFFFF086  }
0x1c: {  	p1 =	slt.u32 s9, $0xF7A;
	s5 =	simm.s32 @!p2 $0x0  }
0x1d: {  	s5 =	simm.s32 @p1 $0x1;
	p0 =	seq.s32 s7, s2  }
0x1e: {  	s7 =	smul.u32 @!p0 $0xF7A, s2;
	p2 =	seq.s32 @!p0 s5, $0x0  }
0x1f: {  	s9 =	smul.u32 $0xF7A, s1;
	s8 =	simm.s32 @!p0 $0x1BF5;
	p2 =	por !p2, p0  }
0x20: {  	[sflag:s8] =	ssyncset.s32 @!p0 $0xFFFFF086;
	s6 =	sadd.s32 @!p0 s3, s7;
	s7 =	simm.s32 @!p0 $0x108  }
0x21: {  	s3 =	sadd.s32 s3, s9;
	s6 =	sadd.s32 @!p0 $0x88, s6;
	s7 =	simm.s32 @p2 $0x1082  }
0x22: {  	[simem:s7], [sflag:s8] =	dma.local @!p0 [hbm:s6], $0xF7A  }
0x23: {  	s9 =	sor.u32 $0xD0000000, s2;
	s6 =	simm.s32 $0x108;
	_ =	swait.ge @!p0 [sflag:s8], $0x0  }
0x24: {  	s3 =	sadd.s32 $0x88, s3;
	s6 =	simm.s32 @!p1 $0x1082;
	[sflag:s4] =	ssyncset.s32 $0xFFFFF086  }
0x25: {  	[simem:s6], [sflag:s4] =	dma.local [hbm:s3], $0xF7A  }
0x26: {  	[smem:$0x3F99] =	sst s1;
	(tag) =	ssettag s2;
	_ =	strace s9  }
0x27: {  	s1 =	sld [smem:$0x3FA9]  }
0x28: {  	s2 =	sld [smem:$0x3FAA]  }
0x29: {  	s4 =	sld [smem:$0x3FAC]  }
0x2a: {  	p0 =	seq.s32 s5, $0x0;
	s5 =	sld [smem:$0x3FAD]  }
0x2b: {  	s6 =	sld [smem:$0x3FAE]  }
0x2c: {  	s7 =	sld [smem:$0x3FAF]  }
0x2d: {  	s3 =	simm.s32 $0x108;
	s8 =	sld [smem:$0x3FB0]  }
0x2e: {  	s3 =	simm.s32 @!p0 $0x1082;
	s9 =	sld [smem:$0x3FB1]  }
0x2f: {  	lr =	sadd.s32 s0, s3;
	s0 =	sld [smem:$0x3FA8]  }
0x30: {  	s3 =	sld [smem:$0x3FAB]  }
0x31: {  	[smem:$0x3FB4] =	sst s10  }
0x32: {  	s10 =	sld [smem:$0x3FB2];
	_ =	sdelay $0x3  }
0x33: {  	p0 =	seq.s32 s10, $0x1;
	s10 =	sld [smem:$0x3FB4];
	_ =	sdelay $0x3  }
0x34: {  	[smem:$0x3FB4] =	sst s10  }
0x35: {  	s10 =	sld [smem:$0x3FB3];
	_ =	sdelay $0x3  }
0x36: {  	p1 =	seq.s32 s10, $0x1;
	s10 =	sld [smem:$0x3FB4];
	_ =	sdelay $0x3  }
0x37: {  	[smem:$0x3FB4] =	sst s10  }
0x38: {  	s10 =	sld [smem:$0x3FB5]  }
0x39: {  	_ = 	snop;
	(pc) =	sbr.ind lr, $3  }
0x3a: {  	_ = 	snop  }
0x3b: {  	_ = 	snop  }
0x3c: {  	p2 =	seq.s32 s10, $0x1;
	s10 =	sld [smem:$0x3FB4]  }
0x3d: {  	_ =	shalt  }
0x3e: {  	_ =	shalt  }
0x3f: {  	_ =	shalt  }
0x40: {  	_ =	shalt  }
0x41: {  	_ =	shalt  }
0x42: {  	_ =	shalt  }
0x43: {  	_ =	shalt  }
0x44: {  	_ =	shalt  }
0x45: {  	_ =	shalt  }
0x46: {  	_ =	shalt  }
0x47: {  	_ =	shalt  }
0x48: {  	_ =	shalt  }
0x49: {  	_ =	shalt  }
0x4a: {  	_ =	shalt  }
0x4b: {  	_ =	shalt  }
0x4c: {  	_ =	shalt  }
0x4d: {  	_ =	shalt  }
0x4e: {  	_ =	shalt  }
0x4f: {  	_ =	shalt  }
0x50: {  	_ =	shalt  }
0x51: {  	_ =	shalt  }
0x52: {  	_ =	shalt  }
0x53: {  	_ =	shalt  }
0x54: {  	_ =	shalt  }
0x55: {  	_ =	shalt  }
0x56: {  	_ =	shalt  }
0x57: {  	_ =	shalt  }
0x58: {  	_ =	shalt  }
0x59: {  	_ =	shalt  }
0x5a: {  	_ =	shalt  }
0x5b: {  	_ =	shalt  }
0x5c: {  	_ =	shalt  }
0x5d: {  	_ =	shalt  }
0x5e: {  	_ =	shalt  }
0x5f: {  	_ =	shalt  }
0x60: {  	_ =	shalt  }
0x61: {  	_ =	shalt  }
0x62: {  	_ =	shalt  }
0x63: {  	_ =	shalt  }
0x64: {  	_ =	shalt  }
0x65: {  	_ =	shalt  }
0x66: {  	_ =	shalt  }
0x67: {  	_ =	shalt  }
0x68: {  	_ =	shalt  }
0x69: {  	_ =	shalt  }
0x6a: {  	_ =	shalt  }
0x6b: {  	_ =	shalt  }
0x6c: {  	_ =	shalt  }
0x6d: {  	_ =	shalt  }
0x6e: {  	_ =	shalt  }
0x6f: {  	_ =	shalt  }
0x70: {  	_ =	shalt  }
0x71: {  	_ =	shalt  }
0x72: {  	_ =	shalt  }
0x73: {  	_ =	shalt  }
0x74: {  	_ =	shalt  }
0x75: {  	_ =	shalt  }
0x76: {  	_ =	shalt  }
0x77: {  	_ =	shalt  }
0x78: {  	_ =	shalt  }
0x79: {  	_ =	shalt  }
0x7a: {  	_ =	shalt  }
0x7b: {  	_ =	shalt  }
0x7c: {  	_ =	shalt  }
0x7d: {  	_ =	shalt  }
0x7e: {  	_ =	shalt  }
0x7f: {  	_ =	shalt  }
0x80: {  	_ =	shalt  }
0x81: {  	_ =	shalt  }
0x82: {  	_ =	shalt  }
0x83: {  	_ =	shalt  }
0x84: {  	_ =	shalt  }
0x85: {  	_ =	shalt  }
0x86: {  	_ =	shalt  }
0x87: {  	_ =	shalt  }
.Lfunc_end0:
.L_simem_size_0:
called_computation_lowered:
.L_overlay_start_0:
0x88: {  	s2 =	sld [smem:$0x3FD9]  }
0x89: {  	s3 =	sld [smem:$0x3FFE];
	_ =	sdelay $0x1  }
0x8a: {  	s1 =	srdreg.scid  }
0x8b: {  	s0 =	sand.u32 $0x1, s1  }
0x8c: {  	s16 =	sshll.u32 s0, $0xA;
	s2 =	sadd.s32 s3, s2  }
0x8d: {  	s2 =	sadd.s32 s2, s16  }
0x8e: {  	[smem:$0x3FC0] =	sst s2  }
0x8f: {  	_ = 	snop  }
0x90: {  	(tm) =	ssettm $0x1  }
0x91: {  	s17 =	sld [smem:$0x3FFB];
	_ =	sdelay $0x3  }
0x92: {  	_ =	strace s17  }
0x93: {  	s2 =	sld [smem:$0x3FFC];
	_ =	sdelay $0x3  }
0x94: {  	_ =	strace s2  }
0x95: {  	s2 =	sld [smem:$0x3FFD];
	_ =	sdelay $0x3  }
0x96: {  	_ =	strace s2  }
0x97: {  	_ =	strace $0x8FFFFFFF  }
0x98: {  	s18 =	sld [smem:$0x3FDB];
	_ =	sdelay $0x1  }
0x99: {  	s19 =	simm.s32 $_scs_section_size  }
0x9a: {  	s4 =	simm.s32 $_size__tile_overlayer_lowered;
	s5 =	simm.s32 $_tile_overlayer_lowered  }
0x9b: {  	s22 =	simm.s32 $0x1BFF;
	s21 =	sshll.u32 s5, $0x1;
	s2 =	sadd.s32 s19, s18  }
0x9c: {  	s6 =	simm.s32 $0x0;
	s20 =	sshll.u32 s4, $0x1;
	s4 =	sadd.s32 s21, s2  }
0x9d: {  	[timem:s6], [sflag:s22] =	dma.local [hbm:s4], s20  }
0x9e: {  	_ =	swait.ge [sflag:s22], s20  }
0x9f: {  	s3 =	ssub.s32 $0x0, s20;
	[sflag:s22] =	ssyncset.done $0x0  }
0xa0: {  	[sflag:s22] =	ssyncadd.s32 s3;
	_ =	sdelay $0x1  }
0xa1: {  	s23 =	simm.s32 $0x1B8B  }
0xa2: {  	_ =	swait.ge [sflag:s23], $0x1  }
0xa3: {  	[sflag:s23] =	ssyncset.done $0x0  }
0xa4: {  	s25 =	simm.s32 $0x1B8E;
	s24 =	sld [smem:$0x3FFE];
	[sflag:s23] =	ssyncadd.s32 $0xFFFFFFFF  }
0xa5: {  	s26 =	simm.s32 $execute0_lowered;
	[smem:$0x3FD2] =	sst s25  }
0xa6: {  	s4 =	sshll.u32 s26, $0x1;
	_ =	strace $0x80000046;
	[dreg:$0x1] =	wrdreg $0xFFFFFFFF  }
0xa7: {  	s28 =	simm.s32 $_size_execute0_lowered;
	s2 =	sadd.s32 s2, s4;
	[dreg:$0x0] =	wrdreg $0x0  }
0xa8: {  	s4 =	sshll.u32 s28, $0x1;
	[dreg:$0x2] =	wrdreg s2  }
0xa9: {  	[dreg:$0x3] =	wrdreg s4  }
0xaa: {  	[dreg:$0x4] =	wrdreg $0xC0  }
0xab: {  	_ =	task [dreg:s6], $0x5FFFF  }
0xac: {  	[dreg:$0x1] =	wrdreg $0xFFFFFFFF  }
0xad: {  	[dreg:$0x0] =	wrdreg $0x60  }
0xae: {  	[dreg:$0x2] =	wrdreg s24  }
0xaf: {  	[dreg:$0x3] =	wrdreg $0x40800  }
0xb0: {  	[dreg:$0x4] =	wrdreg $0x9  }
0xb1: {  	_ =	task.clear_ibuf [dreg:s6], $0x5FFFF;
	_ =	strace $0x90000046  }
0xb2: {  	s29 =	simm.s32 $0x9;
	_ =	strace $0x80000048  }
0xb3: {  	_ =	swait.ge [sflag:s29], $0x1  }
0xb4: {  	[sflag:s29] =	ssyncadd.s32 $0xFFFFFFFF  }
0xb5: {  	_ =	strace $0x90000048  }
0xb6: {  	_ =	sfence  }
0xb7: {  	s30 =	sld [smem:$0x0];
	_ =	sdelay $0x2  }
0xb8: {  	s31 =	sshll.u32 s1, $0xD;
	s1 =	sshrl.u32 s1, $0x2  }
0xb9: {  	s3 =	sand.u32 $0x4000, s31;
	s1 =	sadd.s32 s1, s30  }
0xba: {  	s0 =	sor.u32 s3, s0;
	s1 =	sshll.u32 s1, $0x11  }
0xbb: {  	s0 =	sor.u32 s1, s0  }
0xbc: {  	s0 =	sadd.s32 $0x8F2B, s0  }
0xbd: {  	[sflag:s0] =	ssyncadd.remote.s32 $0x1  }
0xbe: {  	_ =	sfence.sel $0xFFFF  }
0xbf: {  	[dreg:$0x0] =	wrdreg $0xFFFFFFFF;
	(pc) =	sbr.abs _section_cstart, $3  }
0xc0: {  	[dreg:$0x1] =	wrdreg $0xFFFFFFFF  }
0xc1: {  	_ =	task.clear_ibuf [dreg:s6], $0x2FFFF;
	_ =	strace $0x9FFFFFFF  }
0xc2: {  	(tm) =	ssettm $0x7FFFFFFF  }
0xc3: {  	_ =	shalt  }
tec
execute0_lowered:
.L_overlay_start_1:
0x0: {  	(tag) =	ssettag $0x1  }
0x1: {  	s4 =	rddreg [dreg:$0x0]  }
0x2: {  	s2 =	rddreg [dreg:$0x1]  }
0x3: {  	s0 =	rddreg [dreg:$0x2];
	s3 =	simm.s32 $0x0  }
0x4: {  	s1 =	stileid.u32;
	s5 =	srdreg.scid;
	s13 =	simm.s32 $0x80  }
0x5: {  	s14 =	simm.s32 $0x100;
	s15 =	simm.s32 $0x180;
	s16 =	simm.s32 $0x200  }
0x6: {  	s17 =	simm.s32 $0x1;
	s18 =	simm.s32 $0x20;
	s19 =	simm.s32 $0x10  }
0x7: {  	s20 =	simm.s32 $0x0;
	[smem:$0x7FF] =	sst s3;
	s6 =	smul.u32 $0x500, s1  }
0x8: {  	s5 =	sand.u32 $0x1, s5;
	s7 =	sshll.u32 s1, $0xB;
	s8 =	smul.u32 $0x280, s1  }
0x9: {  	s29 =	sshll.u32 s1, $0x6;
	_ =	strace $0x80000047;
	s9 =	sshll.u32 s5, $0x7  }
0xa: {  	s7 =	sadd.s32 s7, s4;
	s26 =	ssub.s32 $0x2, s5;
	s30 =	sshll.u32 s5, $0xF  }
0xb: {  	s5 =	sor.u32 $0x1C02, s29;
	s6 =	sor.u32 s9, s6;
	s10 =	sshrl.u32 s8, $0x3  }
0xc: {  	s11 =	sshrl.u32 s26, $0x1;
	s28 =	sadd.s32 s8, s2;
	s31 =	sadd.s32 s30, s7  }
0xd: {  	s6 =	sshrl.u32 s6, $0x3;
	s10 =	sadd.s32 s10, s4;
	s9 =	ssub.s32 s26, s11  }
0xe: {  	s11 =	simm.s32 $0x50;
	s12 =	sadd.s32 s6, s4;
	s4 =	sadd.s32 $0x1B600, s10  }
0xf: {  	s6 =	sadd.s32 $0xB600, s31;
	s8 =	smax.u32 s9, $0x1;
	s9 =	sshrl.u32 s28, $0x3  }
0x10: {  	v0 =	vimm.f32 $1.000000000e+00;
	s10 =	simm.s32 $0x2;
	s7 =	sadd.s32 $0x1BC00, s12;
	s12 =	simm.s32 $0x4000  }
.LBB2_1:
0x11: {  	[spmem:s9], [sflag:s5] =	dma.local [hbm:s4], $0x50  }
0x12: {  	_ =	swait.ge [sflag:s10], $0x50  }
0x13: {  	[sflag:s10] =	ssyncset.done $0x0  }
0x14: {  	[sflag:s10] =	ssyncadd.s32 $0xFFFFFFB0  }
0x15: {  	[tilespmem:s3], [sflag:$0x2] =	stream.linear.gather [hbm4b:s6+s3], $0x3E80, $0x38;
	[tilespmem:$0x4300] =	vst v63  }
0x16: {  	_ =	swait.ge [sflag:s10], $0x3E80  }
0x17: {  	[sflag:s10] =	ssyncset.done $0x0  }
0x18: {  	[sflag:s10] =	ssyncadd.s32 $0xFFFFC180  }
0x19: {  	[tilespmem:$0x4000] =	vst v0  }
0x1a: {  	[tilespmem:$0x4010] =	vst v0  }
0x1b: {  	[tilespmem:$0x4020] =	vst v0  }
0x1c: {  	[tilespmem:$0x4030] =	vst v0  }
0x1d: {  	[tilespmem:$0x4040] =	vst v0  }
0x1e: {  	[bflag:$0x0] =	sbarrier.arrive $0xFFFF  }
0x1f: {  	[spmem:s2] =	stream.indirect.scatter.add.f32 [tilespmem:s12], [sflag:$0x1], $0x1, s3, s11, $0xb8;
	[tilespmem:$0x4300] =	vst v63  }
0x20: {  	_ = 	snop  }
0x21: {  	[spmem:s2] =	stream.indirect.scatter.add.f32 [tilespmem:s12], [sflag:$0x1], $0x1, s13, s11, $0xb8;
	[tilespmem:$0x4300] =	vst v63  }
0x22: {  	_ = 	snop  }
0x23: {  	[spmem:s2] =	stream.indirect.scatter.add.f32 [tilespmem:s12], [sflag:$0x1], $0x1, s14, s11, $0xb8;
	[tilespmem:$0x4300] =	vst v63  }
0x24: {  	_ = 	snop  }
0x25: {  	[spmem:s2] =	stream.indirect.scatter.add.f32 [tilespmem:s12], [sflag:$0x1], $0x1, s15, s11, $0xb8;
	[tilespmem:$0x4300] =	vst v63  }
0x26: {  	_ = 	snop  }
0x27: {  	[spmem:s2] =	stream.indirect.scatter.add.f32 [tilespmem:s12], [sflag:$0x1], $0x1, s16, s11, $0xb8;
	[tilespmem:$0x4300] =	vst v63  }
0x28: {  	s21 =	simm.s32 $0x280  }
0x29: {  	[spmem:s2] =	stream.indirect.scatter.add.f32 [tilespmem:s12], [sflag:$0x1], $0x1, s21, s11, $0xb8;
	[tilespmem:$0x4300] =	vst v63  }
0x2a: {  	_ =	swait.ge [sflag:s17], $0x50  }
0x2b: {  	s21 =	simm.s32 $0xC00;
	[sflag:s17] =	ssyncset.done $0x0  }
.LBB2_2:
0x2c: {  	s22 =	sshra.s32 s21, $0x2;
	[sflag:s17] =	ssyncadd.s32 $0xFFFFFFB0;
	p0 =	sne.s32 s21, $0xF800  }
0x2d: {  	[spmem:s2] =	stream.indirect.scatter.add.f32 [tilespmem:s12], [sflag:$0x1], $0x1, s22, s11, $0xb8;
	[tilespmem:$0x4300] =	vst v63  }
.Ltmp0:
0x2e: {  	_ = 	snop;
	(pc) =	sbr.rel @p0 .LBB2_2-.Ltmp0, $4  }
0x2f: {  	_ = 	snop  }
0x30: {  	s21 =	sadd.s32 $0x200, s21  }
0x31: {  	_ =	swait.ge [sflag:s17], $0x50  }
0x32: {  	[sflag:s17] =	ssyncset.done $0x0  }
0x33: {  	[sflag:s17] =	ssyncadd.s32 $0xFFFFFFB0  }
0x34: {  	_ =	swait.ge [sflag:s17], $0x50  }
0x35: {  	[sflag:s17] =	ssyncset.done $0x0  }
0x36: {  	[sflag:s17] =	ssyncadd.s32 $0xFFFFFFB0  }
0x37: {  	_ =	swait.ge [sflag:s17], $0x50  }
0x38: {  	[sflag:s17] =	ssyncset.done $0x0  }
0x39: {  	[sflag:s17] =	ssyncadd.s32 $0xFFFFFFB0  }
0x3a: {  	_ =	swait.ge [sflag:s17], $0x50  }
0x3b: {  	[sflag:s17] =	ssyncset.done $0x0  }
0x3c: {  	[sflag:s17] =	ssyncadd.s32 $0xFFFFFFB0  }
0x3d: {  	_ =	swait.ge [sflag:s17], $0x50  }
0x3e: {  	[sflag:s17] =	ssyncset.done $0x0  }
0x3f: {  	[sflag:s17] =	ssyncadd.s32 $0xFFFFFFB0  }
0x40: {  	_ =	swait.ge [sflag:s17], $0x50  }
0x41: {  	s20 =	sadd.s32 $0x1, s20;
	[sflag:s17] =	ssyncset.done $0x0  }
0x42: {  	p0 =	sne.s32 s20, s8;
	[sflag:s17] =	ssyncadd.s32 $0xFFFFFFB0  }
.Ltmp1:
0x43: {  	[bflag:$0x0] =	sbarrier.arrive $0xFFFF;
	(pc) =	sbr.rel @p0 .LBB2_1-.Ltmp1, $4  }
0x44: {  	[hbm:s7@s18], [sflag:s5] =	dma.strided [spmem:s9@s19], $0x50, s17, $0x10   }
0x45: {  	_ =	swait.ge [sflag:s10], $0x50  }
0x46: {  	[sflag:s10] =	ssyncset.done $0x0  }
0x47: {  	[sflag:s10] =	ssyncadd.s32 $0xFFFFFFB0  }
0x48: {  	_ =	sfence.sel $0x180000  }
0x49: {  	[bflag:$0x0] =	sbarrier.arrive $0xFFFF  }
0x4a: {  	p0 =	sne.s32 s1, $0x0;
	_ =	strace $0x90000047  }
0x4b: {  	s0 =	sadd.s32 @!p0 $0x100000, s0;
	[bflag:$0x2] =	sbarrier.arrive $0xFFFF  }
0x4c: {  	[sflag:s0] =	ssyncadd.tile.s32 @!p0 $0x1;
	_ =	shalt  }
.Lfunc_end2:
_tile_overlayer_lowered:
.L_overlay_start_2:
0x4d: {  	(tag) =	ssettag $0x2  }
0x4e: {  	s0 =	rddreg [dreg:$0x0];
	s2 =	stileid.u32  }
0x4f: {  	s1 =	rddreg [dreg:$0x1];
	p0 =	sne.s32 s2, $0x0  }
0x50: {  	s3 =	rddreg [dreg:$0x2];
	[bflag:$0x3] =	sbarrier.arrive $0xFFFF;
	s2 =	simm.s32 @!p0 $0x1C02  }
0x51: {  	[timem:s3], [sflag:s2] =	dma.local @!p0 [hbm:s0], s1  }
0x52: {  	s0 =	simm.s32 @!p0 $0x2  }
0x53: {  	_ =	swait.ge @!p0 [sflag:s0], s1  }
0x54: {  	s1 =	ssub.s32 @!p0 $0x0, s1;
	[sflag:s0] =	ssyncset.done @!p0 $0x0  }
0x55: {  	[sflag:s0] =	ssyncadd.s32 @!p0 s1  }
0x56: {  	[bflag:$0x3] =	sbarrier.arrive $0xFFFF  }
0x57: {  	_ =	shalt  }

</sc_bundles>
